<compile_context>
chip_gen: v7x
topology: tpu7x:2x2x1
jax: 0.10.2.dev20260603
libtpu: 0.0.44.dev20260713+nightly
codegen_flags: <defaults>
</compile_context>

<pallas_src>
import jax
import jax.numpy as jnp
from jax import lax
from jax.experimental import pallas as pl
from jax.experimental.pallas import tpu as pltpu
from jax.experimental.pallas import tpu_sc as plsc

D_MODEL = 64
SCALE = 8.0
NC, NS = 2, 16
NW = NC * NS
ROWS = 4096 * 200
NBLK = ROWS // 128
BLK_PER_W = NBLK // NW
QUADS = BLK_PER_W // 4
NJ = 200
NI = 32
SKEW = 129


def _emb_body(table, xph, out, xall, rows0, rows1, rows2, rows3,
              wb0, wb1, wb2, wb3, gs0, gs1, gs2, gs3,
              ws0, ws1, ws2, ws3):
    wid = lax.axis_index("s") * NC + lax.axis_index("c")
    blk0 = wid * BLK_PER_W

    pltpu.sync_copy(xph.at[pl.ds(blk0, BLK_PER_W)], xall)

    iota = lax.iota(jnp.int32, 16)
    fvecs = [iota + 16 * g for g in range(4)]

    rows_bufs = (rows0, rows1, rows2, rows3)
    gsems = (gs0, gs1, gs2, gs3)
    wbs = (wb0, wb1, wb2, wb3)
    wsems = (ws0, ws1, ws2, ws3)

    def fire_block(r, rows_v, gsem):
        pltpu.async_copy(table.at[xall.at[r]], rows_v, gsem)

    for _p in range(4):
        fire_block(_p, rows_bufs[_p], gsems[_p])

    def quad_body(k, carry):
        for q in range(4):
            rows_v = rows_bufs[q]
            gsem = gsems[q]
            wb = wbs[q]
            wsem = wsems[q]
            r = 4 * k + q
            c = blk0 + r
            jb = lax.shift_right_logical(c, 8)
            ib = lax.bitwise_and(lax.shift_right_logical(c, 3), 31)
            js = lax.bitwise_and(c, 7)
            j = jb * 8 + js

            pltpu.make_async_copy(table.at[pl.ds(0, 128)], rows_v, gsem).wait()

            @pl.when(k >= 1)
            def _drain_writes():
                pltpu.make_async_copy(
                    table.at[pl.ds(0, 128)], rows_v, wsem
                ).wait()

            @plsc.parallel_loop(0, 128, unroll=4)
            def _transpose(l):
                lv = jnp.full((16,), l, jnp.int32)
                for g in range(4):
                    vals = rows_v[l, pl.ds(16 * g, 16)] * SCALE
                    plsc.store_scatter(wb, [fvecs[g], lv], vals)

            for fb in range(8):
                pltpu.async_copy(
                    wb.at[pl.ds(fb * 8, 8), pl.ds(0, 128)],
                    out.at[j, fb, ib],
                    wsem,
                )

            @pl.when(r < BLK_PER_W - 4)
            def _refill():
                fire_block(r + 4, rows_v, gsem)
        return carry

    lax.fori_loop(0, QUADS, quad_body, 0)

    for b in range(4):
        pltpu.make_async_copy(
            table.at[pl.ds(0, 128)], rows_bufs[b], wsems[b]
        ).wait()


_emb = pl.kernel(
    _emb_body,
    out_type=jax.ShapeDtypeStruct((NJ, 8, NI, 8, 128), jnp.float32),
    mesh=plsc.VectorSubcoreMesh(core_axis_name="c", subcore_axis_name="s"),
    scratch_types=[
        pltpu.VMEM((BLK_PER_W, 128), jnp.int32),
        pltpu.VMEM((128, D_MODEL), jnp.float32),
        pltpu.VMEM((128, D_MODEL), jnp.float32),
        pltpu.VMEM((128, D_MODEL), jnp.float32),
        pltpu.VMEM((128, D_MODEL), jnp.float32),
        pltpu.VMEM((D_MODEL, SKEW), jnp.float32),
        pltpu.VMEM((D_MODEL, SKEW), jnp.float32),
        pltpu.VMEM((D_MODEL, SKEW), jnp.float32),
        pltpu.VMEM((D_MODEL, SKEW), jnp.float32),
        pltpu.SemaphoreType.DMA,
        pltpu.SemaphoreType.DMA,
        pltpu.SemaphoreType.DMA,
        pltpu.SemaphoreType.DMA,
        pltpu.SemaphoreType.DMA,
        pltpu.SemaphoreType.DMA,
        pltpu.SemaphoreType.DMA,
        pltpu.SemaphoreType.DMA,
    ],
    compiler_params=pltpu.CompilerParams(
        use_tc_tiling_on_sc=False, needs_layout_passes=False
    ),
)


@jax.jit
def _run(x, table):
    xph = x.T.reshape(25, 8, NI, 128).transpose(0, 2, 1, 3).reshape(NBLK, 128)
    o = _emb(table, xph)
    o = o.transpose(2, 4, 0, 1, 3)
    return o.reshape(4096, NJ, D_MODEL)


def kernel(x, table):
    return _run(x, table)

# --- scband reference (transcript-rebuilt; emitter-appended) ---
"""Pipeline reference for scband-input-embedding-4423816314911 (READ-ONLY COPY).

The authoritative reference and input builder live on the scoring server;
editing this copy changes nothing except your own understanding.
"""

import jax, jax.numpy as jnp
import numpy as np
import math

VOCAB = 1000000
D_MODEL = 64

def setup_inputs(seed: int = 0) -> dict:
    key = jax.random.key(seed)
    k1, k2 = jax.random.split(key)
    x = jax.random.randint(k1, (4096, 200), 0, VOCAB, dtype=jnp.int64 if jax.config.jax_enable_x64 else jnp.int32)
    table = jax.random.normal(k2, (VOCAB, D_MODEL), dtype=jnp.float32)
    return {"x": x, "table": table}

def reference(x, table):
    # InputEmbedding.forward: embedding(x) * sqrt(d_model)
    emb = jnp.take(table, x, axis=0)
    return emb * math.sqrt(D_MODEL)

if __name__ == "__main__":
    import jax
    _d = setup_inputs()
    print(jax.jit(kernel)(*tuple(_d.values())))

</pallas_src>

<mosaic_0001>
#map = affine_map<(d0, d1) -> (0, 0)>
#map1 = affine_map<(d0, d1) -> (0, 0, 0, 0, 0)>
module attributes {stable_mosaic.version = 14 : i64} {
  func.func @_emb_body(%arg0: i32, %arg1: i32, %arg2: memref<1000000x64xf32, #tpu.memory_space<hbm>>, %arg3: memref<6400x128xi32, #tpu.memory_space<hbm>>, %arg4: memref<200x8x32x8x128xf32, #tpu.memory_space<hbm>>, %arg5: memref<200x128xi32, #tpu.memory_space<vmem>>, %arg6: memref<128x64xf32, #tpu.memory_space<vmem>>, %arg7: memref<128x64xf32, #tpu.memory_space<vmem>>, %arg8: memref<128x64xf32, #tpu.memory_space<vmem>>, %arg9: memref<128x64xf32, #tpu.memory_space<vmem>>, %arg10: memref<64x129xf32, #tpu.memory_space<vmem>>, %arg11: memref<64x129xf32, #tpu.memory_space<vmem>>, %arg12: memref<64x129xf32, #tpu.memory_space<vmem>>, %arg13: memref<64x129xf32, #tpu.memory_space<vmem>>, %arg14: memref<!tpu.dma_semaphore, #tpu.memory_space<semaphore_mem>>, %arg15: memref<!tpu.dma_semaphore, #tpu.memory_space<semaphore_mem>>, %arg16: memref<!tpu.dma_semaphore, #tpu.memory_space<semaphore_mem>>, %arg17: memref<!tpu.dma_semaphore, #tpu.memory_space<semaphore_mem>>, %arg18: memref<!tpu.dma_semaphore, #tpu.memory_space<semaphore_mem>>, %arg19: memref<!tpu.dma_semaphore, #tpu.memory_space<semaphore_mem>>, %arg20: memref<!tpu.dma_semaphore, #tpu.memory_space<semaphore_mem>>, %arg21: memref<!tpu.dma_semaphore, #tpu.memory_space<semaphore_mem>>) attributes {dimension_semantics = [#tpu.dimension_semantics<core_parallel>, #tpu.dimension_semantics<subcore_parallel>], iteration_bounds = array<i64: 2, 16>, scalar_prefetch = 0 : i64, scratch_operands = 17 : i64, tpu.core_type = #tpu.core_type<sc_vector_subcore>, window_params = [{transform_indices = #map}, {transform_indices = #map}, {transform_indices = #map1}]} {
    %mul3A = arith.constant 2 : i32
    %mul3A_0 = arith.muli %arg1, %mul3A : i32
    %add3A = arith.addi %mul3A_0, %arg0 : i32
    %mul3A_1 = arith.constant 200 : i32
    %mul3A_2 = arith.muli %add3A, %mul3A_1 : i32
    "tpu.region"() ({
      %run_scoped3A = tpu.sem_alloc : memref<!tpu.dma_semaphore, #tpu.memory_space<semaphore_mem>>
      %dma_start3A_70 = arith.constant 0 : i32
      %dma_start3A_71 = tpu.memref_slice %arg3[%mul3A_2, %dma_start3A_70] : memref<6400x128xi32, #tpu.memory_space<hbm>> -> memref<200x128xi32, #tpu.memory_space<hbm>>
      %dma_start3A_72 = arith.constant 0 : i32
      %dma_start3A_73 = tpu.memref_slice %arg3[%mul3A_2, %dma_start3A_72] : memref<6400x128xi32, #tpu.memory_space<hbm>> -> memref<200x128xi32, #tpu.memory_space<hbm>>
      tpu.enqueue_dma source(%dma_start3A_73 : memref<200x128xi32, #tpu.memory_space<hbm>>) target(%arg5 : memref<200x128xi32, #tpu.memory_space<vmem>>) target_semaphore(%run_scoped3A : memref<!tpu.dma_semaphore, #tpu.memory_space<semaphore_mem>>)
      %dma_wait3A_74 = arith.constant 0 : i32
      %dma_wait3A_75 = tpu.memref_slice %arg3[%mul3A_2, %dma_wait3A_74] : memref<6400x128xi32, #tpu.memory_space<hbm>> -> memref<200x128xi32, #tpu.memory_space<hbm>>
      %dma_wait3A_76 = arith.constant 0 : i32
      %dma_wait3A_77 = tpu.memref_slice %arg3[%mul3A_2, %dma_wait3A_76] : memref<6400x128xi32, #tpu.memory_space<hbm>> -> memref<200x128xi32, #tpu.memory_space<hbm>>
      tpu.wait_dma2 semaphore(%run_scoped3A : memref<!tpu.dma_semaphore, #tpu.memory_space<semaphore_mem>>) src(%dma_wait3A_77 : memref<200x128xi32, #tpu.memory_space<hbm>>) dst(%arg5 : memref<200x128xi32, #tpu.memory_space<vmem>>)
      tpu.yield
    }) : () -> ()
    %iota3A = tpu.iota {dimensions = array<i32: 0>} : vector<16xi32>
    %add3A_3 = arith.constant 0 : i32
    %add3A_4 = vector.broadcast %add3A_3 : i32 to vector<16xi32>
    %add3A_5 = arith.addi %iota3A, %add3A_4 : vector<16xi32>
    %add3A_6 = arith.constant 16 : i32
    %add3A_7 = vector.broadcast %add3A_6 : i32 to vector<16xi32>
    %add3A_8 = arith.addi %iota3A, %add3A_7 : vector<16xi32>
    %add3A_9 = arith.constant 32 : i32
    %add3A_10 = vector.broadcast %add3A_9 : i32 to vector<16xi32>
    %add3A_11 = arith.addi %iota3A, %add3A_10 : vector<16xi32>
    %add3A_12 = arith.constant 48 : i32
    %add3A_13 = vector.broadcast %add3A_12 : i32 to vector<16xi32>
    %add3A_14 = arith.addi %iota3A, %add3A_13 : vector<16xi32>
    %dma_start3A = arith.constant 0 : i32
    %dma_start3A_15 = arith.constant 0 : i32
    %dma_start3A_16 = tpu.memref_slice %arg5[%dma_start3A, %dma_start3A_15] : memref<200x128xi32, #tpu.memory_space<vmem>> -> memref<1x128xi32, #tpu.memory_space<vmem>>
    %dma_start3A_17 = tpu.memref_squeeze %dma_start3A_16 : memref<1x128xi32, #tpu.memory_space<vmem>> -> memref<128xi32, #tpu.memory_space<vmem>>
    %dma_start3A_18 = arith.constant 0 : i32
    %dma_start3A_19 = arith.constant 0 : i32
    %dma_start3A_20 = tpu.memref_slice %arg2[%dma_start3A_18, %dma_start3A_19] : memref<1000000x64xf32, #tpu.memory_space<hbm>> -> memref<1000000x64xf32, #tpu.memory_space<hbm>>
    tpu.enqueue_indirect_dma source(%dma_start3A_20 : memref<1000000x64xf32, #tpu.memory_space<hbm>>) target(%arg6 : memref<128x64xf32, #tpu.memory_space<vmem>>) offsets(%dma_start3A_17 : memref<128xi32, #tpu.memory_space<vmem>>) semaphore(%arg14 : memref<!tpu.dma_semaphore, #tpu.memory_space<semaphore_mem>>)
    %dma_start3A_21 = arith.constant 1 : i32
    %dma_start3A_22 = arith.constant 0 : i32
    %dma_start3A_23 = tpu.memref_slice %arg5[%dma_start3A_21, %dma_start3A_22] : memref<200x128xi32, #tpu.memory_space<vmem>> -> memref<1x128xi32, #tpu.memory_space<vmem>>
    %dma_start3A_24 = tpu.memref_squeeze %dma_start3A_23 : memref<1x128xi32, #tpu.memory_space<vmem>> -> memref<128xi32, #tpu.memory_space<vmem>>
    %dma_start3A_25 = arith.constant 0 : i32
    %dma_start3A_26 = arith.constant 0 : i32
    %dma_start3A_27 = tpu.memref_slice %arg2[%dma_start3A_25, %dma_start3A_26] : memref<1000000x64xf32, #tpu.memory_space<hbm>> -> memref<1000000x64xf32, #tpu.memory_space<hbm>>
    tpu.enqueue_indirect_dma source(%dma_start3A_27 : memref<1000000x64xf32, #tpu.memory_space<hbm>>) target(%arg7 : memref<128x64xf32, #tpu.memory_space<vmem>>) offsets(%dma_start3A_24 : memref<128xi32, #tpu.memory_space<vmem>>) semaphore(%arg15 : memref<!tpu.dma_semaphore, #tpu.memory_space<semaphore_mem>>)
    %dma_start3A_28 = arith.constant 2 : i32
    %dma_start3A_29 = arith.constant 0 : i32
    %dma_start3A_30 = tpu.memref_slice %arg5[%dma_start3A_28, %dma_start3A_29] : memref<200x128xi32, #tpu.memory_space<vmem>> -> memref<1x128xi32, #tpu.memory_space<vmem>>
    %dma_start3A_31 = tpu.memref_squeeze %dma_start3A_30 : memref<1x128xi32, #tpu.memory_space<vmem>> -> memref<128xi32, #tpu.memory_space<vmem>>
    %dma_start3A_32 = arith.constant 0 : i32
    %dma_start3A_33 = arith.constant 0 : i32
    %dma_start3A_34 = tpu.memref_slice %arg2[%dma_start3A_32, %dma_start3A_33] : memref<1000000x64xf32, #tpu.memory_space<hbm>> -> memref<1000000x64xf32, #tpu.memory_space<hbm>>
    tpu.enqueue_indirect_dma source(%dma_start3A_34 : memref<1000000x64xf32, #tpu.memory_space<hbm>>) target(%arg8 : memref<128x64xf32, #tpu.memory_space<vmem>>) offsets(%dma_start3A_31 : memref<128xi32, #tpu.memory_space<vmem>>) semaphore(%arg16 : memref<!tpu.dma_semaphore, #tpu.memory_space<semaphore_mem>>)
    %dma_start3A_35 = arith.constant 3 : i32
    %dma_start3A_36 = arith.constant 0 : i32
    %dma_start3A_37 = tpu.memref_slice %arg5[%dma_start3A_35, %dma_start3A_36] : memref<200x128xi32, #tpu.memory_space<vmem>> -> memref<1x128xi32, #tpu.memory_space<vmem>>
    %dma_start3A_38 = tpu.memref_squeeze %dma_start3A_37 : memref<1x128xi32, #tpu.memory_space<vmem>> -> memref<128xi32, #tpu.memory_space<vmem>>
    %dma_start3A_39 = arith.constant 0 : i32
    %dma_start3A_40 = arith.constant 0 : i32
    %dma_start3A_41 = tpu.memref_slice %arg2[%dma_start3A_39, %dma_start3A_40] : memref<1000000x64xf32, #tpu.memory_space<hbm>> -> memref<1000000x64xf32, #tpu.memory_space<hbm>>
    tpu.enqueue_indirect_dma source(%dma_start3A_41 : memref<1000000x64xf32, #tpu.memory_space<hbm>>) target(%arg9 : memref<128x64xf32, #tpu.memory_space<vmem>>) offsets(%dma_start3A_38 : memref<128xi32, #tpu.memory_space<vmem>>) semaphore(%arg17 : memref<!tpu.dma_semaphore, #tpu.memory_space<semaphore_mem>>)
    %scan3A = arith.constant 0 : i32
    %scan3A_42 = arith.constant 0 : i32
    %scan3A_43 = arith.constant 50 : i32
    %scan3A_44 = arith.addi %scan3A_42, %scan3A_43 : i32
    %scan3A_45 = arith.constant 1 : i32
    scf.for %scan3A_70 = %scan3A_42 to %scan3A_44 step %scan3A_45  : i32 {
      %mul3A_71 = arith.constant 4 : i32
      %mul3A_72 = arith.muli %mul3A_71, %scan3A_70 : i32
      %add3A_73 = arith.constant 0 : i32
      %add3A_74 = arith.addi %mul3A_72, %add3A_73 : i32
      %add3A_75 = arith.addi %mul3A_2, %add3A_74 : i32
      %shift_right_logical3A = arith.constant 8 : i32
      %shift_right_logical3A_76 = arith.shrui %add3A_75, %shift_right_logical3A : i32
      %shift_right_logical3A_77 = arith.constant 3 : i32
      %shift_right_logical3A_78 = arith.shrui %add3A_75, %shift_right_logical3A_77 : i32
      %and3A = arith.constant 31 : i32
      %and3A_79 = arith.andi %shift_right_logical3A_78, %and3A : i32
      %and3A_80 = arith.constant 7 : i32
      %and3A_81 = arith.andi %add3A_75, %and3A_80 : i32
      %mul3A_82 = arith.constant 8 : i32
      %mul3A_83 = arith.muli %shift_right_logical3A_76, %mul3A_82 : i32
      %add3A_84 = arith.addi %mul3A_83, %and3A_81 : i32
      %dma_wait3A_85 = arith.constant 0 : i32
      %dma_wait3A_86 = arith.constant 0 : i32
      %dma_wait3A_87 = tpu.memref_slice %arg2[%dma_wait3A_85, %dma_wait3A_86] : memref<1000000x64xf32, #tpu.memory_space<hbm>> -> memref<128x64xf32, #tpu.memory_space<hbm>>
      %dma_wait3A_88 = arith.constant 0 : i32
      %dma_wait3A_89 = arith.constant 0 : i32
      %dma_wait3A_90 = tpu.memref_slice %arg2[%dma_wait3A_88, %dma_wait3A_89] : memref<1000000x64xf32, #tpu.memory_space<hbm>> -> memref<128x64xf32, #tpu.memory_space<hbm>>
      tpu.wait_dma2 semaphore(%arg14 : memref<!tpu.dma_semaphore, #tpu.memory_space<semaphore_mem>>) src(%dma_wait3A_90 : memref<128x64xf32, #tpu.memory_space<hbm>>) dst(%arg6 : memref<128x64xf32, #tpu.memory_space<vmem>>)
      %ge3A = arith.constant 1 : i32
      %ge3A_91 = arith.cmpi sge, %scan3A_70, %ge3A : i32
      %convert_element_type3A = arith.extui %ge3A_91 : i1 to i32
      %cond3A = arith.constant 0 : i32
      %cond3A_92 = arith.cmpi ne, %convert_element_type3A, %cond3A : i32
      scf.if %cond3A_92 {
        %dma_wait3A_684 = arith.constant 0 : i32
        %dma_wait3A_685 = arith.constant 0 : i32
        %dma_wait3A_686 = tpu.memref_slice %arg2[%dma_wait3A_684, %dma_wait3A_685] : memref<1000000x64xf32, #tpu.memory_space<hbm>> -> memref<128x64xf32, #tpu.memory_space<hbm>>
        %dma_wait3A_687 = arith.constant 0 : i32
        %dma_wait3A_688 = arith.constant 0 : i32
        %dma_wait3A_689 = tpu.memref_slice %arg2[%dma_wait3A_687, %dma_wait3A_688] : memref<1000000x64xf32, #tpu.memory_space<hbm>> -> memref<128x64xf32, #tpu.memory_space<hbm>>
        tpu.wait_dma2 semaphore(%arg18 : memref<!tpu.dma_semaphore, #tpu.memory_space<semaphore_mem>>) src(%dma_wait3A_689 : memref<128x64xf32, #tpu.memory_space<hbm>>) dst(%arg6 : memref<128x64xf32, #tpu.memory_space<vmem>>)
      } else {
      }
      %parallel_loop3A = arith.constant 0 : i32
      %parallel_loop3A_93 = arith.constant 128 : i32
      %parallel_loop3A_94 = arith.constant 1 : i32
      scf.for %parallel_loop3A_684 = %parallel_loop3A to %parallel_loop3A_93 step %parallel_loop3A_94  : i32 {
        %parallel_loop3A_685 = vector.broadcast %parallel_loop3A_684 : i32 to vector<16xi32>
        %parallel_loop3A_686 = arith.index_cast %parallel_loop3A_684 : i32 to index
        %parallel_loop3A_687 = arith.constant 0 : index
        %parallel_loop3A_688 = tpu.vector_load %arg6[%parallel_loop3A_686, %parallel_loop3A_687] {strides = array<i32>} : memref<128x64xf32, #tpu.memory_space<vmem>>, vector<16xf32>,
        %parallel_loop3A_689 = arith.constant 8.000000e+00 : f32
        %parallel_loop3A_690 = vector.broadcast %parallel_loop3A_689 : f32 to vector<16xf32>
        %parallel_loop3A_691 = arith.mulf %parallel_loop3A_688, %parallel_loop3A_690 : vector<16xf32>
        tpu.vector_store_idx %arg10[%add3A_5, %parallel_loop3A_685], %parallel_loop3A_691 : memref<64x129xf32, #tpu.memory_space<vmem>>[vector<16xi32>, vector<16xi32>], vector<16xf32>,
        %parallel_loop3A_692 = arith.index_cast %parallel_loop3A_684 : i32 to index
        %parallel_loop3A_693 = arith.constant 16 : index
        %parallel_loop3A_694 = tpu.vector_load %arg6[%parallel_loop3A_692, %parallel_loop3A_693] {strides = array<i32>} : memref<128x64xf32, #tpu.memory_space<vmem>>, vector<16xf32>,
        %parallel_loop3A_695 = arith.constant 8.000000e+00 : f32
        %parallel_loop3A_696 = vector.broadcast %parallel_loop3A_695 : f32 to vector<16xf32>
        %parallel_loop3A_697 = arith.mulf %parallel_loop3A_694, %parallel_loop3A_696 : vector<16xf32>
        tpu.vector_store_idx %arg10[%add3A_8, %parallel_loop3A_685], %parallel_loop3A_697 : memref<64x129xf32, #tpu.memory_space<vmem>>[vector<16xi32>, vector<16xi32>], vector<16xf32>,
        %parallel_loop3A_698 = arith.index_cast %parallel_loop3A_684 : i32 to index
        %parallel_loop3A_699 = arith.constant 32 : index
        %parallel_loop3A_700 = tpu.vector_load %arg6[%parallel_loop3A_698, %parallel_loop3A_699] {strides = array<i32>} : memref<128x64xf32, #tpu.memory_space<vmem>>, vector<16xf32>,
        %parallel_loop3A_701 = arith.constant 8.000000e+00 : f32
        %parallel_loop3A_702 = vector.broadcast %parallel_loop3A_701 : f32 to vector<16xf32>
        %parallel_loop3A_703 = arith.mulf %parallel_loop3A_700, %parallel_loop3A_702 : vector<16xf32>
        tpu.vector_store_idx %arg10[%add3A_11, %parallel_loop3A_685], %parallel_loop3A_703 : memref<64x129xf32, #tpu.memory_space<vmem>>[vector<16xi32>, vector<16xi32>], vector<16xf32>,
        %parallel_loop3A_704 = arith.index_cast %parallel_loop3A_684 : i32 to index
        %parallel_loop3A_705 = arith.constant 48 : index
        %parallel_loop3A_706 = tpu.vector_load %arg6[%parallel_loop3A_704, %parallel_loop3A_705] {strides = array<i32>} : memref<128x64xf32, #tpu.memory_space<vmem>>, vector<16xf32>,
        %parallel_loop3A_707 = arith.constant 8.000000e+00 : f32
        %parallel_loop3A_708 = vector.broadcast %parallel_loop3A_707 : f32 to vector<16xf32>
        %parallel_loop3A_709 = arith.mulf %parallel_loop3A_706, %parallel_loop3A_708 : vector<16xf32>
        tpu.vector_store_idx %arg10[%add3A_14, %parallel_loop3A_685], %parallel_loop3A_709 : memref<64x129xf32, #tpu.memory_space<vmem>>[vector<16xi32>, vector<16xi32>], vector<16xf32>,
      } {sc.loop_unroll_factor = 4 : i64, sc.parallel_access}
      %dma_start3A_95 = arith.constant 0 : i32
      %dma_start3A_96 = arith.constant 0 : i32
      %dma_start3A_97 = arith.constant 0 : i32
      %dma_start3A_98 = tpu.memref_slice %arg10[%dma_start3A_96, %dma_start3A_97] : memref<64x129xf32, #tpu.memory_space<vmem>> -> memref<8x128xf32, #tpu.memory_space<vmem>>
      %dma_start3A_99 = arith.constant 0 : i32
      %dma_start3A_100 = arith.constant 0 : i32
      %dma_start3A_101 = tpu.memref_slice %arg4[%add3A_84, %dma_start3A_95, %and3A_79, %dma_start3A_99, %dma_start3A_100] : memref<200x8x32x8x128xf32, #tpu.memory_space<hbm>> -> memref<1x1x1x8x128xf32, #tpu.memory_space<hbm>>
      %dma_start3A_102 = tpu.memref_squeeze %dma_start3A_101 : memref<1x1x1x8x128xf32, #tpu.memory_space<hbm>> -> memref<8x128xf32, #tpu.memory_space<hbm>>
      %dma_start3A_103 = arith.constant 0 : i32
      %dma_start3A_104 = arith.constant 0 : i32
      %dma_start3A_105 = tpu.memref_slice %arg4[%add3A_84, %dma_start3A_95, %and3A_79, %dma_start3A_103, %dma_start3A_104] : memref<200x8x32x8x128xf32, #tpu.memory_space<hbm>> -> memref<1x1x1x8x128xf32, #tpu.memory_space<hbm>>
      %dma_start3A_106 = tpu.memref_squeeze %dma_start3A_105 : memref<1x1x1x8x128xf32, #tpu.memory_space<hbm>> -> memref<8x128xf32, #tpu.memory_space<hbm>>
      %dma_start3A_107 = arith.constant 0 : i32
      %dma_start3A_108 = arith.constant 0 : i32
      %dma_start3A_109 = tpu.memref_slice %arg10[%dma_start3A_107, %dma_start3A_108] : memref<64x129xf32, #tpu.memory_space<vmem>> -> memref<8x128xf32, #tpu.memory_space<vmem>>
      tpu.enqueue_dma source(%dma_start3A_109 : memref<8x128xf32, #tpu.memory_space<vmem>>) target(%dma_start3A_106 : memref<8x128xf32, #tpu.memory_space<hbm>>) target_semaphore(%arg18 : memref<!tpu.dma_semaphore, #tpu.memory_space<semaphore_mem>>)
      %dma_start3A_110 = arith.constant 1 : i32
      %dma_start3A_111 = arith.constant 8 : i32
      %dma_start3A_112 = arith.constant 0 : i32
      %dma_start3A_113 = tpu.memref_slice %arg10[%dma_start3A_111, %dma_start3A_112] : memref<64x129xf32, #tpu.memory_space<vmem>> -> memref<8x128xf32, #tpu.memory_space<vmem>>
      %dma_start3A_114 = arith.constant 0 : i32
      %dma_start3A_115 = arith.constant 0 : i32
      %dma_start3A_116 = tpu.memref_slice %arg4[%add3A_84, %dma_start3A_110, %and3A_79, %dma_start3A_114, %dma_start3A_115] : memref<200x8x32x8x128xf32, #tpu.memory_space<hbm>> -> memref<1x1x1x8x128xf32, #tpu.memory_space<hbm>>
      %dma_start3A_117 = tpu.memref_squeeze %dma_start3A_116 : memref<1x1x1x8x128xf32, #tpu.memory_space<hbm>> -> memref<8x128xf32, #tpu.memory_space<hbm>>
      %dma_start3A_118 = arith.constant 0 : i32
      %dma_start3A_119 = arith.constant 0 : i32
      %dma_start3A_120 = tpu.memref_slice %arg4[%add3A_84, %dma_start3A_110, %and3A_79, %dma_start3A_118, %dma_start3A_119] : memref<200x8x32x8x128xf32, #tpu.memory_space<hbm>> -> memref<1x1x1x8x128xf32, #tpu.memory_space<hbm>>
      %dma_start3A_121 = tpu.memref_squeeze %dma_start3A_120 : memref<1x1x1x8x128xf32, #tpu.memory_space<hbm>> -> memref<8x128xf32, #tpu.memory_space<hbm>>
      %dma_start3A_122 = arith.constant 8 : i32
      %dma_start3A_123 = arith.constant 0 : i32
      %dma_start3A_124 = tpu.memref_slice %arg10[%dma_start3A_122, %dma_start3A_123] : memref<64x129xf32, #tpu.memory_space<vmem>> -> memref<8x128xf32, #tpu.memory_space<vmem>>
      tpu.enqueue_dma source(%dma_start3A_124 : memref<8x128xf32, #tpu.memory_space<vmem>>) target(%dma_start3A_121 : memref<8x128xf32, #tpu.memory_space<hbm>>) target_semaphore(%arg18 : memref<!tpu.dma_semaphore, #tpu.memory_space<semaphore_mem>>)
      %dma_start3A_125 = arith.constant 2 : i32
      %dma_start3A_126 = arith.constant 16 : i32
      %dma_start3A_127 = arith.constant 0 : i32
      %dma_start3A_128 = tpu.memref_slice %arg10[%dma_start3A_126, %dma_start3A_127] : memref<64x129xf32, #tpu.memory_space<vmem>> -> memref<8x128xf32, #tpu.memory_space<vmem>>
      %dma_start3A_129 = arith.constant 0 : i32
      %dma_start3A_130 = arith.constant 0 : i32
      %dma_start3A_131 = tpu.memref_slice %arg4[%add3A_84, %dma_start3A_125, %and3A_79, %dma_start3A_129, %dma_start3A_130] : memref<200x8x32x8x128xf32, #tpu.memory_space<hbm>> -> memref<1x1x1x8x128xf32, #tpu.memory_space<hbm>>
      %dma_start3A_132 = tpu.memref_squeeze %dma_start3A_131 : memref<1x1x1x8x128xf32, #tpu.memory_space<hbm>> -> memref<8x128xf32, #tpu.memory_space<hbm>>
      %dma_start3A_133 = arith.constant 0 : i32
      %dma_start3A_134 = arith.constant 0 : i32
      %dma_start3A_135 = tpu.memref_slice %arg4[%add3A_84, %dma_start3A_125, %and3A_79, %dma_start3A_133, %dma_start3A_134] : memref<200x8x32x8x128xf32, #tpu.memory_space<hbm>> -> memref<1x1x1x8x128xf32, #tpu.memory_space<hbm>>
      %dma_start3A_136 = tpu.memref_squeeze %dma_start3A_135 : memref<1x1x1x8x128xf32, #tpu.memory_space<hbm>> -> memref<8x128xf32, #tpu.memory_space<hbm>>
      %dma_start3A_137 = arith.constant 16 : i32
      %dma_start3A_138 = arith.constant 0 : i32
      %dma_start3A_139 = tpu.memref_slice %arg10[%dma_start3A_137, %dma_start3A_138] : memref<64x129xf32, #tpu.memory_space<vmem>> -> memref<8x128xf32, #tpu.memory_space<vmem>>
      tpu.enqueue_dma source(%dma_start3A_139 : memref<8x128xf32, #tpu.memory_space<vmem>>) target(%dma_start3A_136 : memref<8x128xf32, #tpu.memory_space<hbm>>) target_semaphore(%arg18 : memref<!tpu.dma_semaphore, #tpu.memory_space<semaphore_mem>>)
      %dma_start3A_140 = arith.constant 3 : i32
      %dma_start3A_141 = arith.constant 24 : i32
      %dma_start3A_142 = arith.constant 0 : i32
      %dma_start3A_143 = tpu.memref_slice %arg10[%dma_start3A_141, %dma_start3A_142] : memref<64x129xf32, #tpu.memory_space<vmem>> -> memref<8x128xf32, #tpu.memory_space<vmem>>
      %dma_start3A_144 = arith.constant 0 : i32
      %dma_start3A_145 = arith.constant 0 : i32
      %dma_start3A_146 = tpu.memref_slice %arg4[%add3A_84, %dma_start3A_140, %and3A_79, %dma_start3A_144, %dma_start3A_145] : memref<200x8x32x8x128xf32, #tpu.memory_space<hbm>> -> memref<1x1x1x8x128xf32, #tpu.memory_space<hbm>>
      %dma_start3A_147 = tpu.memref_squeeze %dma_start3A_146 : memref<1x1x1x8x128xf32, #tpu.memory_space<hbm>> -> memref<8x128xf32, #tpu.memory_space<hbm>>
      %dma_start3A_148 = arith.constant 0 : i32
      %dma_start3A_149 = arith.constant 0 : i32
      %dma_start3A_150 = tpu.memref_slice %arg4[%add3A_84, %dma_start3A_140, %and3A_79, %dma_start3A_148, %dma_start3A_149] : memref<200x8x32x8x128xf32, #tpu.memory_space<hbm>> -> memref<1x1x1x8x128xf32, #tpu.memory_space<hbm>>
      %dma_start3A_151 = tpu.memref_squeeze %dma_start3A_150 : memref<1x1x1x8x128xf32, #tpu.memory_space<hbm>> -> memref<8x128xf32, #tpu.memory_space<hbm>>
      %dma_start3A_152 = arith.constant 24 : i32
      %dma_start3A_153 = arith.constant 0 : i32
      %dma_start3A_154 = tpu.memref_slice %arg10[%dma_start3A_152, %dma_start3A_153] : memref<64x129xf32, #tpu.memory_space<vmem>> -> memref<8x128xf32, #tpu.memory_space<vmem>>
      tpu.enqueue_dma source(%dma_start3A_154 : memref<8x128xf32, #tpu.memory_space<vmem>>) target(%dma_start3A_151 : memref<8x128xf32, #tpu.memory_space<hbm>>) target_semaphore(%arg18 : memref<!tpu.dma_semaphore, #tpu.memory_space<semaphore_mem>>)
      %dma_start3A_155 = arith.constant 4 : i32
      %dma_start3A_156 = arith.constant 32 : i32
      %dma_start3A_157 = arith.constant 0 : i32
      %dma_start3A_158 = tpu.memref_slice %arg10[%dma_start3A_156, %dma_start3A_157] : memref<64x129xf32, #tpu.memory_space<vmem>> -> memref<8x128xf32, #tpu.memory_space<vmem>>
      %dma_start3A_159 = arith.constant 0 : i32
      %dma_start3A_160 = arith.constant 0 : i32
      %dma_start3A_161 = tpu.memref_slice %arg4[%add3A_84, %dma_start3A_155, %and3A_79, %dma_start3A_159, %dma_start3A_160] : memref<200x8x32x8x128xf32, #tpu.memory_space<hbm>> -> memref<1x1x1x8x128xf32, #tpu.memory_space<hbm>>
      %dma_start3A_162 = tpu.memref_squeeze %dma_start3A_161 : memref<1x1x1x8x128xf32, #tpu.memory_space<hbm>> -> memref<8x128xf32, #tpu.memory_space<hbm>>
      %dma_start3A_163 = arith.constant 0 : i32
      %dma_start3A_164 = arith.constant 0 : i32
      %dma_start3A_165 = tpu.memref_slice %arg4[%add3A_84, %dma_start3A_155, %and3A_79, %dma_start3A_163, %dma_start3A_164] : memref<200x8x32x8x128xf32, #tpu.memory_space<hbm>> -> memref<1x1x1x8x128xf32, #tpu.memory_space<hbm>>
      %dma_start3A_166 = tpu.memref_squeeze %dma_start3A_165 : memref<1x1x1x8x128xf32, #tpu.memory_space<hbm>> -> memref<8x128xf32, #tpu.memory_space<hbm>>
      %dma_start3A_167 = arith.constant 32 : i32
      %dma_start3A_168 = arith.constant 0 : i32
      %dma_start3A_169 = tpu.memref_slice %arg10[%dma_start3A_167, %dma_start3A_168] : memref<64x129xf32, #tpu.memory_space<vmem>> -> memref<8x128xf32, #tpu.memory_space<vmem>>
      tpu.enqueue_dma source(%dma_start3A_169 : memref<8x128xf32, #tpu.memory_space<vmem>>) target(%dma_start3A_166 : memref<8x128xf32, #tpu.memory_space<hbm>>) target_semaphore(%arg18 : memref<!tpu.dma_semaphore, #tpu.memory_space<semaphore_mem>>)
      %dma_start3A_170 = arith.constant 5 : i32
      %dma_start3A_171 = arith.constant 40 : i32
      %dma_start3A_172 = arith.constant 0 : i32
      %dma_start3A_173 = tpu.memref_slice %arg10[%dma_start3A_171, %dma_start3A_172] : memref<64x129xf32, #tpu.memory_space<vmem>> -> memref<8x128xf32, #tpu.memory_space<vmem>>
      %dma_start3A_174 = arith.constant 0 : i32
      %dma_start3A_175 = arith.constant 0 : i32
      %dma_start3A_176 = tpu.memref_slice %arg4[%add3A_84, %dma_start3A_170, %and3A_79, %dma_start3A_174, %dma_start3A_175] : memref<200x8x32x8x128xf32, #tpu.memory_space<hbm>> -> memref<1x1x1x8x128xf32, #tpu.memory_space<hbm>>
      %dma_start3A_177 = tpu.memref_squeeze %dma_start3A_176 : memref<1x1x1x8x128xf32, #tpu.memory_space<hbm>> -> memref<8x128xf32, #tpu.memory_space<hbm>>
      %dma_start3A_178 = arith.constant 0 : i32
      %dma_start3A_179 = arith.constant 0 : i32
      %dma_start3A_180 = tpu.memref_slice %arg4[%add3A_84, %dma_start3A_170, %and3A_79, %dma_start3A_178, %dma_start3A_179] : memref<200x8x32x8x128xf32, #tpu.memory_space<hbm>> -> memref<1x1x1x8x128xf32, #tpu.memory_space<hbm>>
      %dma_start3A_181 = tpu.memref_squeeze %dma_start3A_180 : memref<1x1x1x8x128xf32, #tpu.memory_space<hbm>> -> memref<8x128xf32, #tpu.memory_space<hbm>>
      %dma_start3A_182 = arith.constant 40 : i32
      %dma_start3A_183 = arith.constant 0 : i32
      %dma_start3A_184 = tpu.memref_slice %arg10[%dma_start3A_182, %dma_start3A_183] : memref<64x129xf32, #tpu.memory_space<vmem>> -> memref<8x128xf32, #tpu.memory_space<vmem>>
      tpu.enqueue_dma source(%dma_start3A_184 : memref<8x128xf32, #tpu.memory_space<vmem>>) target(%dma_start3A_181 : memref<8x128xf32, #tpu.memory_space<hbm>>) target_semaphore(%arg18 : memref<!tpu.dma_semaphore, #tpu.memory_space<semaphore_mem>>)
      %dma_start3A_185 = arith.constant 6 : i32
      %dma_start3A_186 = arith.constant 48 : i32
      %dma_start3A_187 = arith.constant 0 : i32
      %dma_start3A_188 = tpu.memref_slice %arg10[%dma_start3A_186, %dma_start3A_187] : memref<64x129xf32, #tpu.memory_space<vmem>> -> memref<8x128xf32, #tpu.memory_space<vmem>>
      %dma_start3A_189 = arith.constant 0 : i32
      %dma_start3A_190 = arith.constant 0 : i32
      %dma_start3A_191 = tpu.memref_slice %arg4[%add3A_84, %dma_start3A_185, %and3A_79, %dma_start3A_189, %dma_start3A_190] : memref<200x8x32x8x128xf32, #tpu.memory_space<hbm>> -> memref<1x1x1x8x128xf32, #tpu.memory_space<hbm>>
      %dma_start3A_192 = tpu.memref_squeeze %dma_start3A_191 : memref<1x1x1x8x128xf32, #tpu.memory_space<hbm>> -> memref<8x128xf32, #tpu.memory_space<hbm>>
      %dma_start3A_193 = arith.constant 0 : i32
      %dma_start3A_194 = arith.constant 0 : i32
      %dma_start3A_195 = tpu.memref_slice %arg4[%add3A_84, %dma_start3A_185, %and3A_79, %dma_start3A_193, %dma_start3A_194] : memref<200x8x32x8x128xf32, #tpu.memory_space<hbm>> -> memref<1x1x1x8x128xf32, #tpu.memory_space<hbm>>
      %dma_start3A_196 = tpu.memref_squeeze %dma_start3A_195 : memref<1x1x1x8x128xf32, #tpu.memory_space<hbm>> -> memref<8x128xf32, #tpu.memory_space<hbm>>
      %dma_start3A_197 = arith.constant 48 : i32
      %dma_start3A_198 = arith.constant 0 : i32
      %dma_start3A_199 = tpu.memref_slice %arg10[%dma_start3A_197, %dma_start3A_198] : memref<64x129xf32, #tpu.memory_space<vmem>> -> memref<8x128xf32, #tpu.memory_space<vmem>>
      tpu.enqueue_dma source(%dma_start3A_199 : memref<8x128xf32, #tpu.memory_space<vmem>>) target(%dma_start3A_196 : memref<8x128xf32, #tpu.memory_space<hbm>>) target_semaphore(%arg18 : memref<!tpu.dma_semaphore, #tpu.memory_space<semaphore_mem>>)
      %dma_start3A_200 = arith.constant 7 : i32
      %dma_start3A_201 = arith.constant 56 : i32
      %dma_start3A_202 = arith.constant 0 : i32
      %dma_start3A_203 = tpu.memref_slice %arg10[%dma_start3A_201, %dma_start3A_202] : memref<64x129xf32, #tpu.memory_space<vmem>> -> memref<8x128xf32, #tpu.memory_space<vmem>>
      %dma_start3A_204 = arith.constant 0 : i32
      %dma_start3A_205 = arith.constant 0 : i32
      %dma_start3A_206 = tpu.memref_slice %arg4[%add3A_84, %dma_start3A_200, %and3A_79, %dma_start3A_204, %dma_start3A_205] : memref<200x8x32x8x128xf32, #tpu.memory_space<hbm>> -> memref<1x1x1x8x128xf32, #tpu.memory_space<hbm>>
      %dma_start3A_207 = tpu.memref_squeeze %dma_start3A_206 : memref<1x1x1x8x128xf32, #tpu.memory_space<hbm>> -> memref<8x128xf32, #tpu.memory_space<hbm>>
      %dma_start3A_208 = arith.constant 0 : i32
      %dma_start3A_209 = arith.constant 0 : i32
      %dma_start3A_210 = tpu.memref_slice %arg4[%add3A_84, %dma_start3A_200, %and3A_79, %dma_start3A_208, %dma_start3A_209] : memref<200x8x32x8x128xf32, #tpu.memory_space<hbm>> -> memref<1x1x1x8x128xf32, #tpu.memory_space<hbm>>
      %dma_start3A_211 = tpu.memref_squeeze %dma_start3A_210 : memref<1x1x1x8x128xf32, #tpu.memory_space<hbm>> -> memref<8x128xf32, #tpu.memory_space<hbm>>
      %dma_start3A_212 = arith.constant 56 : i32
      %dma_start3A_213 = arith.constant 0 : i32
      %dma_start3A_214 = tpu.memref_slice %arg10[%dma_start3A_212, %dma_start3A_213] : memref<64x129xf32, #tpu.memory_space<vmem>> -> memref<8x128xf32, #tpu.memory_space<vmem>>
      tpu.enqueue_dma source(%dma_start3A_214 : memref<8x128xf32, #tpu.memory_space<vmem>>) target(%dma_start3A_211 : memref<8x128xf32, #tpu.memory_space<hbm>>) target_semaphore(%arg18 : memref<!tpu.dma_semaphore, #tpu.memory_space<semaphore_mem>>)
      %lt3A = arith.constant 196 : i32
      %lt3A_215 = arith.cmpi slt, %add3A_74, %lt3A : i32
      %convert_element_type3A_216 = arith.extui %lt3A_215 : i1 to i32
      %cond3A_217 = arith.constant 0 : i32
      %cond3A_218 = arith.cmpi ne, %convert_element_type3A_216, %cond3A_217 : i32
      scf.if %cond3A_218 {
        %add3A_684 = arith.constant 4 : i32
        %add3A_685 = arith.addi %add3A_74, %add3A_684 : i32
        %dma_start3A_686 = arith.constant 0 : i32
        %dma_start3A_687 = tpu.memref_slice %arg5[%add3A_685, %dma_start3A_686] : memref<200x128xi32, #tpu.memory_space<vmem>> -> memref<1x128xi32, #tpu.memory_space<vmem>>
        %dma_start3A_688 = tpu.memref_squeeze %dma_start3A_687 : memref<1x128xi32, #tpu.memory_space<vmem>> -> memref<128xi32, #tpu.memory_space<vmem>>
        %dma_start3A_689 = arith.constant 0 : i32
        %dma_start3A_690 = arith.constant 0 : i32
        %dma_start3A_691 = tpu.memref_slice %arg2[%dma_start3A_689, %dma_start3A_690] : memref<1000000x64xf32, #tpu.memory_space<hbm>> -> memref<1000000x64xf32, #tpu.memory_space<hbm>>
        tpu.enqueue_indirect_dma source(%dma_start3A_691 : memref<1000000x64xf32, #tpu.memory_space<hbm>>) target(%arg6 : memref<128x64xf32, #tpu.memory_space<vmem>>) offsets(%dma_start3A_688 : memref<128xi32, #tpu.memory_space<vmem>>) semaphore(%arg14 : memref<!tpu.dma_semaphore, #tpu.memory_space<semaphore_mem>>)
      } else {
      }
      %mul3A_219 = arith.constant 4 : i32
      %mul3A_220 = arith.muli %mul3A_219, %scan3A_70 : i32
      %add3A_221 = arith.constant 1 : i32
      %add3A_222 = arith.addi %mul3A_220, %add3A_221 : i32
      %add3A_223 = arith.addi %mul3A_2, %add3A_222 : i32
      %shift_right_logical3A_224 = arith.constant 8 : i32
      %shift_right_logical3A_225 = arith.shrui %add3A_223, %shift_right_logical3A_224 : i32
      %shift_right_logical3A_226 = arith.constant 3 : i32
      %shift_right_logical3A_227 = arith.shrui %add3A_223, %shift_right_logical3A_226 : i32
      %and3A_228 = arith.constant 31 : i32
      %and3A_229 = arith.andi %shift_right_logical3A_227, %and3A_228 : i32
      %and3A_230 = arith.constant 7 : i32
      %and3A_231 = arith.andi %add3A_223, %and3A_230 : i32
      %mul3A_232 = arith.constant 8 : i32
      %mul3A_233 = arith.muli %shift_right_logical3A_225, %mul3A_232 : i32
      %add3A_234 = arith.addi %mul3A_233, %and3A_231 : i32
      %dma_wait3A_235 = arith.constant 0 : i32
      %dma_wait3A_236 = arith.constant 0 : i32
      %dma_wait3A_237 = tpu.memref_slice %arg2[%dma_wait3A_235, %dma_wait3A_236] : memref<1000000x64xf32, #tpu.memory_space<hbm>> -> memref<128x64xf32, #tpu.memory_space<hbm>>
      %dma_wait3A_238 = arith.constant 0 : i32
      %dma_wait3A_239 = arith.constant 0 : i32
      %dma_wait3A_240 = tpu.memref_slice %arg2[%dma_wait3A_238, %dma_wait3A_239] : memref<1000000x64xf32, #tpu.memory_space<hbm>> -> memref<128x64xf32, #tpu.memory_space<hbm>>
      tpu.wait_dma2 semaphore(%arg15 : memref<!tpu.dma_semaphore, #tpu.memory_space<semaphore_mem>>) src(%dma_wait3A_240 : memref<128x64xf32, #tpu.memory_space<hbm>>) dst(%arg7 : memref<128x64xf32, #tpu.memory_space<vmem>>)
      %ge3A_241 = arith.constant 1 : i32
      %ge3A_242 = arith.cmpi sge, %scan3A_70, %ge3A_241 : i32
      %convert_element_type3A_243 = arith.extui %ge3A_242 : i1 to i32
      %cond3A_244 = arith.constant 0 : i32
      %cond3A_245 = arith.cmpi ne, %convert_element_type3A_243, %cond3A_244 : i32
      scf.if %cond3A_245 {
        %dma_wait3A_684 = arith.constant 0 : i32
        %dma_wait3A_685 = arith.constant 0 : i32
        %dma_wait3A_686 = tpu.memref_slice %arg2[%dma_wait3A_684, %dma_wait3A_685] : memref<1000000x64xf32, #tpu.memory_space<hbm>> -> memref<128x64xf32, #tpu.memory_space<hbm>>
        %dma_wait3A_687 = arith.constant 0 : i32
        %dma_wait3A_688 = arith.constant 0 : i32
        %dma_wait3A_689 = tpu.memref_slice %arg2[%dma_wait3A_687, %dma_wait3A_688] : memref<1000000x64xf32, #tpu.memory_space<hbm>> -> memref<128x64xf32, #tpu.memory_space<hbm>>
        tpu.wait_dma2 semaphore(%arg19 : memref<!tpu.dma_semaphore, #tpu.memory_space<semaphore_mem>>) src(%dma_wait3A_689 : memref<128x64xf32, #tpu.memory_space<hbm>>) dst(%arg7 : memref<128x64xf32, #tpu.memory_space<vmem>>)
      } else {
      }
      %parallel_loop3A_246 = arith.constant 0 : i32
      %parallel_loop3A_247 = arith.constant 128 : i32
      %parallel_loop3A_248 = arith.constant 1 : i32
      scf.for %parallel_loop3A_684 = %parallel_loop3A_246 to %parallel_loop3A_247 step %parallel_loop3A_248  : i32 {
        %parallel_loop3A_685 = vector.broadcast %parallel_loop3A_684 : i32 to vector<16xi32>
        %parallel_loop3A_686 = arith.index_cast %parallel_loop3A_684 : i32 to index
        %parallel_loop3A_687 = arith.constant 0 : index
        %parallel_loop3A_688 = tpu.vector_load %arg7[%parallel_loop3A_686, %parallel_loop3A_687] {strides = array<i32>} : memref<128x64xf32, #tpu.memory_space<vmem>>, vector<16xf32>,
        %parallel_loop3A_689 = arith.constant 8.000000e+00 : f32
        %parallel_loop3A_690 = vector.broadcast %parallel_loop3A_689 : f32 to vector<16xf32>
        %parallel_loop3A_691 = arith.mulf %parallel_loop3A_688, %parallel_loop3A_690 : vector<16xf32>
        tpu.vector_store_idx %arg11[%add3A_5, %parallel_loop3A_685], %parallel_loop3A_691 : memref<64x129xf32, #tpu.memory_space<vmem>>[vector<16xi32>, vector<16xi32>], vector<16xf32>,
        %parallel_loop3A_692 = arith.index_cast %parallel_loop3A_684 : i32 to index
        %parallel_loop3A_693 = arith.constant 16 : index
        %parallel_loop3A_694 = tpu.vector_load %arg7[%parallel_loop3A_692, %parallel_loop3A_693] {strides = array<i32>} : memref<128x64xf32, #tpu.memory_space<vmem>>, vector<16xf32>,
        %parallel_loop3A_695 = arith.constant 8.000000e+00 : f32
        %parallel_loop3A_696 = vector.broadcast %parallel_loop3A_695 : f32 to vector<16xf32>
        %parallel_loop3A_697 = arith.mulf %parallel_loop3A_694, %parallel_loop3A_696 : vector<16xf32>
        tpu.vector_store_idx %arg11[%add3A_8, %parallel_loop3A_685], %parallel_loop3A_697 : memref<64x129xf32, #tpu.memory_space<vmem>>[vector<16xi32>, vector<16xi32>], vector<16xf32>,
        %parallel_loop3A_698 = arith.index_cast %parallel_loop3A_684 : i32 to index
        %parallel_loop3A_699 = arith.constant 32 : index
        %parallel_loop3A_700 = tpu.vector_load %arg7[%parallel_loop3A_698, %parallel_loop3A_699] {strides = array<i32>} : memref<128x64xf32, #tpu.memory_space<vmem>>, vector<16xf32>,
        %parallel_loop3A_701 = arith.constant 8.000000e+00 : f32
        %parallel_loop3A_702 = vector.broadcast %parallel_loop3A_701 : f32 to vector<16xf32>
        %parallel_loop3A_703 = arith.mulf %parallel_loop3A_700, %parallel_loop3A_702 : vector<16xf32>
        tpu.vector_store_idx %arg11[%add3A_11, %parallel_loop3A_685], %parallel_loop3A_703 : memref<64x129xf32, #tpu.memory_space<vmem>>[vector<16xi32>, vector<16xi32>], vector<16xf32>,
        %parallel_loop3A_704 = arith.index_cast %parallel_loop3A_684 : i32 to index
        %parallel_loop3A_705 = arith.constant 48 : index
        %parallel_loop3A_706 = tpu.vector_load %arg7[%parallel_loop3A_704, %parallel_loop3A_705] {strides = array<i32>} : memref<128x64xf32, #tpu.memory_space<vmem>>, vector<16xf32>,
        %parallel_loop3A_707 = arith.constant 8.000000e+00 : f32
        %parallel_loop3A_708 = vector.broadcast %parallel_loop3A_707 : f32 to vector<16xf32>
        %parallel_loop3A_709 = arith.mulf %parallel_loop3A_706, %parallel_loop3A_708 : vector<16xf32>
        tpu.vector_store_idx %arg11[%add3A_14, %parallel_loop3A_685], %parallel_loop3A_709 : memref<64x129xf32, #tpu.memory_space<vmem>>[vector<16xi32>, vector<16xi32>], vector<16xf32>,
      } {sc.loop_unroll_factor = 4 : i64, sc.parallel_access}
      %dma_start3A_249 = arith.constant 0 : i32
      %dma_start3A_250 = arith.constant 0 : i32
      %dma_start3A_251 = arith.constant 0 : i32
      %dma_start3A_252 = tpu.memref_slice %arg11[%dma_start3A_250, %dma_start3A_251] : memref<64x129xf32, #tpu.memory_space<vmem>> -> memref<8x128xf32, #tpu.memory_space<vmem>>
      %dma_start3A_253 = arith.constant 0 : i32
      %dma_start3A_254 = arith.constant 0 : i32
      %dma_start3A_255 = tpu.memref_slice %arg4[%add3A_234, %dma_start3A_249, %and3A_229, %dma_start3A_253, %dma_start3A_254] : memref<200x8x32x8x128xf32, #tpu.memory_space<hbm>> -> memref<1x1x1x8x128xf32, #tpu.memory_space<hbm>>
      %dma_start3A_256 = tpu.memref_squeeze %dma_start3A_255 : memref<1x1x1x8x128xf32, #tpu.memory_space<hbm>> -> memref<8x128xf32, #tpu.memory_space<hbm>>
      %dma_start3A_257 = arith.constant 0 : i32
      %dma_start3A_258 = arith.constant 0 : i32
      %dma_start3A_259 = tpu.memref_slice %arg4[%add3A_234, %dma_start3A_249, %and3A_229, %dma_start3A_257, %dma_start3A_258] : memref<200x8x32x8x128xf32, #tpu.memory_space<hbm>> -> memref<1x1x1x8x128xf32, #tpu.memory_space<hbm>>
      %dma_start3A_260 = tpu.memref_squeeze %dma_start3A_259 : memref<1x1x1x8x128xf32, #tpu.memory_space<hbm>> -> memref<8x128xf32, #tpu.memory_space<hbm>>
      %dma_start3A_261 = arith.constant 0 : i32
      %dma_start3A_262 = arith.constant 0 : i32
      %dma_start3A_263 = tpu.memref_slice %arg11[%dma_start3A_261, %dma_start3A_262] : memref<64x129xf32, #tpu.memory_space<vmem>> -> memref<8x128xf32, #tpu.memory_space<vmem>>
      tpu.enqueue_dma source(%dma_start3A_263 : memref<8x128xf32, #tpu.memory_space<vmem>>) target(%dma_start3A_260 : memref<8x128xf32, #tpu.memory_space<hbm>>) target_semaphore(%arg19 : memref<!tpu.dma_semaphore, #tpu.memory_space<semaphore_mem>>)
      %dma_start3A_264 = arith.constant 1 : i32
      %dma_start3A_265 = arith.constant 8 : i32
      %dma_start3A_266 = arith.constant 0 : i32
      %dma_start3A_267 = tpu.memref_slice %arg11[%dma_start3A_265, %dma_start3A_266] : memref<64x129xf32, #tpu.memory_space<vmem>> -> memref<8x128xf32, #tpu.memory_space<vmem>>
      %dma_start3A_268 = arith.constant 0 : i32
      %dma_start3A_269 = arith.constant 0 : i32
      %dma_start3A_270 = tpu.memref_slice %arg4[%add3A_234, %dma_start3A_264, %and3A_229, %dma_start3A_268, %dma_start3A_269] : memref<200x8x32x8x128xf32, #tpu.memory_space<hbm>> -> memref<1x1x1x8x128xf32, #tpu.memory_space<hbm>>
      %dma_start3A_271 = tpu.memref_squeeze %dma_start3A_270 : memref<1x1x1x8x128xf32, #tpu.memory_space<hbm>> -> memref<8x128xf32, #tpu.memory_space<hbm>>
      %dma_start3A_272 = arith.constant 0 : i32
      %dma_start3A_273 = arith.constant 0 : i32
      %dma_start3A_274 = tpu.memref_slice %arg4[%add3A_234, %dma_start3A_264, %and3A_229, %dma_start3A_272, %dma_start3A_273] : memref<200x8x32x8x128xf32, #tpu.memory_space<hbm>> -> memref<1x1x1x8x128xf32, #tpu.memory_space<hbm>>
      %dma_start3A_275 = tpu.memref_squeeze %dma_start3A_274 : memref<1x1x1x8x128xf32, #tpu.memory_space<hbm>> -> memref<8x128xf32, #tpu.memory_space<hbm>>
      %dma_start3A_276 = arith.constant 8 : i32
      %dma_start3A_277 = arith.constant 0 : i32
      %dma_start3A_278 = tpu.memref_slice %arg11[%dma_start3A_276, %dma_start3A_277] : memref<64x129xf32, #tpu.memory_space<vmem>> -> memref<8x128xf32, #tpu.memory_space<vmem>>
      tpu.enqueue_dma source(%dma_start3A_278 : memref<8x128xf32, #tpu.memory_space<vmem>>) target(%dma_start3A_275 : memref<8x128xf32, #tpu.memory_space<hbm>>) target_semaphore(%arg19 : memref<!tpu.dma_semaphore, #tpu.memory_space<semaphore_mem>>)
      %dma_start3A_279 = arith.constant 2 : i32
      %dma_start3A_280 = arith.constant 16 : i32
      %dma_start3A_281 = arith.constant 0 : i32
      %dma_start3A_282 = tpu.memref_slice %arg11[%dma_start3A_280, %dma_start3A_281] : memref<64x129xf32, #tpu.memory_space<vmem>> -> memref<8x128xf32, #tpu.memory_space<vmem>>
      %dma_start3A_283 = arith.constant 0 : i32
      %dma_start3A_284 = arith.constant 0 : i32
      %dma_start3A_285 = tpu.memref_slice %arg4[%add3A_234, %dma_start3A_279, %and3A_229, %dma_start3A_283, %dma_start3A_284] : memref<200x8x32x8x128xf32, #tpu.memory_space<hbm>> -> memref<1x1x1x8x128xf32, #tpu.memory_space<hbm>>
      %dma_start3A_286 = tpu.memref_squeeze %dma_start3A_285 : memref<1x1x1x8x128xf32, #tpu.memory_space<hbm>> -> memref<8x128xf32, #tpu.memory_space<hbm>>
      %dma_start3A_287 = arith.constant 0 : i32
      %dma_start3A_288 = arith.constant 0 : i32
      %dma_start3A_289 = tpu.memref_slice %arg4[%add3A_234, %dma_start3A_279, %and3A_229, %dma_start3A_287, %dma_start3A_288] : memref<200x8x32x8x128xf32, #tpu.memory_space<hbm>> -> memref<1x1x1x8x128xf32, #tpu.memory_space<hbm>>
      %dma_start3A_290 = tpu.memref_squeeze %dma_start3A_289 : memref<1x1x1x8x128xf32, #tpu.memory_space<hbm>> -> memref<8x128xf32, #tpu.memory_space<hbm>>
      %dma_start3A_291 = arith.constant 16 : i32
      %dma_start3A_292 = arith.constant 0 : i32
      %dma_start3A_293 = tpu.memref_slice %arg11[%dma_start3A_291, %dma_start3A_292] : memref<64x129xf32, #tpu.memory_space<vmem>> -> memref<8x128xf32, #tpu.memory_space<vmem>>
      tpu.enqueue_dma source(%dma_start3A_293 : memref<8x128xf32, #tpu.memory_space<vmem>>) target(%dma_start3A_290 : memref<8x128xf32, #tpu.memory_space<hbm>>) target_semaphore(%arg19 : memref<!tpu.dma_semaphore, #tpu.memory_space<semaphore_mem>>)
      %dma_start3A_294 = arith.constant 3 : i32
      %dma_start3A_295 = arith.constant 24 : i32
      %dma_start3A_296 = arith.constant 0 : i32
      %dma_start3A_297 = tpu.memref_slice %arg11[%dma_start3A_295, %dma_start3A_296] : memref<64x129xf32, #tpu.memory_space<vmem>> -> memref<8x128xf32, #tpu.memory_space<vmem>>
      %dma_start3A_298 = arith.constant 0 : i32
      %dma_start3A_299 = arith.constant 0 : i32
      %dma_start3A_300 = tpu.memref_slice %arg4[%add3A_234, %dma_start3A_294, %and3A_229, %dma_start3A_298, %dma_start3A_299] : memref<200x8x32x8x128xf32, #tpu.memory_space<hbm>> -> memref<1x1x1x8x128xf32, #tpu.memory_space<hbm>>
      %dma_start3A_301 = tpu.memref_squeeze %dma_start3A_300 : memref<1x1x1x8x128xf32, #tpu.memory_space<hbm>> -> memref<8x128xf32, #tpu.memory_space<hbm>>
      %dma_start3A_302 = arith.constant 0 : i32
      %dma_start3A_303 = arith.constant 0 : i32
      %dma_start3A_304 = tpu.memref_slice %arg4[%add3A_234, %dma_start3A_294, %and3A_229, %dma_start3A_302, %dma_start3A_303] : memref<200x8x32x8x128xf32, #tpu.memory_space<hbm>> -> memref<1x1x1x8x128xf32, #tpu.memory_space<hbm>>
      %dma_start3A_305 = tpu.memref_squeeze %dma_start3A_304 : memref<1x1x1x8x128xf32, #tpu.memory_space<hbm>> -> memref<8x128xf32, #tpu.memory_space<hbm>>
      %dma_start3A_306 = arith.constant 24 : i32
      %dma_start3A_307 = arith.constant 0 : i32
      %dma_start3A_308 = tpu.memref_slice %arg11[%dma_start3A_306, %dma_start3A_307] : memref<64x129xf32, #tpu.memory_space<vmem>> -> memref<8x128xf32, #tpu.memory_space<vmem>>
      tpu.enqueue_dma source(%dma_start3A_308 : memref<8x128xf32, #tpu.memory_space<vmem>>) target(%dma_start3A_305 : memref<8x128xf32, #tpu.memory_space<hbm>>) target_semaphore(%arg19 : memref<!tpu.dma_semaphore, #tpu.memory_space<semaphore_mem>>)
      %dma_start3A_309 = arith.constant 4 : i32
      %dma_start3A_310 = arith.constant 32 : i32
      %dma_start3A_311 = arith.constant 0 : i32
      %dma_start3A_312 = tpu.memref_slice %arg11[%dma_start3A_310, %dma_start3A_311] : memref<64x129xf32, #tpu.memory_space<vmem>> -> memref<8x128xf32, #tpu.memory_space<vmem>>
      %dma_start3A_313 = arith.constant 0 : i32
      %dma_start3A_314 = arith.constant 0 : i32
      %dma_start3A_315 = tpu.memref_slice %arg4[%add3A_234, %dma_start3A_309, %and3A_229, %dma_start3A_313, %dma_start3A_314] : memref<200x8x32x8x128xf32, #tpu.memory_space<hbm>> -> memref<1x1x1x8x128xf32, #tpu.memory_space<hbm>>
      %dma_start3A_316 = tpu.memref_squeeze %dma_start3A_315 : memref<1x1x1x8x128xf32, #tpu.memory_space<hbm>> -> memref<8x128xf32, #tpu.memory_space<hbm>>
      %dma_start3A_317 = arith.constant 0 : i32
      %dma_start3A_318 = arith.constant 0 : i32
      %dma_start3A_319 = tpu.memref_slice %arg4[%add3A_234, %dma_start3A_309, %and3A_229, %dma_start3A_317, %dma_start3A_318] : memref<200x8x32x8x128xf32, #tpu.memory_space<hbm>> -> memref<1x1x1x8x128xf32, #tpu.memory_space<hbm>>
      %dma_start3A_320 = tpu.memref_squeeze %dma_start3A_319 : memref<1x1x1x8x128xf32, #tpu.memory_space<hbm>> -> memref<8x128xf32, #tpu.memory_space<hbm>>
      %dma_start3A_321 = arith.constant 32 : i32
      %dma_start3A_322 = arith.constant 0 : i32
      %dma_start3A_323 = tpu.memref_slice %arg11[%dma_start3A_321, %dma_start3A_322] : memref<64x129xf32, #tpu.memory_space<vmem>> -> memref<8x128xf32, #tpu.memory_space<vmem>>
      tpu.enqueue_dma source(%dma_start3A_323 : memref<8x128xf32, #tpu.memory_space<vmem>>) target(%dma_start3A_320 : memref<8x128xf32, #tpu.memory_space<hbm>>) target_semaphore(%arg19 : memref<!tpu.dma_semaphore, #tpu.memory_space<semaphore_mem>>)
      %dma_start3A_324 = arith.constant 5 : i32
      %dma_start3A_325 = arith.constant 40 : i32
      %dma_start3A_326 = arith.constant 0 : i32
      %dma_start3A_327 = tpu.memref_slice %arg11[%dma_start3A_325, %dma_start3A_326] : memref<64x129xf32, #tpu.memory_space<vmem>> -> memref<8x128xf32, #tpu.memory_space<vmem>>
      %dma_start3A_328 = arith.constant 0 : i32
      %dma_start3A_329 = arith.constant 0 : i32
      %dma_start3A_330 = tpu.memref_slice %arg4[%add3A_234, %dma_start3A_324, %and3A_229, %dma_start3A_328, %dma_start3A_329] : memref<200x8x32x8x128xf32, #tpu.memory_space<hbm>> -> memref<1x1x1x8x128xf32, #tpu.memory_space<hbm>>
      %dma_start3A_331 = tpu.memref_squeeze %dma_start3A_330 : memref<1x1x1x8x128xf32, #tpu.memory_space<hbm>> -> memref<8x128xf32, #tpu.memory_space<hbm>>
      %dma_start3A_332 = arith.constant 0 : i32
      %dma_start3A_333 = arith.constant 0 : i32
      %dma_start3A_334 = tpu.memref_slice %arg4[%add3A_234, %dma_start3A_324, %and3A_229, %dma_start3A_332, %dma_start3A_333] : memref<200x8x32x8x128xf32, #tpu.memory_space<hbm>> -> memref<1x1x1x8x128xf32, #tpu.memory_space<hbm>>
      %dma_start3A_335 = tpu.memref_squeeze %dma_start3A_334 : memref<1x1x1x8x128xf32, #tpu.memory_space<hbm>> -> memref<8x128xf32, #tpu.memory_space<hbm>>
      %dma_start3A_336 = arith.constant 40 : i32
      %dma_start3A_337 = arith.constant 0 : i32
      %dma_start3A_338 = tpu.memref_slice %arg11[%dma_start3A_336, %dma_start3A_337] : memref<64x129xf32, #tpu.memory_space<vmem>> -> memref<8x128xf32, #tpu.memory_space<vmem>>
      tpu.enqueue_dma source(%dma_start3A_338 : memref<8x128xf32, #tpu.memory_space<vmem>>) target(%dma_start3A_335 : memref<8x128xf32, #tpu.memory_space<hbm>>) target_semaphore(%arg19 : memref<!tpu.dma_semaphore, #tpu.memory_space<semaphore_mem>>)
      %dma_start3A_339 = arith.constant 6 : i32
      %dma_start3A_340 = arith.constant 48 : i32
      %dma_start3A_341 = arith.constant 0 : i32
      %dma_start3A_342 = tpu.memref_slice %arg11[%dma_start3A_340, %dma_start3A_341] : memref<64x129xf32, #tpu.memory_space<vmem>> -> memref<8x128xf32, #tpu.memory_space<vmem>>
      %dma_start3A_343 = arith.constant 0 : i32
      %dma_start3A_344 = arith.constant 0 : i32
      %dma_start3A_345 = tpu.memref_slice %arg4[%add3A_234, %dma_start3A_339, %and3A_229, %dma_start3A_343, %dma_start3A_344] : memref<200x8x32x8x128xf32, #tpu.memory_space<hbm>> -> memref<1x1x1x8x128xf32, #tpu.memory_space<hbm>>
      %dma_start3A_346 = tpu.memref_squeeze %dma_start3A_345 : memref<1x1x1x8x128xf32, #tpu.memory_space<hbm>> -> memref<8x128xf32, #tpu.memory_space<hbm>>
      %dma_start3A_347 = arith.constant 0 : i32
      %dma_start3A_348 = arith.constant 0 : i32
      %dma_start3A_349 = tpu.memref_slice %arg4[%add3A_234, %dma_start3A_339, %and3A_229, %dma_start3A_347, %dma_start3A_348] : memref<200x8x32x8x128xf32, #tpu.memory_space<hbm>> -> memref<1x1x1x8x128xf32, #tpu.memory_space<hbm>>
      %dma_start3A_350 = tpu.memref_squeeze %dma_start3A_349 : memref<1x1x1x8x128xf32, #tpu.memory_space<hbm>> -> memref<8x128xf32, #tpu.memory_space<hbm>>
      %dma_start3A_351 = arith.constant 48 : i32
      %dma_start3A_352 = arith.constant 0 : i32
      %dma_start3A_353 = tpu.memref_slice %arg11[%dma_start3A_351, %dma_start3A_352] : memref<64x129xf32, #tpu.memory_space<vmem>> -> memref<8x128xf32, #tpu.memory_space<vmem>>
      tpu.enqueue_dma source(%dma_start3A_353 : memref<8x128xf32, #tpu.memory_space<vmem>>) target(%dma_start3A_350 : memref<8x128xf32, #tpu.memory_space<hbm>>) target_semaphore(%arg19 : memref<!tpu.dma_semaphore, #tpu.memory_space<semaphore_mem>>)
      %dma_start3A_354 = arith.constant 7 : i32
      %dma_start3A_355 = arith.constant 56 : i32
      %dma_start3A_356 = arith.constant 0 : i32
      %dma_start3A_357 = tpu.memref_slice %arg11[%dma_start3A_355, %dma_start3A_356] : memref<64x129xf32, #tpu.memory_space<vmem>> -> memref<8x128xf32, #tpu.memory_space<vmem>>
      %dma_start3A_358 = arith.constant 0 : i32
      %dma_start3A_359 = arith.constant 0 : i32
      %dma_start3A_360 = tpu.memref_slice %arg4[%add3A_234, %dma_start3A_354, %and3A_229, %dma_start3A_358, %dma_start3A_359] : memref<200x8x32x8x128xf32, #tpu.memory_space<hbm>> -> memref<1x1x1x8x128xf32, #tpu.memory_space<hbm>>
      %dma_start3A_361 = tpu.memref_squeeze %dma_start3A_360 : memref<1x1x1x8x128xf32, #tpu.memory_space<hbm>> -> memref<8x128xf32, #tpu.memory_space<hbm>>
      %dma_start3A_362 = arith.constant 0 : i32
      %dma_start3A_363 = arith.constant 0 : i32
      %dma_start3A_364 = tpu.memref_slice %arg4[%add3A_234, %dma_start3A_354, %and3A_229, %dma_start3A_362, %dma_start3A_363] : memref<200x8x32x8x128xf32, #tpu.memory_space<hbm>> -> memref<1x1x1x8x128xf32, #tpu.memory_space<hbm>>
      %dma_start3A_365 = tpu.memref_squeeze %dma_start3A_364 : memref<1x1x1x8x128xf32, #tpu.memory_space<hbm>> -> memref<8x128xf32, #tpu.memory_space<hbm>>
      %dma_start3A_366 = arith.constant 56 : i32
      %dma_start3A_367 = arith.constant 0 : i32
      %dma_start3A_368 = tpu.memref_slice %arg11[%dma_start3A_366, %dma_start3A_367] : memref<64x129xf32, #tpu.memory_space<vmem>> -> memref<8x128xf32, #tpu.memory_space<vmem>>
      tpu.enqueue_dma source(%dma_start3A_368 : memref<8x128xf32, #tpu.memory_space<vmem>>) target(%dma_start3A_365 : memref<8x128xf32, #tpu.memory_space<hbm>>) target_semaphore(%arg19 : memref<!tpu.dma_semaphore, #tpu.memory_space<semaphore_mem>>)
      %lt3A_369 = arith.constant 196 : i32
      %lt3A_370 = arith.cmpi slt, %add3A_222, %lt3A_369 : i32
      %convert_element_type3A_371 = arith.extui %lt3A_370 : i1 to i32
      %cond3A_372 = arith.constant 0 : i32
      %cond3A_373 = arith.cmpi ne, %convert_element_type3A_371, %cond3A_372 : i32
      scf.if %cond3A_373 {
        %add3A_684 = arith.constant 4 : i32
        %add3A_685 = arith.addi %add3A_222, %add3A_684 : i32
        %dma_start3A_686 = arith.constant 0 : i32
        %dma_start3A_687 = tpu.memref_slice %arg5[%add3A_685, %dma_start3A_686] : memref<200x128xi32, #tpu.memory_space<vmem>> -> memref<1x128xi32, #tpu.memory_space<vmem>>
        %dma_start3A_688 = tpu.memref_squeeze %dma_start3A_687 : memref<1x128xi32, #tpu.memory_space<vmem>> -> memref<128xi32, #tpu.memory_space<vmem>>
        %dma_start3A_689 = arith.constant 0 : i32
        %dma_start3A_690 = arith.constant 0 : i32
        %dma_start3A_691 = tpu.memref_slice %arg2[%dma_start3A_689, %dma_start3A_690] : memref<1000000x64xf32, #tpu.memory_space<hbm>> -> memref<1000000x64xf32, #tpu.memory_space<hbm>>
        tpu.enqueue_indirect_dma source(%dma_start3A_691 : memref<1000000x64xf32, #tpu.memory_space<hbm>>) target(%arg7 : memref<128x64xf32, #tpu.memory_space<vmem>>) offsets(%dma_start3A_688 : memref<128xi32, #tpu.memory_space<vmem>>) semaphore(%arg15 : memref<!tpu.dma_semaphore, #tpu.memory_space<semaphore_mem>>)
      } else {
      }
      %mul3A_374 = arith.constant 4 : i32
      %mul3A_375 = arith.muli %mul3A_374, %scan3A_70 : i32
      %add3A_376 = arith.constant 2 : i32
      %add3A_377 = arith.addi %mul3A_375, %add3A_376 : i32
      %add3A_378 = arith.addi %mul3A_2, %add3A_377 : i32
      %shift_right_logical3A_379 = arith.constant 8 : i32
      %shift_right_logical3A_380 = arith.shrui %add3A_378, %shift_right_logical3A_379 : i32
      %shift_right_logical3A_381 = arith.constant 3 : i32
      %shift_right_logical3A_382 = arith.shrui %add3A_378, %shift_right_logical3A_381 : i32
      %and3A_383 = arith.constant 31 : i32
      %and3A_384 = arith.andi %shift_right_logical3A_382, %and3A_383 : i32
      %and3A_385 = arith.constant 7 : i32
      %and3A_386 = arith.andi %add3A_378, %and3A_385 : i32
      %mul3A_387 = arith.constant 8 : i32
      %mul3A_388 = arith.muli %shift_right_logical3A_380, %mul3A_387 : i32
      %add3A_389 = arith.addi %mul3A_388, %and3A_386 : i32
      %dma_wait3A_390 = arith.constant 0 : i32
      %dma_wait3A_391 = arith.constant 0 : i32
      %dma_wait3A_392 = tpu.memref_slice %arg2[%dma_wait3A_390, %dma_wait3A_391] : memref<1000000x64xf32, #tpu.memory_space<hbm>> -> memref<128x64xf32, #tpu.memory_space<hbm>>
      %dma_wait3A_393 = arith.constant 0 : i32
      %dma_wait3A_394 = arith.constant 0 : i32
      %dma_wait3A_395 = tpu.memref_slice %arg2[%dma_wait3A_393, %dma_wait3A_394] : memref<1000000x64xf32, #tpu.memory_space<hbm>> -> memref<128x64xf32, #tpu.memory_space<hbm>>
      tpu.wait_dma2 semaphore(%arg16 : memref<!tpu.dma_semaphore, #tpu.memory_space<semaphore_mem>>) src(%dma_wait3A_395 : memref<128x64xf32, #tpu.memory_space<hbm>>) dst(%arg8 : memref<128x64xf32, #tpu.memory_space<vmem>>)
      %ge3A_396 = arith.constant 1 : i32
      %ge3A_397 = arith.cmpi sge, %scan3A_70, %ge3A_396 : i32
      %convert_element_type3A_398 = arith.extui %ge3A_397 : i1 to i32
      %cond3A_399 = arith.constant 0 : i32
      %cond3A_400 = arith.cmpi ne, %convert_element_type3A_398, %cond3A_399 : i32
      scf.if %cond3A_400 {
        %dma_wait3A_684 = arith.constant 0 : i32
        %dma_wait3A_685 = arith.constant 0 : i32
        %dma_wait3A_686 = tpu.memref_slice %arg2[%dma_wait3A_684, %dma_wait3A_685] : memref<1000000x64xf32, #tpu.memory_space<hbm>> -> memref<128x64xf32, #tpu.memory_space<hbm>>
        %dma_wait3A_687 = arith.constant 0 : i32
        %dma_wait3A_688 = arith.constant 0 : i32
        %dma_wait3A_689 = tpu.memref_slice %arg2[%dma_wait3A_687, %dma_wait3A_688] : memref<1000000x64xf32, #tpu.memory_space<hbm>> -> memref<128x64xf32, #tpu.memory_space<hbm>>
        tpu.wait_dma2 semaphore(%arg20 : memref<!tpu.dma_semaphore, #tpu.memory_space<semaphore_mem>>) src(%dma_wait3A_689 : memref<128x64xf32, #tpu.memory_space<hbm>>) dst(%arg8 : memref<128x64xf32, #tpu.memory_space<vmem>>)
      } else {
      }
      %parallel_loop3A_401 = arith.constant 0 : i32
      %parallel_loop3A_402 = arith.constant 128 : i32
      %parallel_loop3A_403 = arith.constant 1 : i32
      scf.for %parallel_loop3A_684 = %parallel_loop3A_401 to %parallel_loop3A_402 step %parallel_loop3A_403  : i32 {
        %parallel_loop3A_685 = vector.broadcast %parallel_loop3A_684 : i32 to vector<16xi32>
        %parallel_loop3A_686 = arith.index_cast %parallel_loop3A_684 : i32 to index
        %parallel_loop3A_687 = arith.constant 0 : index
        %parallel_loop3A_688 = tpu.vector_load %arg8[%parallel_loop3A_686, %parallel_loop3A_687] {strides = array<i32>} : memref<128x64xf32, #tpu.memory_space<vmem>>, vector<16xf32>,
        %parallel_loop3A_689 = arith.constant 8.000000e+00 : f32
        %parallel_loop3A_690 = vector.broadcast %parallel_loop3A_689 : f32 to vector<16xf32>
        %parallel_loop3A_691 = arith.mulf %parallel_loop3A_688, %parallel_loop3A_690 : vector<16xf32>
        tpu.vector_store_idx %arg12[%add3A_5, %parallel_loop3A_685], %parallel_loop3A_691 : memref<64x129xf32, #tpu.memory_space<vmem>>[vector<16xi32>, vector<16xi32>], vector<16xf32>,
        %parallel_loop3A_692 = arith.index_cast %parallel_loop3A_684 : i32 to index
        %parallel_loop3A_693 = arith.constant 16 : index
        %parallel_loop3A_694 = tpu.vector_load %arg8[%parallel_loop3A_692, %parallel_loop3A_693] {strides = array<i32>} : memref<128x64xf32, #tpu.memory_space<vmem>>, vector<16xf32>,
        %parallel_loop3A_695 = arith.constant 8.000000e+00 : f32
        %parallel_loop3A_696 = vector.broadcast %parallel_loop3A_695 : f32 to vector<16xf32>
        %parallel_loop3A_697 = arith.mulf %parallel_loop3A_694, %parallel_loop3A_696 : vector<16xf32>
        tpu.vector_store_idx %arg12[%add3A_8, %parallel_loop3A_685], %parallel_loop3A_697 : memref<64x129xf32, #tpu.memory_space<vmem>>[vector<16xi32>, vector<16xi32>], vector<16xf32>,
        %parallel_loop3A_698 = arith.index_cast %parallel_loop3A_684 : i32 to index
        %parallel_loop3A_699 = arith.constant 32 : index
        %parallel_loop3A_700 = tpu.vector_load %arg8[%parallel_loop3A_698, %parallel_loop3A_699] {strides = array<i32>} : memref<128x64xf32, #tpu.memory_space<vmem>>, vector<16xf32>,
        %parallel_loop3A_701 = arith.constant 8.000000e+00 : f32
        %parallel_loop3A_702 = vector.broadcast %parallel_loop3A_701 : f32 to vector<16xf32>
        %parallel_loop3A_703 = arith.mulf %parallel_loop3A_700, %parallel_loop3A_702 : vector<16xf32>
        tpu.vector_store_idx %arg12[%add3A_11, %parallel_loop3A_685], %parallel_loop3A_703 : memref<64x129xf32, #tpu.memory_space<vmem>>[vector<16xi32>, vector<16xi32>], vector<16xf32>,
        %parallel_loop3A_704 = arith.index_cast %parallel_loop3A_684 : i32 to index
        %parallel_loop3A_705 = arith.constant 48 : index
        %parallel_loop3A_706 = tpu.vector_load %arg8[%parallel_loop3A_704, %parallel_loop3A_705] {strides = array<i32>} : memref<128x64xf32, #tpu.memory_space<vmem>>, vector<16xf32>,
        %parallel_loop3A_707 = arith.constant 8.000000e+00 : f32
        %parallel_loop3A_708 = vector.broadcast %parallel_loop3A_707 : f32 to vector<16xf32>
        %parallel_loop3A_709 = arith.mulf %parallel_loop3A_706, %parallel_loop3A_708 : vector<16xf32>
        tpu.vector_store_idx %arg12[%add3A_14, %parallel_loop3A_685], %parallel_loop3A_709 : memref<64x129xf32, #tpu.memory_space<vmem>>[vector<16xi32>, vector<16xi32>], vector<16xf32>,
      } {sc.loop_unroll_factor = 4 : i64, sc.parallel_access}
      %dma_start3A_404 = arith.constant 0 : i32
      %dma_start3A_405 = arith.constant 0 : i32
      %dma_start3A_406 = arith.constant 0 : i32
      %dma_start3A_407 = tpu.memref_slice %arg12[%dma_start3A_405, %dma_start3A_406] : memref<64x129xf32, #tpu.memory_space<vmem>> -> memref<8x128xf32, #tpu.memory_space<vmem>>
      %dma_start3A_408 = arith.constant 0 : i32
      %dma_start3A_409 = arith.constant 0 : i32
      %dma_start3A_410 = tpu.memref_slice %arg4[%add3A_389, %dma_start3A_404, %and3A_384, %dma_start3A_408, %dma_start3A_409] : memref<200x8x32x8x128xf32, #tpu.memory_space<hbm>> -> memref<1x1x1x8x128xf32, #tpu.memory_space<hbm>>
      %dma_start3A_411 = tpu.memref_squeeze %dma_start3A_410 : memref<1x1x1x8x128xf32, #tpu.memory_space<hbm>> -> memref<8x128xf32, #tpu.memory_space<hbm>>
      %dma_start3A_412 = arith.constant 0 : i32
      %dma_start3A_413 = arith.constant 0 : i32
      %dma_start3A_414 = tpu.memref_slice %arg4[%add3A_389, %dma_start3A_404, %and3A_384, %dma_start3A_412, %dma_start3A_413] : memref<200x8x32x8x128xf32, #tpu.memory_space<hbm>> -> memref<1x1x1x8x128xf32, #tpu.memory_space<hbm>>
      %dma_start3A_415 = tpu.memref_squeeze %dma_start3A_414 : memref<1x1x1x8x128xf32, #tpu.memory_space<hbm>> -> memref<8x128xf32, #tpu.memory_space<hbm>>
      %dma_start3A_416 = arith.constant 0 : i32
      %dma_start3A_417 = arith.constant 0 : i32
      %dma_start3A_418 = tpu.memref_slice %arg12[%dma_start3A_416, %dma_start3A_417] : memref<64x129xf32, #tpu.memory_space<vmem>> -> memref<8x128xf32, #tpu.memory_space<vmem>>
      tpu.enqueue_dma source(%dma_start3A_418 : memref<8x128xf32, #tpu.memory_space<vmem>>) target(%dma_start3A_415 : memref<8x128xf32, #tpu.memory_space<hbm>>) target_semaphore(%arg20 : memref<!tpu.dma_semaphore, #tpu.memory_space<semaphore_mem>>)
      %dma_start3A_419 = arith.constant 1 : i32
      %dma_start3A_420 = arith.constant 8 : i32
      %dma_start3A_421 = arith.constant 0 : i32
      %dma_start3A_422 = tpu.memref_slice %arg12[%dma_start3A_420, %dma_start3A_421] : memref<64x129xf32, #tpu.memory_space<vmem>> -> memref<8x128xf32, #tpu.memory_space<vmem>>
      %dma_start3A_423 = arith.constant 0 : i32
      %dma_start3A_424 = arith.constant 0 : i32
      %dma_start3A_425 = tpu.memref_slice %arg4[%add3A_389, %dma_start3A_419, %and3A_384, %dma_start3A_423, %dma_start3A_424] : memref<200x8x32x8x128xf32, #tpu.memory_space<hbm>> -> memref<1x1x1x8x128xf32, #tpu.memory_space<hbm>>
      %dma_start3A_426 = tpu.memref_squeeze %dma_start3A_425 : memref<1x1x1x8x128xf32, #tpu.memory_space<hbm>> -> memref<8x128xf32, #tpu.memory_space<hbm>>
      %dma_start3A_427 = arith.constant 0 : i32
      %dma_start3A_428 = arith.constant 0 : i32
      %dma_start3A_429 = tpu.memref_slice %arg4[%add3A_389, %dma_start3A_419, %and3A_384, %dma_start3A_427, %dma_start3A_428] : memref<200x8x32x8x128xf32, #tpu.memory_space<hbm>> -> memref<1x1x1x8x128xf32, #tpu.memory_space<hbm>>
      %dma_start3A_430 = tpu.memref_squeeze %dma_start3A_429 : memref<1x1x1x8x128xf32, #tpu.memory_space<hbm>> -> memref<8x128xf32, #tpu.memory_space<hbm>>
      %dma_start3A_431 = arith.constant 8 : i32
      %dma_start3A_432 = arith.constant 0 : i32
      %dma_start3A_433 = tpu.memref_slice %arg12[%dma_start3A_431, %dma_start3A_432] : memref<64x129xf32, #tpu.memory_space<vmem>> -> memref<8x128xf32, #tpu.memory_space<vmem>>
      tpu.enqueue_dma source(%dma_start3A_433 : memref<8x128xf32, #tpu.memory_space<vmem>>) target(%dma_start3A_430 : memref<8x128xf32, #tpu.memory_space<hbm>>) target_semaphore(%arg20 : memref<!tpu.dma_semaphore, #tpu.memory_space<semaphore_mem>>)
      %dma_start3A_434 = arith.constant 2 : i32
      %dma_start3A_435 = arith.constant 16 : i32
      %dma_start3A_436 = arith.constant 0 : i32
      %dma_start3A_437 = tpu.memref_slice %arg12[%dma_start3A_435, %dma_start3A_436] : memref<64x129xf32, #tpu.memory_space<vmem>> -> memref<8x128xf32, #tpu.memory_space<vmem>>
      %dma_start3A_438 = arith.constant 0 : i32
      %dma_start3A_439 = arith.constant 0 : i32
      %dma_start3A_440 = tpu.memref_slice %arg4[%add3A_389, %dma_start3A_434, %and3A_384, %dma_start3A_438, %dma_start3A_439] : memref<200x8x32x8x128xf32, #tpu.memory_space<hbm>> -> memref<1x1x1x8x128xf32, #tpu.memory_space<hbm>>
      %dma_start3A_441 = tpu.memref_squeeze %dma_start3A_440 : memref<1x1x1x8x128xf32, #tpu.memory_space<hbm>> -> memref<8x128xf32, #tpu.memory_space<hbm>>
      %dma_start3A_442 = arith.constant 0 : i32
      %dma_start3A_443 = arith.constant 0 : i32
      %dma_start3A_444 = tpu.memref_slice %arg4[%add3A_389, %dma_start3A_434, %and3A_384, %dma_start3A_442, %dma_start3A_443] : memref<200x8x32x8x128xf32, #tpu.memory_space<hbm>> -> memref<1x1x1x8x128xf32, #tpu.memory_space<hbm>>
      %dma_start3A_445 = tpu.memref_squeeze %dma_start3A_444 : memref<1x1x1x8x128xf32, #tpu.memory_space<hbm>> -> memref<8x128xf32, #tpu.memory_space<hbm>>
      %dma_start3A_446 = arith.constant 16 : i32
      %dma_start3A_447 = arith.constant 0 : i32
      %dma_start3A_448 = tpu.memref_slice %arg12[%dma_start3A_446, %dma_start3A_447] : memref<64x129xf32, #tpu.memory_space<vmem>> -> memref<8x128xf32, #tpu.memory_space<vmem>>
      tpu.enqueue_dma source(%dma_start3A_448 : memref<8x128xf32, #tpu.memory_space<vmem>>) target(%dma_start3A_445 : memref<8x128xf32, #tpu.memory_space<hbm>>) target_semaphore(%arg20 : memref<!tpu.dma_semaphore, #tpu.memory_space<semaphore_mem>>)
      %dma_start3A_449 = arith.constant 3 : i32
      %dma_start3A_450 = arith.constant 24 : i32
      %dma_start3A_451 = arith.constant 0 : i32
      %dma_start3A_452 = tpu.memref_slice %arg12[%dma_start3A_450, %dma_start3A_451] : memref<64x129xf32, #tpu.memory_space<vmem>> -> memref<8x128xf32, #tpu.memory_space<vmem>>
      %dma_start3A_453 = arith.constant 0 : i32
      %dma_start3A_454 = arith.constant 0 : i32
      %dma_start3A_455 = tpu.memref_slice %arg4[%add3A_389, %dma_start3A_449, %and3A_384, %dma_start3A_453, %dma_start3A_454] : memref<200x8x32x8x128xf32, #tpu.memory_space<hbm>> -> memref<1x1x1x8x128xf32, #tpu.memory_space<hbm>>
      %dma_start3A_456 = tpu.memref_squeeze %dma_start3A_455 : memref<1x1x1x8x128xf32, #tpu.memory_space<hbm>> -> memref<8x128xf32, #tpu.memory_space<hbm>>
      %dma_start3A_457 = arith.constant 0 : i32
      %dma_start3A_458 = arith.constant 0 : i32
      %dma_start3A_459 = tpu.memref_slice %arg4[%add3A_389, %dma_start3A_449, %and3A_384, %dma_start3A_457, %dma_start3A_458] : memref<200x8x32x8x128xf32, #tpu.memory_space<hbm>> -> memref<1x1x1x8x128xf32, #tpu.memory_space<hbm>>
      %dma_start3A_460 = tpu.memref_squeeze %dma_start3A_459 : memref<1x1x1x8x128xf32, #tpu.memory_space<hbm>> -> memref<8x128xf32, #tpu.memory_space<hbm>>
      %dma_start3A_461 = arith.constant 24 : i32
      %dma_start3A_462 = arith.constant 0 : i32
      %dma_start3A_463 = tpu.memref_slice %arg12[%dma_start3A_461, %dma_start3A_462] : memref<64x129xf32, #tpu.memory_space<vmem>> -> memref<8x128xf32, #tpu.memory_space<vmem>>
      tpu.enqueue_dma source(%dma_start3A_463 : memref<8x128xf32, #tpu.memory_space<vmem>>) target(%dma_start3A_460 : memref<8x128xf32, #tpu.memory_space<hbm>>) target_semaphore(%arg20 : memref<!tpu.dma_semaphore, #tpu.memory_space<semaphore_mem>>)
      %dma_start3A_464 = arith.constant 4 : i32
      %dma_start3A_465 = arith.constant 32 : i32
      %dma_start3A_466 = arith.constant 0 : i32
      %dma_start3A_467 = tpu.memref_slice %arg12[%dma_start3A_465, %dma_start3A_466] : memref<64x129xf32, #tpu.memory_space<vmem>> -> memref<8x128xf32, #tpu.memory_space<vmem>>
      %dma_start3A_468 = arith.constant 0 : i32
      %dma_start3A_469 = arith.constant 0 : i32
      %dma_start3A_470 = tpu.memref_slice %arg4[%add3A_389, %dma_start3A_464, %and3A_384, %dma_start3A_468, %dma_start3A_469] : memref<200x8x32x8x128xf32, #tpu.memory_space<hbm>> -> memref<1x1x1x8x128xf32, #tpu.memory_space<hbm>>
      %dma_start3A_471 = tpu.memref_squeeze %dma_start3A_470 : memref<1x1x1x8x128xf32, #tpu.memory_space<hbm>> -> memref<8x128xf32, #tpu.memory_space<hbm>>
      %dma_start3A_472 = arith.constant 0 : i32
      %dma_start3A_473 = arith.constant 0 : i32
      %dma_start3A_474 = tpu.memref_slice %arg4[%add3A_389, %dma_start3A_464, %and3A_384, %dma_start3A_472, %dma_start3A_473] : memref<200x8x32x8x128xf32, #tpu.memory_space<hbm>> -> memref<1x1x1x8x128xf32, #tpu.memory_space<hbm>>
      %dma_start3A_475 = tpu.memref_squeeze %dma_start3A_474 : memref<1x1x1x8x128xf32, #tpu.memory_space<hbm>> -> memref<8x128xf32, #tpu.memory_space<hbm>>
      %dma_start3A_476 = arith.constant 32 : i32
      %dma_start3A_477 = arith.constant 0 : i32
      %dma_start3A_478 = tpu.memref_slice %arg12[%dma_start3A_476, %dma_start3A_477] : memref<64x129xf32, #tpu.memory_space<vmem>> -> memref<8x128xf32, #tpu.memory_space<vmem>>
      tpu.enqueue_dma source(%dma_start3A_478 : memref<8x128xf32, #tpu.memory_space<vmem>>) target(%dma_start3A_475 : memref<8x128xf32, #tpu.memory_space<hbm>>) target_semaphore(%arg20 : memref<!tpu.dma_semaphore, #tpu.memory_space<semaphore_mem>>)
      %dma_start3A_479 = arith.constant 5 : i32
      %dma_start3A_480 = arith.constant 40 : i32
      %dma_start3A_481 = arith.constant 0 : i32
      %dma_start3A_482 = tpu.memref_slice %arg12[%dma_start3A_480, %dma_start3A_481] : memref<64x129xf32, #tpu.memory_space<vmem>> -> memref<8x128xf32, #tpu.memory_space<vmem>>
      %dma_start3A_483 = arith.constant 0 : i32
      %dma_start3A_484 = arith.constant 0 : i32
      %dma_start3A_485 = tpu.memref_slice %arg4[%add3A_389, %dma_start3A_479, %and3A_384, %dma_start3A_483, %dma_start3A_484] : memref<200x8x32x8x128xf32, #tpu.memory_space<hbm>> -> memref<1x1x1x8x128xf32, #tpu.memory_space<hbm>>
      %dma_start3A_486 = tpu.memref_squeeze %dma_start3A_485 : memref<1x1x1x8x128xf32, #tpu.memory_space<hbm>> -> memref<8x128xf32, #tpu.memory_space<hbm>>
      %dma_start3A_487 = arith.constant 0 : i32
      %dma_start3A_488 = arith.constant 0 : i32
      %dma_start3A_489 = tpu.memref_slice %arg4[%add3A_389, %dma_start3A_479, %and3A_384, %dma_start3A_487, %dma_start3A_488] : memref<200x8x32x8x128xf32, #tpu.memory_space<hbm>> -> memref<1x1x1x8x128xf32, #tpu.memory_space<hbm>>
      %dma_start3A_490 = tpu.memref_squeeze %dma_start3A_489 : memref<1x1x1x8x128xf32, #tpu.memory_space<hbm>> -> memref<8x128xf32, #tpu.memory_space<hbm>>
      %dma_start3A_491 = arith.constant 40 : i32
      %dma_start3A_492 = arith.constant 0 : i32
      %dma_start3A_493 = tpu.memref_slice %arg12[%dma_start3A_491, %dma_start3A_492] : memref<64x129xf32, #tpu.memory_space<vmem>> -> memref<8x128xf32, #tpu.memory_space<vmem>>
      tpu.enqueue_dma source(%dma_start3A_493 : memref<8x128xf32, #tpu.memory_space<vmem>>) target(%dma_start3A_490 : memref<8x128xf32, #tpu.memory_space<hbm>>) target_semaphore(%arg20 : memref<!tpu.dma_semaphore, #tpu.memory_space<semaphore_mem>>)
      %dma_start3A_494 = arith.constant 6 : i32
      %dma_start3A_495 = arith.constant 48 : i32
      %dma_start3A_496 = arith.constant 0 : i32
      %dma_start3A_497 = tpu.memref_slice %arg12[%dma_start3A_495, %dma_start3A_496] : memref<64x129xf32, #tpu.memory_space<vmem>> -> memref<8x128xf32, #tpu.memory_space<vmem>>
      %dma_start3A_498 = arith.constant 0 : i32
      %dma_start3A_499 = arith.constant 0 : i32
      %dma_start3A_500 = tpu.memref_slice %arg4[%add3A_389, %dma_start3A_494, %and3A_384, %dma_start3A_498, %dma_start3A_499] : memref<200x8x32x8x128xf32, #tpu.memory_space<hbm>> -> memref<1x1x1x8x128xf32, #tpu.memory_space<hbm>>
      %dma_start3A_501 = tpu.memref_squeeze %dma_start3A_500 : memref<1x1x1x8x128xf32, #tpu.memory_space<hbm>> -> memref<8x128xf32, #tpu.memory_space<hbm>>
      %dma_start3A_502 = arith.constant 0 : i32
      %dma_start3A_503 = arith.constant 0 : i32
      %dma_start3A_504 = tpu.memref_slice %arg4[%add3A_389, %dma_start3A_494, %and3A_384, %dma_start3A_502, %dma_start3A_503] : memref<200x8x32x8x128xf32, #tpu.memory_space<hbm>> -> memref<1x1x1x8x128xf32, #tpu.memory_space<hbm>>
      %dma_start3A_505 = tpu.memref_squeeze %dma_start3A_504 : memref<1x1x1x8x128xf32, #tpu.memory_space<hbm>> -> memref<8x128xf32, #tpu.memory_space<hbm>>
      %dma_start3A_506 = arith.constant 48 : i32
      %dma_start3A_507 = arith.constant 0 : i32
      %dma_start3A_508 = tpu.memref_slice %arg12[%dma_start3A_506, %dma_start3A_507] : memref<64x129xf32, #tpu.memory_space<vmem>> -> memref<8x128xf32, #tpu.memory_space<vmem>>
      tpu.enqueue_dma source(%dma_start3A_508 : memref<8x128xf32, #tpu.memory_space<vmem>>) target(%dma_start3A_505 : memref<8x128xf32, #tpu.memory_space<hbm>>) target_semaphore(%arg20 : memref<!tpu.dma_semaphore, #tpu.memory_space<semaphore_mem>>)
      %dma_start3A_509 = arith.constant 7 : i32
      %dma_start3A_510 = arith.constant 56 : i32
      %dma_start3A_511 = arith.constant 0 : i32
      %dma_start3A_512 = tpu.memref_slice %arg12[%dma_start3A_510, %dma_start3A_511] : memref<64x129xf32, #tpu.memory_space<vmem>> -> memref<8x128xf32, #tpu.memory_space<vmem>>
      %dma_start3A_513 = arith.constant 0 : i32
      %dma_start3A_514 = arith.constant 0 : i32
      %dma_start3A_515 = tpu.memref_slice %arg4[%add3A_389, %dma_start3A_509, %and3A_384, %dma_start3A_513, %dma_start3A_514] : memref<200x8x32x8x128xf32, #tpu.memory_space<hbm>> -> memref<1x1x1x8x128xf32, #tpu.memory_space<hbm>>
      %dma_start3A_516 = tpu.memref_squeeze %dma_start3A_515 : memref<1x1x1x8x128xf32, #tpu.memory_space<hbm>> -> memref<8x128xf32, #tpu.memory_space<hbm>>
      %dma_start3A_517 = arith.constant 0 : i32
      %dma_start3A_518 = arith.constant 0 : i32
      %dma_start3A_519 = tpu.memref_slice %arg4[%add3A_389, %dma_start3A_509, %and3A_384, %dma_start3A_517, %dma_start3A_518] : memref<200x8x32x8x128xf32, #tpu.memory_space<hbm>> -> memref<1x1x1x8x128xf32, #tpu.memory_space<hbm>>
      %dma_start3A_520 = tpu.memref_squeeze %dma_start3A_519 : memref<1x1x1x8x128xf32, #tpu.memory_space<hbm>> -> memref<8x128xf32, #tpu.memory_space<hbm>>
      %dma_start3A_521 = arith.constant 56 : i32
      %dma_start3A_522 = arith.constant 0 : i32
      %dma_start3A_523 = tpu.memref_slice %arg12[%dma_start3A_521, %dma_start3A_522] : memref<64x129xf32, #tpu.memory_space<vmem>> -> memref<8x128xf32, #tpu.memory_space<vmem>>
      tpu.enqueue_dma source(%dma_start3A_523 : memref<8x128xf32, #tpu.memory_space<vmem>>) target(%dma_start3A_520 : memref<8x128xf32, #tpu.memory_space<hbm>>) target_semaphore(%arg20 : memref<!tpu.dma_semaphore, #tpu.memory_space<semaphore_mem>>)
      %lt3A_524 = arith.constant 196 : i32
      %lt3A_525 = arith.cmpi slt, %add3A_377, %lt3A_524 : i32
      %convert_element_type3A_526 = arith.extui %lt3A_525 : i1 to i32
      %cond3A_527 = arith.constant 0 : i32
      %cond3A_528 = arith.cmpi ne, %convert_element_type3A_526, %cond3A_527 : i32
      scf.if %cond3A_528 {
        %add3A_684 = arith.constant 4 : i32
        %add3A_685 = arith.addi %add3A_377, %add3A_684 : i32
        %dma_start3A_686 = arith.constant 0 : i32
        %dma_start3A_687 = tpu.memref_slice %arg5[%add3A_685, %dma_start3A_686] : memref<200x128xi32, #tpu.memory_space<vmem>> -> memref<1x128xi32, #tpu.memory_space<vmem>>
        %dma_start3A_688 = tpu.memref_squeeze %dma_start3A_687 : memref<1x128xi32, #tpu.memory_space<vmem>> -> memref<128xi32, #tpu.memory_space<vmem>>
        %dma_start3A_689 = arith.constant 0 : i32
        %dma_start3A_690 = arith.constant 0 : i32
        %dma_start3A_691 = tpu.memref_slice %arg2[%dma_start3A_689, %dma_start3A_690] : memref<1000000x64xf32, #tpu.memory_space<hbm>> -> memref<1000000x64xf32, #tpu.memory_space<hbm>>
        tpu.enqueue_indirect_dma source(%dma_start3A_691 : memref<1000000x64xf32, #tpu.memory_space<hbm>>) target(%arg8 : memref<128x64xf32, #tpu.memory_space<vmem>>) offsets(%dma_start3A_688 : memref<128xi32, #tpu.memory_space<vmem>>) semaphore(%arg16 : memref<!tpu.dma_semaphore, #tpu.memory_space<semaphore_mem>>)
      } else {
      }
      %mul3A_529 = arith.constant 4 : i32
      %mul3A_530 = arith.muli %mul3A_529, %scan3A_70 : i32
      %add3A_531 = arith.constant 3 : i32
      %add3A_532 = arith.addi %mul3A_530, %add3A_531 : i32
      %add3A_533 = arith.addi %mul3A_2, %add3A_532 : i32
      %shift_right_logical3A_534 = arith.constant 8 : i32
      %shift_right_logical3A_535 = arith.shrui %add3A_533, %shift_right_logical3A_534 : i32
      %shift_right_logical3A_536 = arith.constant 3 : i32
      %shift_right_logical3A_537 = arith.shrui %add3A_533, %shift_right_logical3A_536 : i32
      %and3A_538 = arith.constant 31 : i32
      %and3A_539 = arith.andi %shift_right_logical3A_537, %and3A_538 : i32
      %and3A_540 = arith.constant 7 : i32
      %and3A_541 = arith.andi %add3A_533, %and3A_540 : i32
      %mul3A_542 = arith.constant 8 : i32
      %mul3A_543 = arith.muli %shift_right_logical3A_535, %mul3A_542 : i32
      %add3A_544 = arith.addi %mul3A_543, %and3A_541 : i32
      %dma_wait3A_545 = arith.constant 0 : i32
      %dma_wait3A_546 = arith.constant 0 : i32
      %dma_wait3A_547 = tpu.memref_slice %arg2[%dma_wait3A_545, %dma_wait3A_546] : memref<1000000x64xf32, #tpu.memory_space<hbm>> -> memref<128x64xf32, #tpu.memory_space<hbm>>
      %dma_wait3A_548 = arith.constant 0 : i32
      %dma_wait3A_549 = arith.constant 0 : i32
      %dma_wait3A_550 = tpu.memref_slice %arg2[%dma_wait3A_548, %dma_wait3A_549] : memref<1000000x64xf32, #tpu.memory_space<hbm>> -> memref<128x64xf32, #tpu.memory_space<hbm>>
      tpu.wait_dma2 semaphore(%arg17 : memref<!tpu.dma_semaphore, #tpu.memory_space<semaphore_mem>>) src(%dma_wait3A_550 : memref<128x64xf32, #tpu.memory_space<hbm>>) dst(%arg9 : memref<128x64xf32, #tpu.memory_space<vmem>>)
      %ge3A_551 = arith.constant 1 : i32
      %ge3A_552 = arith.cmpi sge, %scan3A_70, %ge3A_551 : i32
      %convert_element_type3A_553 = arith.extui %ge3A_552 : i1 to i32
      %cond3A_554 = arith.constant 0 : i32
      %cond3A_555 = arith.cmpi ne, %convert_element_type3A_553, %cond3A_554 : i32
      scf.if %cond3A_555 {
        %dma_wait3A_684 = arith.constant 0 : i32
        %dma_wait3A_685 = arith.constant 0 : i32
        %dma_wait3A_686 = tpu.memref_slice %arg2[%dma_wait3A_684, %dma_wait3A_685] : memref<1000000x64xf32, #tpu.memory_space<hbm>> -> memref<128x64xf32, #tpu.memory_space<hbm>>
        %dma_wait3A_687 = arith.constant 0 : i32
        %dma_wait3A_688 = arith.constant 0 : i32
        %dma_wait3A_689 = tpu.memref_slice %arg2[%dma_wait3A_687, %dma_wait3A_688] : memref<1000000x64xf32, #tpu.memory_space<hbm>> -> memref<128x64xf32, #tpu.memory_space<hbm>>
        tpu.wait_dma2 semaphore(%arg21 : memref<!tpu.dma_semaphore, #tpu.memory_space<semaphore_mem>>) src(%dma_wait3A_689 : memref<128x64xf32, #tpu.memory_space<hbm>>) dst(%arg9 : memref<128x64xf32, #tpu.memory_space<vmem>>)
      } else {
      }
      %parallel_loop3A_556 = arith.constant 0 : i32
      %parallel_loop3A_557 = arith.constant 128 : i32
      %parallel_loop3A_558 = arith.constant 1 : i32
      scf.for %parallel_loop3A_684 = %parallel_loop3A_556 to %parallel_loop3A_557 step %parallel_loop3A_558  : i32 {
        %parallel_loop3A_685 = vector.broadcast %parallel_loop3A_684 : i32 to vector<16xi32>
        %parallel_loop3A_686 = arith.index_cast %parallel_loop3A_684 : i32 to index
        %parallel_loop3A_687 = arith.constant 0 : index
        %parallel_loop3A_688 = tpu.vector_load %arg9[%parallel_loop3A_686, %parallel_loop3A_687] {strides = array<i32>} : memref<128x64xf32, #tpu.memory_space<vmem>>, vector<16xf32>,
        %parallel_loop3A_689 = arith.constant 8.000000e+00 : f32
        %parallel_loop3A_690 = vector.broadcast %parallel_loop3A_689 : f32 to vector<16xf32>
        %parallel_loop3A_691 = arith.mulf %parallel_loop3A_688, %parallel_loop3A_690 : vector<16xf32>
        tpu.vector_store_idx %arg13[%add3A_5, %parallel_loop3A_685], %parallel_loop3A_691 : memref<64x129xf32, #tpu.memory_space<vmem>>[vector<16xi32>, vector<16xi32>], vector<16xf32>,
        %parallel_loop3A_692 = arith.index_cast %parallel_loop3A_684 : i32 to index
        %parallel_loop3A_693 = arith.constant 16 : index
        %parallel_loop3A_694 = tpu.vector_load %arg9[%parallel_loop3A_692, %parallel_loop3A_693] {strides = array<i32>} : memref<128x64xf32, #tpu.memory_space<vmem>>, vector<16xf32>,
        %parallel_loop3A_695 = arith.constant 8.000000e+00 : f32
        %parallel_loop3A_696 = vector.broadcast %parallel_loop3A_695 : f32 to vector<16xf32>
        %parallel_loop3A_697 = arith.mulf %parallel_loop3A_694, %parallel_loop3A_696 : vector<16xf32>
        tpu.vector_store_idx %arg13[%add3A_8, %parallel_loop3A_685], %parallel_loop3A_697 : memref<64x129xf32, #tpu.memory_space<vmem>>[vector<16xi32>, vector<16xi32>], vector<16xf32>,
        %parallel_loop3A_698 = arith.index_cast %parallel_loop3A_684 : i32 to index
        %parallel_loop3A_699 = arith.constant 32 : index
        %parallel_loop3A_700 = tpu.vector_load %arg9[%parallel_loop3A_698, %parallel_loop3A_699] {strides = array<i32>} : memref<128x64xf32, #tpu.memory_space<vmem>>, vector<16xf32>,
        %parallel_loop3A_701 = arith.constant 8.000000e+00 : f32
        %parallel_loop3A_702 = vector.broadcast %parallel_loop3A_701 : f32 to vector<16xf32>
        %parallel_loop3A_703 = arith.mulf %parallel_loop3A_700, %parallel_loop3A_702 : vector<16xf32>
        tpu.vector_store_idx %arg13[%add3A_11, %parallel_loop3A_685], %parallel_loop3A_703 : memref<64x129xf32, #tpu.memory_space<vmem>>[vector<16xi32>, vector<16xi32>], vector<16xf32>,
        %parallel_loop3A_704 = arith.index_cast %parallel_loop3A_684 : i32 to index
        %parallel_loop3A_705 = arith.constant 48 : index
        %parallel_loop3A_706 = tpu.vector_load %arg9[%parallel_loop3A_704, %parallel_loop3A_705] {strides = array<i32>} : memref<128x64xf32, #tpu.memory_space<vmem>>, vector<16xf32>,
        %parallel_loop3A_707 = arith.constant 8.000000e+00 : f32
        %parallel_loop3A_708 = vector.broadcast %parallel_loop3A_707 : f32 to vector<16xf32>
        %parallel_loop3A_709 = arith.mulf %parallel_loop3A_706, %parallel_loop3A_708 : vector<16xf32>
        tpu.vector_store_idx %arg13[%add3A_14, %parallel_loop3A_685], %parallel_loop3A_709 : memref<64x129xf32, #tpu.memory_space<vmem>>[vector<16xi32>, vector<16xi32>], vector<16xf32>,
      } {sc.loop_unroll_factor = 4 : i64, sc.parallel_access}
      %dma_start3A_559 = arith.constant 0 : i32
      %dma_start3A_560 = arith.constant 0 : i32
      %dma_start3A_561 = arith.constant 0 : i32
      %dma_start3A_562 = tpu.memref_slice %arg13[%dma_start3A_560, %dma_start3A_561] : memref<64x129xf32, #tpu.memory_space<vmem>> -> memref<8x128xf32, #tpu.memory_space<vmem>>
      %dma_start3A_563 = arith.constant 0 : i32
      %dma_start3A_564 = arith.constant 0 : i32
      %dma_start3A_565 = tpu.memref_slice %arg4[%add3A_544, %dma_start3A_559, %and3A_539, %dma_start3A_563, %dma_start3A_564] : memref<200x8x32x8x128xf32, #tpu.memory_space<hbm>> -> memref<1x1x1x8x128xf32, #tpu.memory_space<hbm>>
      %dma_start3A_566 = tpu.memref_squeeze %dma_start3A_565 : memref<1x1x1x8x128xf32, #tpu.memory_space<hbm>> -> memref<8x128xf32, #tpu.memory_space<hbm>>
      %dma_start3A_567 = arith.constant 0 : i32
      %dma_start3A_568 = arith.constant 0 : i32
      %dma_start3A_569 = tpu.memref_slice %arg4[%add3A_544, %dma_start3A_559, %and3A_539, %dma_start3A_567, %dma_start3A_568] : memref<200x8x32x8x128xf32, #tpu.memory_space<hbm>> -> memref<1x1x1x8x128xf32, #tpu.memory_space<hbm>>
      %dma_start3A_570 = tpu.memref_squeeze %dma_start3A_569 : memref<1x1x1x8x128xf32, #tpu.memory_space<hbm>> -> memref<8x128xf32, #tpu.memory_space<hbm>>
      %dma_start3A_571 = arith.constant 0 : i32
      %dma_start3A_572 = arith.constant 0 : i32
      %dma_start3A_573 = tpu.memref_slice %arg13[%dma_start3A_571, %dma_start3A_572] : memref<64x129xf32, #tpu.memory_space<vmem>> -> memref<8x128xf32, #tpu.memory_space<vmem>>
      tpu.enqueue_dma source(%dma_start3A_573 : memref<8x128xf32, #tpu.memory_space<vmem>>) target(%dma_start3A_570 : memref<8x128xf32, #tpu.memory_space<hbm>>) target_semaphore(%arg21 : memref<!tpu.dma_semaphore, #tpu.memory_space<semaphore_mem>>)
      %dma_start3A_574 = arith.constant 1 : i32
      %dma_start3A_575 = arith.constant 8 : i32
      %dma_start3A_576 = arith.constant 0 : i32
      %dma_start3A_577 = tpu.memref_slice %arg13[%dma_start3A_575, %dma_start3A_576] : memref<64x129xf32, #tpu.memory_space<vmem>> -> memref<8x128xf32, #tpu.memory_space<vmem>>
      %dma_start3A_578 = arith.constant 0 : i32
      %dma_start3A_579 = arith.constant 0 : i32
      %dma_start3A_580 = tpu.memref_slice %arg4[%add3A_544, %dma_start3A_574, %and3A_539, %dma_start3A_578, %dma_start3A_579] : memref<200x8x32x8x128xf32, #tpu.memory_space<hbm>> -> memref<1x1x1x8x128xf32, #tpu.memory_space<hbm>>
      %dma_start3A_581 = tpu.memref_squeeze %dma_start3A_580 : memref<1x1x1x8x128xf32, #tpu.memory_space<hbm>> -> memref<8x128xf32, #tpu.memory_space<hbm>>
      %dma_start3A_582 = arith.constant 0 : i32
      %dma_start3A_583 = arith.constant 0 : i32
      %dma_start3A_584 = tpu.memref_slice %arg4[%add3A_544, %dma_start3A_574, %and3A_539, %dma_start3A_582, %dma_start3A_583] : memref<200x8x32x8x128xf32, #tpu.memory_space<hbm>> -> memref<1x1x1x8x128xf32, #tpu.memory_space<hbm>>
      %dma_start3A_585 = tpu.memref_squeeze %dma_start3A_584 : memref<1x1x1x8x128xf32, #tpu.memory_space<hbm>> -> memref<8x128xf32, #tpu.memory_space<hbm>>
      %dma_start3A_586 = arith.constant 8 : i32
      %dma_start3A_587 = arith.constant 0 : i32
      %dma_start3A_588 = tpu.memref_slice %arg13[%dma_start3A_586, %dma_start3A_587] : memref<64x129xf32, #tpu.memory_space<vmem>> -> memref<8x128xf32, #tpu.memory_space<vmem>>
      tpu.enqueue_dma source(%dma_start3A_588 : memref<8x128xf32, #tpu.memory_space<vmem>>) target(%dma_start3A_585 : memref<8x128xf32, #tpu.memory_space<hbm>>) target_semaphore(%arg21 : memref<!tpu.dma_semaphore, #tpu.memory_space<semaphore_mem>>)
      %dma_start3A_589 = arith.constant 2 : i32
      %dma_start3A_590 = arith.constant 16 : i32
      %dma_start3A_591 = arith.constant 0 : i32
      %dma_start3A_592 = tpu.memref_slice %arg13[%dma_start3A_590, %dma_start3A_591] : memref<64x129xf32, #tpu.memory_space<vmem>> -> memref<8x128xf32, #tpu.memory_space<vmem>>
      %dma_start3A_593 = arith.constant 0 : i32
      %dma_start3A_594 = arith.constant 0 : i32
      %dma_start3A_595 = tpu.memref_slice %arg4[%add3A_544, %dma_start3A_589, %and3A_539, %dma_start3A_593, %dma_start3A_594] : memref<200x8x32x8x128xf32, #tpu.memory_space<hbm>> -> memref<1x1x1x8x128xf32, #tpu.memory_space<hbm>>
      %dma_start3A_596 = tpu.memref_squeeze %dma_start3A_595 : memref<1x1x1x8x128xf32, #tpu.memory_space<hbm>> -> memref<8x128xf32, #tpu.memory_space<hbm>>
      %dma_start3A_597 = arith.constant 0 : i32
      %dma_start3A_598 = arith.constant 0 : i32
      %dma_start3A_599 = tpu.memref_slice %arg4[%add3A_544, %dma_start3A_589, %and3A_539, %dma_start3A_597, %dma_start3A_598] : memref<200x8x32x8x128xf32, #tpu.memory_space<hbm>> -> memref<1x1x1x8x128xf32, #tpu.memory_space<hbm>>
      %dma_start3A_600 = tpu.memref_squeeze %dma_start3A_599 : memref<1x1x1x8x128xf32, #tpu.memory_space<hbm>> -> memref<8x128xf32, #tpu.memory_space<hbm>>
      %dma_start3A_601 = arith.constant 16 : i32
      %dma_start3A_602 = arith.constant 0 : i32
      %dma_start3A_603 = tpu.memref_slice %arg13[%dma_start3A_601, %dma_start3A_602] : memref<64x129xf32, #tpu.memory_space<vmem>> -> memref<8x128xf32, #tpu.memory_space<vmem>>
      tpu.enqueue_dma source(%dma_start3A_603 : memref<8x128xf32, #tpu.memory_space<vmem>>) target(%dma_start3A_600 : memref<8x128xf32, #tpu.memory_space<hbm>>) target_semaphore(%arg21 : memref<!tpu.dma_semaphore, #tpu.memory_space<semaphore_mem>>)
      %dma_start3A_604 = arith.constant 3 : i32
      %dma_start3A_605 = arith.constant 24 : i32
      %dma_start3A_606 = arith.constant 0 : i32
      %dma_start3A_607 = tpu.memref_slice %arg13[%dma_start3A_605, %dma_start3A_606] : memref<64x129xf32, #tpu.memory_space<vmem>> -> memref<8x128xf32, #tpu.memory_space<vmem>>
      %dma_start3A_608 = arith.constant 0 : i32
      %dma_start3A_609 = arith.constant 0 : i32
      %dma_start3A_610 = tpu.memref_slice %arg4[%add3A_544, %dma_start3A_604, %and3A_539, %dma_start3A_608, %dma_start3A_609] : memref<200x8x32x8x128xf32, #tpu.memory_space<hbm>> -> memref<1x1x1x8x128xf32, #tpu.memory_space<hbm>>
      %dma_start3A_611 = tpu.memref_squeeze %dma_start3A_610 : memref<1x1x1x8x128xf32, #tpu.memory_space<hbm>> -> memref<8x128xf32, #tpu.memory_space<hbm>>
      %dma_start3A_612 = arith.constant 0 : i32
      %dma_start3A_613 = arith.constant 0 : i32
      %dma_start3A_614 = tpu.memref_slice %arg4[%add3A_544, %dma_start3A_604, %and3A_539, %dma_start3A_612, %dma_start3A_613] : memref<200x8x32x8x128xf32, #tpu.memory_space<hbm>> -> memref<1x1x1x8x128xf32, #tpu.memory_space<hbm>>
      %dma_start3A_615 = tpu.memref_squeeze %dma_start3A_614 : memref<1x1x1x8x128xf32, #tpu.memory_space<hbm>> -> memref<8x128xf32, #tpu.memory_space<hbm>>
      %dma_start3A_616 = arith.constant 24 : i32
      %dma_start3A_617 = arith.constant 0 : i32
      %dma_start3A_618 = tpu.memref_slice %arg13[%dma_start3A_616, %dma_start3A_617] : memref<64x129xf32, #tpu.memory_space<vmem>> -> memref<8x128xf32, #tpu.memory_space<vmem>>
      tpu.enqueue_dma source(%dma_start3A_618 : memref<8x128xf32, #tpu.memory_space<vmem>>) target(%dma_start3A_615 : memref<8x128xf32, #tpu.memory_space<hbm>>) target_semaphore(%arg21 : memref<!tpu.dma_semaphore, #tpu.memory_space<semaphore_mem>>)
      %dma_start3A_619 = arith.constant 4 : i32
      %dma_start3A_620 = arith.constant 32 : i32
      %dma_start3A_621 = arith.constant 0 : i32
      %dma_start3A_622 = tpu.memref_slice %arg13[%dma_start3A_620, %dma_start3A_621] : memref<64x129xf32, #tpu.memory_space<vmem>> -> memref<8x128xf32, #tpu.memory_space<vmem>>
      %dma_start3A_623 = arith.constant 0 : i32
      %dma_start3A_624 = arith.constant 0 : i32
      %dma_start3A_625 = tpu.memref_slice %arg4[%add3A_544, %dma_start3A_619, %and3A_539, %dma_start3A_623, %dma_start3A_624] : memref<200x8x32x8x128xf32, #tpu.memory_space<hbm>> -> memref<1x1x1x8x128xf32, #tpu.memory_space<hbm>>
      %dma_start3A_626 = tpu.memref_squeeze %dma_start3A_625 : memref<1x1x1x8x128xf32, #tpu.memory_space<hbm>> -> memref<8x128xf32, #tpu.memory_space<hbm>>
      %dma_start3A_627 = arith.constant 0 : i32
      %dma_start3A_628 = arith.constant 0 : i32
      %dma_start3A_629 = tpu.memref_slice %arg4[%add3A_544, %dma_start3A_619, %and3A_539, %dma_start3A_627, %dma_start3A_628] : memref<200x8x32x8x128xf32, #tpu.memory_space<hbm>> -> memref<1x1x1x8x128xf32, #tpu.memory_space<hbm>>
      %dma_start3A_630 = tpu.memref_squeeze %dma_start3A_629 : memref<1x1x1x8x128xf32, #tpu.memory_space<hbm>> -> memref<8x128xf32, #tpu.memory_space<hbm>>
      %dma_start3A_631 = arith.constant 32 : i32
      %dma_start3A_632 = arith.constant 0 : i32
      %dma_start3A_633 = tpu.memref_slice %arg13[%dma_start3A_631, %dma_start3A_632] : memref<64x129xf32, #tpu.memory_space<vmem>> -> memref<8x128xf32, #tpu.memory_space<vmem>>
      tpu.enqueue_dma source(%dma_start3A_633 : memref<8x128xf32, #tpu.memory_space<vmem>>) target(%dma_start3A_630 : memref<8x128xf32, #tpu.memory_space<hbm>>) target_semaphore(%arg21 : memref<!tpu.dma_semaphore, #tpu.memory_space<semaphore_mem>>)
      %dma_start3A_634 = arith.constant 5 : i32
      %dma_start3A_635 = arith.constant 40 : i32
      %dma_start3A_636 = arith.constant 0 : i32
      %dma_start3A_637 = tpu.memref_slice %arg13[%dma_start3A_635, %dma_start3A_636] : memref<64x129xf32, #tpu.memory_space<vmem>> -> memref<8x128xf32, #tpu.memory_space<vmem>>
      %dma_start3A_638 = arith.constant 0 : i32
      %dma_start3A_639 = arith.constant 0 : i32
      %dma_start3A_640 = tpu.memref_slice %arg4[%add3A_544, %dma_start3A_634, %and3A_539, %dma_start3A_638, %dma_start3A_639] : memref<200x8x32x8x128xf32, #tpu.memory_space<hbm>> -> memref<1x1x1x8x128xf32, #tpu.memory_space<hbm>>
      %dma_start3A_641 = tpu.memref_squeeze %dma_start3A_640 : memref<1x1x1x8x128xf32, #tpu.memory_space<hbm>> -> memref<8x128xf32, #tpu.memory_space<hbm>>
      %dma_start3A_642 = arith.constant 0 : i32
      %dma_start3A_643 = arith.constant 0 : i32
      %dma_start3A_644 = tpu.memref_slice %arg4[%add3A_544, %dma_start3A_634, %and3A_539, %dma_start3A_642, %dma_start3A_643] : memref<200x8x32x8x128xf32, #tpu.memory_space<hbm>> -> memref<1x1x1x8x128xf32, #tpu.memory_space<hbm>>
      %dma_start3A_645 = tpu.memref_squeeze %dma_start3A_644 : memref<1x1x1x8x128xf32, #tpu.memory_space<hbm>> -> memref<8x128xf32, #tpu.memory_space<hbm>>
      %dma_start3A_646 = arith.constant 40 : i32
      %dma_start3A_647 = arith.constant 0 : i32
      %dma_start3A_648 = tpu.memref_slice %arg13[%dma_start3A_646, %dma_start3A_647] : memref<64x129xf32, #tpu.memory_space<vmem>> -> memref<8x128xf32, #tpu.memory_space<vmem>>
      tpu.enqueue_dma source(%dma_start3A_648 : memref<8x128xf32, #tpu.memory_space<vmem>>) target(%dma_start3A_645 : memref<8x128xf32, #tpu.memory_space<hbm>>) target_semaphore(%arg21 : memref<!tpu.dma_semaphore, #tpu.memory_space<semaphore_mem>>)
      %dma_start3A_649 = arith.constant 6 : i32
      %dma_start3A_650 = arith.constant 48 : i32
      %dma_start3A_651 = arith.constant 0 : i32
      %dma_start3A_652 = tpu.memref_slice %arg13[%dma_start3A_650, %dma_start3A_651] : memref<64x129xf32, #tpu.memory_space<vmem>> -> memref<8x128xf32, #tpu.memory_space<vmem>>
      %dma_start3A_653 = arith.constant 0 : i32
      %dma_start3A_654 = arith.constant 0 : i32
      %dma_start3A_655 = tpu.memref_slice %arg4[%add3A_544, %dma_start3A_649, %and3A_539, %dma_start3A_653, %dma_start3A_654] : memref<200x8x32x8x128xf32, #tpu.memory_space<hbm>> -> memref<1x1x1x8x128xf32, #tpu.memory_space<hbm>>
      %dma_start3A_656 = tpu.memref_squeeze %dma_start3A_655 : memref<1x1x1x8x128xf32, #tpu.memory_space<hbm>> -> memref<8x128xf32, #tpu.memory_space<hbm>>
      %dma_start3A_657 = arith.constant 0 : i32
      %dma_start3A_658 = arith.constant 0 : i32
      %dma_start3A_659 = tpu.memref_slice %arg4[%add3A_544, %dma_start3A_649, %and3A_539, %dma_start3A_657, %dma_start3A_658] : memref<200x8x32x8x128xf32, #tpu.memory_space<hbm>> -> memref<1x1x1x8x128xf32, #tpu.memory_space<hbm>>
      %dma_start3A_660 = tpu.memref_squeeze %dma_start3A_659 : memref<1x1x1x8x128xf32, #tpu.memory_space<hbm>> -> memref<8x128xf32, #tpu.memory_space<hbm>>
      %dma_start3A_661 = arith.constant 48 : i32
      %dma_start3A_662 = arith.constant 0 : i32
      %dma_start3A_663 = tpu.memref_slice %arg13[%dma_start3A_661, %dma_start3A_662] : memref<64x129xf32, #tpu.memory_space<vmem>> -> memref<8x128xf32, #tpu.memory_space<vmem>>
      tpu.enqueue_dma source(%dma_start3A_663 : memref<8x128xf32, #tpu.memory_space<vmem>>) target(%dma_start3A_660 : memref<8x128xf32, #tpu.memory_space<hbm>>) target_semaphore(%arg21 : memref<!tpu.dma_semaphore, #tpu.memory_space<semaphore_mem>>)
      %dma_start3A_664 = arith.constant 7 : i32
      %dma_start3A_665 = arith.constant 56 : i32
      %dma_start3A_666 = arith.constant 0 : i32
      %dma_start3A_667 = tpu.memref_slice %arg13[%dma_start3A_665, %dma_start3A_666] : memref<64x129xf32, #tpu.memory_space<vmem>> -> memref<8x128xf32, #tpu.memory_space<vmem>>
      %dma_start3A_668 = arith.constant 0 : i32
      %dma_start3A_669 = arith.constant 0 : i32
      %dma_start3A_670 = tpu.memref_slice %arg4[%add3A_544, %dma_start3A_664, %and3A_539, %dma_start3A_668, %dma_start3A_669] : memref<200x8x32x8x128xf32, #tpu.memory_space<hbm>> -> memref<1x1x1x8x128xf32, #tpu.memory_space<hbm>>
      %dma_start3A_671 = tpu.memref_squeeze %dma_start3A_670 : memref<1x1x1x8x128xf32, #tpu.memory_space<hbm>> -> memref<8x128xf32, #tpu.memory_space<hbm>>
      %dma_start3A_672 = arith.constant 0 : i32
      %dma_start3A_673 = arith.constant 0 : i32
      %dma_start3A_674 = tpu.memref_slice %arg4[%add3A_544, %dma_start3A_664, %and3A_539, %dma_start3A_672, %dma_start3A_673] : memref<200x8x32x8x128xf32, #tpu.memory_space<hbm>> -> memref<1x1x1x8x128xf32, #tpu.memory_space<hbm>>
      %dma_start3A_675 = tpu.memref_squeeze %dma_start3A_674 : memref<1x1x1x8x128xf32, #tpu.memory_space<hbm>> -> memref<8x128xf32, #tpu.memory_space<hbm>>
      %dma_start3A_676 = arith.constant 56 : i32
      %dma_start3A_677 = arith.constant 0 : i32
      %dma_start3A_678 = tpu.memref_slice %arg13[%dma_start3A_676, %dma_start3A_677] : memref<64x129xf32, #tpu.memory_space<vmem>> -> memref<8x128xf32, #tpu.memory_space<vmem>>
      tpu.enqueue_dma source(%dma_start3A_678 : memref<8x128xf32, #tpu.memory_space<vmem>>) target(%dma_start3A_675 : memref<8x128xf32, #tpu.memory_space<hbm>>) target_semaphore(%arg21 : memref<!tpu.dma_semaphore, #tpu.memory_space<semaphore_mem>>)
      %lt3A_679 = arith.constant 196 : i32
      %lt3A_680 = arith.cmpi slt, %add3A_532, %lt3A_679 : i32
      %convert_element_type3A_681 = arith.extui %lt3A_680 : i1 to i32
      %cond3A_682 = arith.constant 0 : i32
      %cond3A_683 = arith.cmpi ne, %convert_element_type3A_681, %cond3A_682 : i32
      scf.if %cond3A_683 {
        %add3A_684 = arith.constant 4 : i32
        %add3A_685 = arith.addi %add3A_532, %add3A_684 : i32
        %dma_start3A_686 = arith.constant 0 : i32
        %dma_start3A_687 = tpu.memref_slice %arg5[%add3A_685, %dma_start3A_686] : memref<200x128xi32, #tpu.memory_space<vmem>> -> memref<1x128xi32, #tpu.memory_space<vmem>>
        %dma_start3A_688 = tpu.memref_squeeze %dma_start3A_687 : memref<1x128xi32, #tpu.memory_space<vmem>> -> memref<128xi32, #tpu.memory_space<vmem>>
        %dma_start3A_689 = arith.constant 0 : i32
        %dma_start3A_690 = arith.constant 0 : i32
        %dma_start3A_691 = tpu.memref_slice %arg2[%dma_start3A_689, %dma_start3A_690] : memref<1000000x64xf32, #tpu.memory_space<hbm>> -> memref<1000000x64xf32, #tpu.memory_space<hbm>>
        tpu.enqueue_indirect_dma source(%dma_start3A_691 : memref<1000000x64xf32, #tpu.memory_space<hbm>>) target(%arg9 : memref<128x64xf32, #tpu.memory_space<vmem>>) offsets(%dma_start3A_688 : memref<128xi32, #tpu.memory_space<vmem>>) semaphore(%arg17 : memref<!tpu.dma_semaphore, #tpu.memory_space<semaphore_mem>>)
      } else {
      }
    }
    %scan3A_46 = arith.constant 50 : i32
    %dma_wait3A = arith.constant 0 : i32
    %dma_wait3A_47 = arith.constant 0 : i32
    %dma_wait3A_48 = tpu.memref_slice %arg2[%dma_wait3A, %dma_wait3A_47] : memref<1000000x64xf32, #tpu.memory_space<hbm>> -> memref<128x64xf32, #tpu.memory_space<hbm>>
    %dma_wait3A_49 = arith.constant 0 : i32
    %dma_wait3A_50 = arith.constant 0 : i32
    %dma_wait3A_51 = tpu.memref_slice %arg2[%dma_wait3A_49, %dma_wait3A_50] : memref<1000000x64xf32, #tpu.memory_space<hbm>> -> memref<128x64xf32, #tpu.memory_space<hbm>>
    tpu.wait_dma2 semaphore(%arg18 : memref<!tpu.dma_semaphore, #tpu.memory_space<semaphore_mem>>) src(%dma_wait3A_51 : memref<128x64xf32, #tpu.memory_space<hbm>>) dst(%arg6 : memref<128x64xf32, #tpu.memory_space<vmem>>)
    %dma_wait3A_52 = arith.constant 0 : i32
    %dma_wait3A_53 = arith.constant 0 : i32
    %dma_wait3A_54 = tpu.memref_slice %arg2[%dma_wait3A_52, %dma_wait3A_53] : memref<1000000x64xf32, #tpu.memory_space<hbm>> -> memref<128x64xf32, #tpu.memory_space<hbm>>
    %dma_wait3A_55 = arith.constant 0 : i32
    %dma_wait3A_56 = arith.constant 0 : i32
    %dma_wait3A_57 = tpu.memref_slice %arg2[%dma_wait3A_55, %dma_wait3A_56] : memref<1000000x64xf32, #tpu.memory_space<hbm>> -> memref<128x64xf32, #tpu.memory_space<hbm>>
    tpu.wait_dma2 semaphore(%arg19 : memref<!tpu.dma_semaphore, #tpu.memory_space<semaphore_mem>>) src(%dma_wait3A_57 : memref<128x64xf32, #tpu.memory_space<hbm>>) dst(%arg7 : memref<128x64xf32, #tpu.memory_space<vmem>>)
    %dma_wait3A_58 = arith.constant 0 : i32
    %dma_wait3A_59 = arith.constant 0 : i32
    %dma_wait3A_60 = tpu.memref_slice %arg2[%dma_wait3A_58, %dma_wait3A_59] : memref<1000000x64xf32, #tpu.memory_space<hbm>> -> memref<128x64xf32, #tpu.memory_space<hbm>>
    %dma_wait3A_61 = arith.constant 0 : i32
    %dma_wait3A_62 = arith.constant 0 : i32
    %dma_wait3A_63 = tpu.memref_slice %arg2[%dma_wait3A_61, %dma_wait3A_62] : memref<1000000x64xf32, #tpu.memory_space<hbm>> -> memref<128x64xf32, #tpu.memory_space<hbm>>
    tpu.wait_dma2 semaphore(%arg20 : memref<!tpu.dma_semaphore, #tpu.memory_space<semaphore_mem>>) src(%dma_wait3A_63 : memref<128x64xf32, #tpu.memory_space<hbm>>) dst(%arg8 : memref<128x64xf32, #tpu.memory_space<vmem>>)
    %dma_wait3A_64 = arith.constant 0 : i32
    %dma_wait3A_65 = arith.constant 0 : i32
    %dma_wait3A_66 = tpu.memref_slice %arg2[%dma_wait3A_64, %dma_wait3A_65] : memref<1000000x64xf32, #tpu.memory_space<hbm>> -> memref<128x64xf32, #tpu.memory_space<hbm>>
    %dma_wait3A_67 = arith.constant 0 : i32
    %dma_wait3A_68 = arith.constant 0 : i32
    %dma_wait3A_69 = tpu.memref_slice %arg2[%dma_wait3A_67, %dma_wait3A_68] : memref<1000000x64xf32, #tpu.memory_space<hbm>> -> memref<128x64xf32, #tpu.memory_space<hbm>>
    tpu.wait_dma2 semaphore(%arg21 : memref<!tpu.dma_semaphore, #tpu.memory_space<semaphore_mem>>) src(%dma_wait3A_69 : memref<128x64xf32, #tpu.memory_space<hbm>>) dst(%arg9 : memref<128x64xf32, #tpu.memory_space<vmem>>)
    return
  }
}

</mosaic_0001>

<sc_bundles>
// kernel: _run.3.cloned.1.call-start
scs
__scs_entry_jumppad:
0x0: {  	(pc) =	sbr.rel $0x88, $3  }
0x1: {  	(tag) =	ssettag $0x0;
	lr =	simm.s32 $0x1  }
0x2: {  	[smem:$0x3F9F] =	sst lr;
	_ =	strace $0xD0000000  }
0x3: {  	_ = 	snop  }
0x4: {  	_ = 	snop  }
0x5: {  	_ = 	snop  }
0x6: {  	_ = 	snop  }
0x7: {  	_ = 	snop  }
__scs_overlays_trampoline_lowered:
0x8: {  	[smem:$0x3FAE] =	sst s0  }
0x9: {  	[smem:$0x3FAF] =	sst s1  }
0xa: {  	[smem:$0x3FB0] =	sst s2  }
0xb: {  	[smem:$0x3FB1] =	sst s3  }
0xc: {  	[smem:$0x3FB2] =	sst s4  }
0xd: {  	[smem:$0x3FB3] =	sst s5  }
0xe: {  	[smem:$0x3FB4] =	sst s6  }
0xf: {  	[smem:$0x3FB5] =	sst s7  }
0x10: {  	[smem:$0x3FB6] =	sst s8  }
0x11: {  	[smem:$0x3FB7] =	sst s9;
	s0 =	simm.s32 @!p0 $0x0  }
0x12: {  	s1 =	sld [smem:$0x3F9D];
	s0 =	simm.s32 @p0 $0x1  }
0x13: {  	[smem:$0x3FB8] =	sst s0;
	s0 =	simm.s32 @!p1 $0x0  }
0x14: {  	s2 =	sld [smem:$0x3F9C];
	s0 =	simm.s32 @p1 $0x1  }
0x15: {  	[smem:$0x3FB9] =	sst s0;
	s0 =	simm.s32 @!p2 $0x0  }
0x16: {  	s3 =	sld [smem:$0x3FDB];
	s0 =	simm.s32 @p2 $0x1  }
0x17: {  	s4 =	simm.s32 $0x1BF5;
	[smem:$0x3FBB] =	sst s0  }
0x18: {  	s0 =	sld [smem:$0x3F9E];
	_ =	swait.ge [sflag:s4], $0x0  }
0x19: {  	s7 =	sld [smem:$0x3F9F]  }
0x1a: {  	s8 =	sadd.s32 $0xFFFFE003, lr  }
0x1b: {  	s9 =	sadd.s32 $0xFFFFFEF7, lr;
	s5 =	simm.s32 $0xFFFFFFFF;
	p2 =	slt.u32 s8, $0xFFFFF086  }
0x1c: {  	p1 =	slt.u32 s9, $0xF7A;
	s5 =	simm.s32 @!p2 $0x0  }
0x1d: {  	s5 =	simm.s32 @p1 $0x1;
	p0 =	seq.s32 s7, s2  }
0x1e: {  	s7 =	smul.u32 @!p0 $0xF7A, s2;
	p2 =	seq.s32 @!p0 s5, $0x0  }
0x1f: {  	s9 =	smul.u32 $0xF7A, s1;
	s8 =	simm.s32 @!p0 $0x1BF5;
	p2 =	por !p2, p0  }
0x20: {  	[sflag:s8] =	ssyncset.s32 @!p0 $0xFFFFF086;
	s6 =	sadd.s32 @!p0 s3, s7;
	s7 =	simm.s32 @!p0 $0x108  }
0x21: {  	s3 =	sadd.s32 s3, s9;
	s6 =	sadd.s32 @!p0 $0x88, s6;
	s7 =	simm.s32 @p2 $0x1082  }
0x22: {  	[simem:s7], [sflag:s8] =	dma.local @!p0 [hbm:s6], $0xF7A  }
0x23: {  	s9 =	sor.u32 $0xD0000000, s2;
	s6 =	simm.s32 $0x108;
	_ =	swait.ge @!p0 [sflag:s8], $0x0  }
0x24: {  	s3 =	sadd.s32 $0x88, s3;
	s6 =	simm.s32 @!p1 $0x1082;
	[sflag:s4] =	ssyncset.s32 $0xFFFFF086  }
0x25: {  	[simem:s6], [sflag:s4] =	dma.local [hbm:s3], $0xF7A  }
0x26: {  	[smem:$0x3F9F] =	sst s1;
	(tag) =	ssettag s2;
	_ =	strace s9  }
0x27: {  	s1 =	sld [smem:$0x3FAF]  }
0x28: {  	s2 =	sld [smem:$0x3FB0]  }
0x29: {  	s4 =	sld [smem:$0x3FB2]  }
0x2a: {  	p0 =	seq.s32 s5, $0x0;
	s5 =	sld [smem:$0x3FB3]  }
0x2b: {  	s6 =	sld [smem:$0x3FB4]  }
0x2c: {  	s7 =	sld [smem:$0x3FB5]  }
0x2d: {  	s3 =	simm.s32 $0x108;
	s8 =	sld [smem:$0x3FB6]  }
0x2e: {  	s3 =	simm.s32 @!p0 $0x1082;
	s9 =	sld [smem:$0x3FB7]  }
0x2f: {  	lr =	sadd.s32 s0, s3;
	s0 =	sld [smem:$0x3FAE]  }
0x30: {  	s3 =	sld [smem:$0x3FB1]  }
0x31: {  	[smem:$0x3FBA] =	sst s10  }
0x32: {  	s10 =	sld [smem:$0x3FB8];
	_ =	sdelay $0x3  }
0x33: {  	p0 =	seq.s32 s10, $0x1;
	s10 =	sld [smem:$0x3FBA];
	_ =	sdelay $0x3  }
0x34: {  	[smem:$0x3FBA] =	sst s10  }
0x35: {  	s10 =	sld [smem:$0x3FB9];
	_ =	sdelay $0x3  }
0x36: {  	p1 =	seq.s32 s10, $0x1;
	s10 =	sld [smem:$0x3FBA];
	_ =	sdelay $0x3  }
0x37: {  	[smem:$0x3FBA] =	sst s10  }
0x38: {  	s10 =	sld [smem:$0x3FBB]  }
0x39: {  	_ = 	snop;
	(pc) =	sbr.ind lr, $3  }
0x3a: {  	_ = 	snop  }
0x3b: {  	_ = 	snop  }
0x3c: {  	p2 =	seq.s32 s10, $0x1;
	s10 =	sld [smem:$0x3FBA]  }
0x3d: {  	_ =	shalt  }
0x3e: {  	_ =	shalt  }
0x3f: {  	_ =	shalt  }
0x40: {  	_ =	shalt  }
0x41: {  	_ =	shalt  }
0x42: {  	_ =	shalt  }
0x43: {  	_ =	shalt  }
0x44: {  	_ =	shalt  }
0x45: {  	_ =	shalt  }
0x46: {  	_ =	shalt  }
0x47: {  	_ =	shalt  }
0x48: {  	_ =	shalt  }
0x49: {  	_ =	shalt  }
0x4a: {  	_ =	shalt  }
0x4b: {  	_ =	shalt  }
0x4c: {  	_ =	shalt  }
0x4d: {  	_ =	shalt  }
0x4e: {  	_ =	shalt  }
0x4f: {  	_ =	shalt  }
0x50: {  	_ =	shalt  }
0x51: {  	_ =	shalt  }
0x52: {  	_ =	shalt  }
0x53: {  	_ =	shalt  }
0x54: {  	_ =	shalt  }
0x55: {  	_ =	shalt  }
0x56: {  	_ =	shalt  }
0x57: {  	_ =	shalt  }
0x58: {  	_ =	shalt  }
0x59: {  	_ =	shalt  }
0x5a: {  	_ =	shalt  }
0x5b: {  	_ =	shalt  }
0x5c: {  	_ =	shalt  }
0x5d: {  	_ =	shalt  }
0x5e: {  	_ =	shalt  }
0x5f: {  	_ =	shalt  }
0x60: {  	_ =	shalt  }
0x61: {  	_ =	shalt  }
0x62: {  	_ =	shalt  }
0x63: {  	_ =	shalt  }
0x64: {  	_ =	shalt  }
0x65: {  	_ =	shalt  }
0x66: {  	_ =	shalt  }
0x67: {  	_ =	shalt  }
0x68: {  	_ =	shalt  }
0x69: {  	_ =	shalt  }
0x6a: {  	_ =	shalt  }
0x6b: {  	_ =	shalt  }
0x6c: {  	_ =	shalt  }
0x6d: {  	_ =	shalt  }
0x6e: {  	_ =	shalt  }
0x6f: {  	_ =	shalt  }
0x70: {  	_ =	shalt  }
0x71: {  	_ =	shalt  }
0x72: {  	_ =	shalt  }
0x73: {  	_ =	shalt  }
0x74: {  	_ =	shalt  }
0x75: {  	_ =	shalt  }
0x76: {  	_ =	shalt  }
0x77: {  	_ =	shalt  }
0x78: {  	_ =	shalt  }
0x79: {  	_ =	shalt  }
0x7a: {  	_ =	shalt  }
0x7b: {  	_ =	shalt  }
0x7c: {  	_ =	shalt  }
0x7d: {  	_ =	shalt  }
0x7e: {  	_ =	shalt  }
0x7f: {  	_ =	shalt  }
0x80: {  	_ =	shalt  }
0x81: {  	_ =	shalt  }
0x82: {  	_ =	shalt  }
0x83: {  	_ =	shalt  }
0x84: {  	_ =	shalt  }
0x85: {  	_ =	shalt  }
0x86: {  	_ =	shalt  }
0x87: {  	_ =	shalt  }
.Lfunc_end0:
.L_simem_size_0:
called_computation_lowered:
.L_overlay_start_0:
0x88: {  	s2 =	sld [smem:$0x3FD9]  }
0x89: {  	s3 =	sld [smem:$0x3FFE];
	_ =	sdelay $0x1  }
0x8a: {  	s1 =	srdreg.scid  }
0x8b: {  	s0 =	sand.u32 $0x1, s1  }
0x8c: {  	s17 =	sshll.u32 s0, $0xA;
	s2 =	sadd.s32 s3, s2  }
0x8d: {  	s2 =	sadd.s32 s2, s17  }
0x8e: {  	[smem:$0x3FC6] =	sst s2  }
0x8f: {  	_ = 	snop  }
0x90: {  	s2 =	sld [smem:$0x3FC9]  }
0x91: {  	s18 =	sld [smem:$0x3FD0];
	(tm) =	ssettm $0x1  }
0x92: {  	s4 =	sld [smem:$0x3FFB];
	_ =	sdelay $0x3  }
0x93: {  	_ =	strace s4  }
0x94: {  	s4 =	sld [smem:$0x3FFC];
	_ =	sdelay $0x3  }
0x95: {  	_ =	strace s4  }
0x96: {  	s4 =	sld [smem:$0x3FFD];
	_ =	sdelay $0x3  }
0x97: {  	_ =	strace s4  }
0x98: {  	_ =	strace $0x8FFFFFFF  }
0x99: {  	s19 =	sld [smem:$0x3FDB];
	_ =	sdelay $0x1  }
0x9a: {  	s5 =	simm.s32 $_scs_section_size  }
0x9b: {  	s6 =	simm.s32 $_size__tile_overlayer_lowered;
	s7 =	simm.s32 $_tile_overlayer_lowered  }
0x9c: {  	s22 =	simm.s32 $0x1BFF;
	s21 =	sshll.u32 s7, $0x1;
	s4 =	sadd.s32 s5, s19  }
0x9d: {  	s8 =	simm.s32 $0x0;
	s20 =	sshll.u32 s6, $0x1;
	s6 =	sadd.s32 s21, s4  }
0x9e: {  	[timem:s8], [sflag:s22] =	dma.local [hbm:s6], s20  }
0x9f: {  	_ =	swait.ge [sflag:s22], s20  }
0xa0: {  	s5 =	ssub.s32 $0x0, s20;
	[sflag:s22] =	ssyncset.done $0x0  }
0xa1: {  	[sflag:s22] =	ssyncadd.s32 s5;
	_ =	sdelay $0x1  }
0xa2: {  	s23 =	simm.s32 $0x1B8B  }
0xa3: {  	_ =	swait.ge [sflag:s23], $0x1  }
0xa4: {  	[sflag:s23] =	ssyncset.done $0x0  }
0xa5: {  	s25 =	simm.s32 $0x1B8E;
	s24 =	sld [smem:$0x3FFE];
	[sflag:s23] =	ssyncadd.s32 $0xFFFFFFFF  }
0xa6: {  	s26 =	simm.s32 $execute0_lowered;
	[smem:$0x3FD2] =	sst s25  }
0xa7: {  	s6 =	sshll.u32 s26, $0x1;
	_ =	strace $0x80000046;
	[dreg:$0x1] =	wrdreg $0xFFFFFFFF  }
0xa8: {  	s28 =	simm.s32 $_size_execute0_lowered;
	s4 =	sadd.s32 s4, s6;
	[dreg:$0x0] =	wrdreg $0x0  }
0xa9: {  	s6 =	sshll.u32 s28, $0x1;
	[dreg:$0x2] =	wrdreg s4  }
0xaa: {  	[dreg:$0x3] =	wrdreg s6  }
0xab: {  	[dreg:$0x4] =	wrdreg $0xC0  }
0xac: {  	_ =	task [dreg:s8], $0x5FFFF  }
0xad: {  	[dreg:$0x1] =	wrdreg $0xFFFFFFFF  }
0xae: {  	[dreg:$0x0] =	wrdreg $0x60  }
0xaf: {  	[dreg:$0x2] =	wrdreg s24  }
0xb0: {  	[dreg:$0x3] =	wrdreg s2  }
0xb1: {  	[dreg:$0x4] =	wrdreg s18  }
0xb2: {  	[dreg:$0x5] =	wrdreg $0x9  }
0xb3: {  	_ =	task.clear_ibuf [dreg:s8], $0x6FFFF;
	_ =	strace $0x90000046  }
0xb4: {  	s29 =	simm.s32 $0x9;
	_ =	strace $0x80000048  }
0xb5: {  	_ =	swait.ge [sflag:s29], $0x1  }
0xb6: {  	[sflag:s29] =	ssyncadd.s32 $0xFFFFFFFF  }
0xb7: {  	_ =	strace $0x90000048  }
0xb8: {  	_ =	sfence  }
0xb9: {  	s30 =	sld [smem:$0x0];
	_ =	sdelay $0x2  }
0xba: {  	s31 =	sshll.u32 s1, $0xD;
	s1 =	sshrl.u32 s1, $0x2  }
0xbb: {  	s3 =	sand.u32 $0x4000, s31;
	s1 =	sadd.s32 s1, s30  }
0xbc: {  	s0 =	sor.u32 s3, s0;
	s1 =	sshll.u32 s1, $0x11  }
0xbd: {  	s0 =	sor.u32 s1, s0  }
0xbe: {  	s0 =	sadd.s32 $0x8F2B, s0  }
0xbf: {  	[sflag:s0] =	ssyncadd.remote.s32 $0x1  }
0xc0: {  	_ =	sfence.sel $0xFFFF  }
0xc1: {  	[dreg:$0x0] =	wrdreg $0xFFFFFFFF;
	(pc) =	sbr.abs _section_cstart, $3  }
0xc2: {  	[dreg:$0x1] =	wrdreg $0xFFFFFFFF  }
0xc3: {  	_ =	task.clear_ibuf [dreg:s8], $0x2FFFF;
	_ =	strace $0x9FFFFFFF  }
0xc4: {  	(tm) =	ssettm $0x7FFFFFFF  }
0xc5: {  	_ =	shalt  }
tec
execute0_lowered:
.L_overlay_start_1:
0x0: {  	(tag) =	ssettag $0x1  }
0x1: {  	s0 =	rddreg [dreg:$0x0]  }
0x2: {  	s1 =	rddreg [dreg:$0x1]  }
0x3: {  	s2 =	rddreg [dreg:$0x2]  }
0x4: {  	s4 =	srdreg.scid;
	s5 =	stileid.u32;
	s3 =	simm.s32 $0x0  }
0x5: {  	s23 =	simm.s32 $0x1;
	s24 =	simm.s32 $0xE400;
	s21 =	simm.s32 $0x2  }
0x6: {  	s25 =	simm.s32 $0x3;
	s26 =	simm.s32 $0x12800;
	s15 =	simm.s32 $0x4  }
0x7: {  	s22 =	simm.s32 $0x14A00;
	s14 =	simm.s32 $0x0;
	s30 =	simm.s32 $0x80  }
0x8: {  	s4 =	sand.u32 $0x1, s4;
	s5 =	sshll.u32 s5, $0x1;
	[smem:$0x7FF] =	sst s3  }
0x9: {  	s9 =	sadd.s32 $0x3000, s2;
	s10 =	sadd.s32 $0x4000, s2;
	s5 =	sor.u32 s4, s5  }
0xa: {  	s11 =	sadd.s32 $0x5000, s2;
	s12 =	sadd.s32 $0x6000, s2;
	s8 =	smul.u32 $0xC80, s5  }
.Ltmp0:
0xb: {  	s13 =	sadd.s32 $0x7000, s2;
	s6 =	ssub.s32 $0x2, s4;
	(pc) =	sbr.rel .LBB2_1-.Ltmp0, $4  }
0xc: {  	v0 =	vlaneseq.u32;
	_ =	strace $0x80000047;
	s4 =	sadd.s32 $0xF42800, s0;
	s7 =	sshrl.u32 s6, $0x1  }
0xd: {  	v0 =	vmul.u32 $0x88, v0;
	s5 =	smul.u32 $0xC8, s5;
	s31 =	ssub.s32 s6, s7;
	s1 =	sadd.s32 s1, s8  }
0xe: {  	s7 =	sadd.s32 $0x1000, s2;
	s0 =	smax.u32 s31, $0x1;
	[dreg:$0x4] =	wrdreg s1  }
0xf: {  	v1 =	vadd.s32 $0x880, v0;
	v2 =	vadd.s32 $0x1100, v0;
	v3 =	vadd.s32 $0x1980, v0;
	s6 =	simm.s32 $0x10600;
	s8 =	sadd.s32 $0x2000, s2;
	[dreg:$0x5] =	wrdreg s0  }
.LBB2_12:
0x10: {  	s0 =	simm.s32 $0x5  }
0x11: {  	_ =	swait.ge [sflag:s0], $0x2000  }
0x12: {  	[sflag:s0] =	ssyncset.done $0x0  }
0x13: {  	s28 =	simm.s32 $0x6;
	[sflag:s0] =	ssyncadd.s32 $0xFFFFE000  }
0x14: {  	_ =	swait.ge [sflag:s28], $0x2000  }
0x15: {  	[sflag:s28] =	ssyncset.done $0x0  }
0x16: {  	s29 =	simm.s32 $0x7;
	[sflag:s28] =	ssyncadd.s32 $0xFFFFE000  }
0x17: {  	_ =	swait.ge [sflag:s29], $0x2000  }
0x18: {  	[sflag:s29] =	ssyncset.done $0x0  }
0x19: {  	s1 =	simm.s32 $0x8;
	[sflag:s29] =	ssyncadd.s32 $0xFFFFE000  }
0x1a: {  	_ =	swait.ge [sflag:s1], $0x2000  }
0x1b: {  	s14 =	rddreg [dreg:$0x6]  }
0x1c: {  	s31 =	rddreg [dreg:$0x5];
	s14 =	sadd.s32 $0x1, s14  }
0x1d: {  	p0 =	sne.s32 s14, s31  }
.Ltmp1:
0x1e: {  	_ = 	snop;
	(pc) =	sbr.rel @!p0 .LBB2_13-.Ltmp1, $3  }
0x1f: {  	_ =	sdelay $0x1  }
0x20: {  	[sflag:s1] =	ssyncset.done $0x0  }
0x21: {  	[sflag:s1] =	ssyncadd.s32 $0xFFFFE000  }
.LBB2_1:
0x22: {  	[dreg:$0x6] =	wrdreg s14  }
0x23: {  	s0 =	rddreg [dreg:$0x4];
	s16 =	simm.s32 $0x9  }
0x24: {  	[tilespmem:s3], [sflag:$0x9] =	stream.linear.gather [hbm4b:s0+s3], $0x6400, $0x38;
	[tilespmem:$0x16C00] =	vst v63  }
0x25: {  	_ =	swait.ge [sflag:s16], $0x6400  }
0x26: {  	[sflag:s16] =	ssyncset.done $0x0  }
0x27: {  	s17 =	simm.s32 $0x80;
	s1 =	simm.s32 $0x6400;
	[sflag:s16] =	ssyncadd.s32 $0xFFFF9C00  }
0x28: {  	[tilespmem:s1], [sflag:$0x1] =	stream.indirect.gather [hbm4b:s4+s17], $0x40, s3, s17, $0xb8;
	[tilespmem:$0x16C00] =	vst v63  }
0x29: {  	s18 =	simm.s32 $0x8400  }
0x2a: {  	[tilespmem:s18], [sflag:$0x2] =	stream.indirect.gather [hbm4b:s4+s17], $0x40, s17, s17, $0xb8;
	[tilespmem:$0x16C00] =	vst v63  }
0x2b: {  	s19 =	simm.s32 $0x100;
	s20 =	simm.s32 $0xA400  }
0x2c: {  	[tilespmem:s20], [sflag:$0x3] =	stream.indirect.gather [hbm4b:s4+s17], $0x40, s19, s17, $0xb8;
	[tilespmem:$0x16C00] =	vst v63  }
0x2d: {  	s28 =	simm.s32 $0x180;
	s29 =	simm.s32 $0xC400;
	s31 =	simm.s32 $0x0  }
0x2e: {  	[tilespmem:s29], [sflag:$0x4] =	stream.indirect.gather [hbm4b:s4+s17], $0x40, s28, s17, $0xb8;
	[tilespmem:$0x16C00] =	vst v63  }
.LBB2_2:
0x2f: {  	_ =	swait.ge [sflag:s23], $0x2000  }
0x30: {  	p0 =	seq.s32 s31, $0x0;
	[sflag:s23] =	ssyncset.done $0x0  }
0x31: {  	s0 =	simm.s32 @!p0 $0x5;
	[sflag:s23] =	ssyncadd.s32 $0xFFFFE000  }
0x32: {  	_ =	swait.ge @!p0 [sflag:s0], $0x2000  }
0x33: {  	[sflag:s0] =	ssyncset.done @!p0 $0x0  }
0x34: {  	s17 =	simm.s32 $0x6480;
	s14 =	simm.s32 $0x3;
	[sflag:s0] =	ssyncadd.s32 @!p0 $0xFFFFE000  }
0x35: {  	v4 =	vmov s14;
	v5 =	vld [tilespmem:s17+$0x40]  }
0x36: {  	v9 =	vand.u32 $0x7F, v4  }
0x37: {  	s16 =	simm.s32 $0x0;
	v4 =	vadd.s32 v0, v9  }
0x38: {  	s18 =	simm.s32 $0x1;
	s1 =	simm.s32 $0x2;
	v6 =	vmov s16;
	v7 =	vld [tilespmem:s17+$0xFFFFFF80]  }
0x39: {  	v11 =	vmov s1;
	v8 =	vand.u32 $0x7C, v6;
	v6 =	vmov s18;
	v10 =	vld [tilespmem:s17+$0xFFFFFFC0]  }
0x3a: {  	v12 =	vadd.s32 v0, v8;
	v15 =	vand.u32 $0x7D, v6;
	v6 =	vld [tilespmem:s17+$0x0];
	v5 =	vmul.f32 $8.000000000e+00, v5  }
0x3b: {  	v17 =	vand.u32 $0x7E, v11;
	v13 =	vadd.s32 v0, v15  }
0x3c: {  	v11 =	vadd.s32 v0, v17;
	[tilespmem:v4+s24+$0x0] =	vst.idx.msk $0xffff, v5  }
0x3d: {  	v4 =	vmul.f32 $8.000000000e+00, v7;
	v5 =	vld [tilespmem:s17+$0x50]  }
0x3e: {  	v7 =	vmul.f32 $8.000000000e+00, v10  }
0x3f: {  	[tilespmem:v12+s24+$0x0] =	vst.idx.msk $0xffff, v4;
	v4 =	vmul.f32 $8.000000000e+00, v6;
	v6 =	vadd.s32 v1, v9  }
0x40: {  	[tilespmem:v13+s24+$0x0] =	vst.idx.msk $0xffff, v7;
	v10 =	vld [tilespmem:s17+$0xFFFFFF90]  }
0x41: {  	v7 =	vld [tilespmem:s17+$0xFFFFFFD0];
	[tilespmem:v11+s24+$0x0] =	vst.idx.msk $0xffff, v4  }
0x42: {  	v11 =	vld [tilespmem:s17+$0x10];
	v4 =	vmul.f32 $8.000000000e+00, v5  }
0x43: {  	s19 =	simm.s32 $0x4;
	s20 =	simm.s32 $0x7;
	s16 =	simm.s32 $0x6580;
	v12 =	vadd.s32 v1, v15  }
0x44: {  	v14 =	vld [tilespmem:s16+$0x40];
	v13 =	vadd.s32 v1, v17;
	v5 =	vmov s19;
	[tilespmem:v6+s24+$0x0] =	vst.idx.msk $0xffff, v4;
	v6 =	vmov s20  }
0x45: {  	v16 =	vadd.s32 v1, v8;
	v4 =	vand.u32 $0x7C, v5;
	v5 =	vand.u32 $0x7F, v6;
	v18 =	vld [tilespmem:s17+$0x60]  }
0x46: {  	s28 =	simm.s32 $0x5;
	v22 =	vadd.s32 v2, v9;
	v19 =	vld [tilespmem:s16+$0xFFFFFF80];
	v6 =	vmul.f32 $8.000000000e+00, v7;
	v20 =	vadd.s32 v0, v5  }
0x47: {  	s29 =	simm.s32 $0x6;
	v21 =	vld [tilespmem:s16+$0xFFFFFFC0];
	v10 =	vmul.f32 $8.000000000e+00, v10;
	v7 =	vmul.f32 $8.000000000e+00, v11;
	v11 =	vmov s28  }
0x48: {  	v23 =	vadd.s32 v0, v4;
	[tilespmem:v12+s24+$0x0] =	vst.idx.msk $0xffff, v6;
	v12 =	vmov s29;
	v6 =	vand.u32 $0x7D, v11;
	v11 =	vld [tilespmem:s16+$0x0]  }
0x49: {  	[tilespmem:v13+s24+$0x0] =	vst.idx.msk $0xffff, v7;
	v13 =	vadd.s32 v0, v6;
	v7 =	vand.u32 $0x7E, v12;
	v12 =	vmul.f32 $8.000000000e+00, v14;
	v14 =	vld [tilespmem:s17+$0xFFFFFFE0]  }
0x4a: {  	[tilespmem:v16+s24+$0x0] =	vst.idx.msk $0xffff, v10;
	v10 =	vadd.s32 v0, v7;
	v16 =	vld [tilespmem:s17+$0x20];
	v18 =	vmul.f32 $8.000000000e+00, v18  }
0x4b: {  	v24 =	vadd.s32 v2, v15;
	v19 =	vmul.f32 $8.000000000e+00, v19;
	[tilespmem:v20+s24+$0x0] =	vst.idx.msk $0xffff, v12;
	v20 =	vld [tilespmem:s17+$0xFFFFFFA0]  }
0x4c: {  	v25 =	vadd.s32 v2, v17;
	v12 =	vmul.f32 $8.000000000e+00, v21;
	v21 =	vld [tilespmem:s16+$0x50];
	[tilespmem:v22+s24+$0x0] =	vst.idx.msk $0xffff, v18  }
0x4d: {  	[tilespmem:v23+s24+$0x0] =	vst.idx.msk $0xffff, v19;
	v19 =	vadd.s32 v2, v8;
	v11 =	vmul.f32 $8.000000000e+00, v11;
	v22 =	vld [tilespmem:s17+$0x70]  }
0x4e: {  	v26 =	vadd.s32 v1, v5;
	v23 =	vld [tilespmem:s16+$0xFFFFFF90];
	[tilespmem:v13+s24+$0x0] =	vst.idx.msk $0xffff, v12;
	v13 =	vmul.f32 $8.000000000e+00, v14  }
0x4f: {  	v28 =	vadd.s32 v3, v9;
	v27 =	vld [tilespmem:s16+$0xFFFFFFD0];
	[tilespmem:v10+s24+$0x0] =	vst.idx.msk $0xffff, v11;
	v10 =	vmul.f32 $8.000000000e+00, v16  }
0x50: {  	s0 =	sshll.u32 s31, $0x2;
	v18 =	vadd.s32 v1, v4;
	v12 =	vld [tilespmem:s16+$0x10];
	[tilespmem:v24+s24+$0x0] =	vst.idx.msk $0xffff, v13;
	v9 =	vmul.f32 $8.000000000e+00, v20  }
0x51: {  	s1 =	sadd.s32 s5, s0;
	s19 =	simm.s32 $0x8;
	v16 =	vadd.s32 v1, v6;
	v13 =	vld [tilespmem:s17+$0xFFFFFFF0];
	[tilespmem:v25+s24+$0x0] =	vst.idx.msk $0xffff, v10;
	v14 =	vmul.f32 $8.000000000e+00, v21  }
0x52: {  	s18 =	simm.s32 $0x6680;
	s14 =	sshrl.u32 s1, $0x5;
	v20 =	vmov s19;
	v10 =	vadd.s32 v1, v7;
	v11 =	vld [tilespmem:s17+$0x30];
	[tilespmem:v19+s24+$0x0] =	vst.idx.msk $0xffff, v9;
	v63 =	vmul.f32 $8.000000000e+00, v22  }
0x53: {  	s14 =	sand.u32 $0x3FFFFF8, s14;
	v15 =	vadd.s32 v3, v15;
	s20 =	sand.u32 $0x4, s0;
	s28 =	simm.s32 $0xB;
	v9 =	vand.u32 $0x7C, v20;
	v20 =	vmul.f32 $8.000000000e+00, v23;
	[tilespmem:v26+s24+$0x0] =	vst.idx.msk $0xffff, v14;
	v14 =	vld [tilespmem:s17+$0xFFFFFFB0]  }
0x54: {  	v17 =	vadd.s32 v3, v17;
	v22 =	vmov s28;
	v19 =	vld [tilespmem:s18+$0x40];
	s17 =	sor.u32 s20, s14;
	s20 =	simm.s32 $0xC;
	v21 =	vmul.f32 $8.000000000e+00, v27;
	[tilespmem:v28+s24+$0x0] =	vst.idx.msk $0xffff, v63  }
.LBB2_3:
0x55: {  	p1 =	slt.u32 s20, $0x7C;
	s14 =	sadd.s32 $0x1, s19;
	v22 =	vand.u32 $0x7F, v22;
	[tilespmem:v18+s24+$0x0] =	vst.idx.msk $0xffff, v20;
	v12 =	vmul.f32 $8.000000000e+00, v12;
	v18 =	vld [tilespmem:s16+$0x60];
	v20 =	vadd.s32 v3, v8;
	v8 =	vmovc v4  }
0x56: {  	v4 =	vmovc v9;
	v23 =	vld [tilespmem:s18+$0xFFFFFF80];
	v24 =	vmov s14;
	s14 =	sadd.s32 $0x2, s19;
	v25 =	vadd.s32 v0, v22;
	[tilespmem:v16+s24+$0x0] =	vst.idx.msk $0xffff, v21;
	v13 =	vmul.f32 $8.000000000e+00, v13;
	s19 =	smov.u32 s20  }
0x57: {  	v9 =	vld [tilespmem:s18+$0xFFFFFFC0];
	v16 =	vmov s14;
	[tilespmem:v10+s24+$0x0] =	vst.idx.msk $0xffff, v12;
	v10 =	vadd.s32 v2, v5;
	v11 =	vmul.f32 $8.000000000e+00, v11  }
0x58: {  	v12 =	vadd.s32 v0, v4;
	v21 =	vand.u32 $0x7D, v24;
	v24 =	vld [tilespmem:s18+$0x0];
	v14 =	vmul.f32 $8.000000000e+00, v14;
	[tilespmem:v15+s24+$0x0] =	vst.idx.msk $0xffff, v13  }
0x59: {  	v13 =	vadd.s32 v0, v21;
	v26 =	vand.u32 $0x7E, v16;
	v15 =	vmul.f32 $8.000000000e+00, v19;
	v16 =	vld [tilespmem:s16+$0xFFFFFFE0];
	[tilespmem:v17+s24+$0x0] =	vst.idx.msk $0xffff, v11  }
0x5a: {  	v11 =	vadd.s32 v0, v26;
	v17 =	vld [tilespmem:s16+$0x20];
	v18 =	vmul.f32 $8.000000000e+00, v18;
	[tilespmem:v20+s24+$0x0] =	vst.idx.msk $0xffff, v14  }
0x5b: {  	v19 =	vadd.s32 v2, v6;
	v14 =	vmul.f32 $8.000000000e+00, v23;
	[tilespmem:v25+s24+$0x0] =	vst.idx.msk $0xffff, v15;
	v15 =	vld [tilespmem:s16+$0xFFFFFFA0]  }
0x5c: {  	v23 =	vadd.s32 v2, v7;
	v9 =	vmul.f32 $8.000000000e+00, v9;
	v20 =	vld [tilespmem:s18+$0x50];
	[tilespmem:v10+s24+$0x0] =	vst.idx.msk $0xffff, v18  }
0x5d: {  	[tilespmem:v12+s24+$0x0] =	vst.idx.msk $0xffff, v14;
	v10 =	vmul.f32 $8.000000000e+00, v24;
	v14 =	vadd.s32 v2, v8;
	v24 =	vld [tilespmem:s16+$0x70]  }
0x5e: {  	v27 =	vadd.s32 v1, v22;
	v25 =	vld [tilespmem:s18+$0xFFFFFF90];
	[tilespmem:v13+s24+$0x0] =	vst.idx.msk $0xffff, v9;
	v9 =	vmul.f32 $8.000000000e+00, v16  }
0x5f: {  	v29 =	vadd.s32 v3, v5;
	v5 =	vmov v22;
	v28 =	vld [tilespmem:s18+$0xFFFFFFD0];
	[tilespmem:v11+s24+$0x0] =	vst.idx.msk $0xffff, v10;
	v10 =	vmul.f32 $8.000000000e+00, v17  }
.Ltmp2:
0x60: {  	v18 =	vadd.s32 v1, v4;
	v12 =	vld [tilespmem:s18+$0x10];
	v11 =	vmul.f32 $8.000000000e+00, v15;
	[tilespmem:v19+s24+$0x0] =	vst.idx.msk $0xffff, v9;
	(pc) =	sbr.rel @p1 .LBB2_3-.Ltmp2, $4  }
0x61: {  	v16 =	vadd.s32 v1, v21;
	v15 =	vmul.f32 $8.000000000e+00, v20;
	v13 =	vld [tilespmem:s16+$0xFFFFFFF0];
	[tilespmem:v23+s24+$0x0] =	vst.idx.msk $0xffff, v10  }
0x62: {  	v9 =	vmov s20;
	v10 =	vadd.s32 v1, v26;
	[tilespmem:v14+s24+$0x0] =	vst.idx.msk $0xffff, v11;
	v11 =	vld [tilespmem:s16+$0x30];
	v23 =	vmul.f32 $8.000000000e+00, v24  }
0x63: {  	s14 =	sadd.s32 $0x3, s20;
	v9 =	vand.u32 $0x7C, v9;
	v20 =	vmul.f32 $8.000000000e+00, v25;
	[tilespmem:v27+s24+$0x0] =	vst.idx.msk $0xffff, v15;
	v14 =	vld [tilespmem:s16+$0xFFFFFFB0];
	v15 =	vadd.s32 v3, v6;
	v6 =	vmovc v21;
	s16 =	smov.u32 s18;
	s18 =	sadd.s32 $0x100, s18  }
0x64: {  	v22 =	vmov s14;
	v17 =	vadd.s32 v3, v7;
	v7 =	vmovc v26;
	s20 =	sadd.s32 $0x4, s20;
	v19 =	vld [tilespmem:s18+$0x40];
	v21 =	vmul.f32 $8.000000000e+00, v28;
	[tilespmem:v29+s24+$0x0] =	vst.idx.msk $0xffff, v23  }
0x65: {  	s14 =	sadd.s32 $0x1, s19  }
0x66: {  	v22 =	vand.u32 $0x7F, v22;
	s29 =	sadd.s32 $0x2, s19;
	v24 =	vld [tilespmem:s18+$0xFFFFFFC0];
	v23 =	vmov s14  }
0x67: {  	v27 =	vld [tilespmem:s18+$0x0];
	v25 =	vadd.s32 v0, v22;
	v26 =	vmov s29;
	v23 =	vand.u32 $0x7D, v23  }
0x68: {  	v28 =	vld [tilespmem:s18+$0xFFFFFF80];
	v26 =	vand.u32 $0x7E, v26;
	v29 =	vadd.s32 v0, v23  }
0x69: {  	v30 =	vadd.s32 v0, v26  }
0x6a: {  	[tilespmem:v18+s24+$0x0] =	vst.idx.msk $0xffff, v20;
	v18 =	vadd.s32 v0, v9;
	v19 =	vmul.f32 $8.000000000e+00, v19  }
0x6b: {  	[tilespmem:v16+s24+$0x0] =	vst.idx.msk $0xffff, v21;
	v16 =	vmul.f32 $8.000000000e+00, v24  }
0x6c: {  	[tilespmem:v25+s24+$0x0] =	vst.idx.msk $0xffff, v19;
	v19 =	vmul.f32 $8.000000000e+00, v27  }
0x6d: {  	v20 =	vmul.f32 $8.000000000e+00, v28;
	[tilespmem:v29+s24+$0x0] =	vst.idx.msk $0xffff, v16;
	v16 =	vld [tilespmem:s18+$0x50]  }
0x6e: {  	v12 =	vmul.f32 $8.000000000e+00, v12;
	v8 =	vadd.s32 v3, v8;
	[tilespmem:v30+s24+$0x0] =	vst.idx.msk $0xffff, v19;
	v21 =	vld [tilespmem:s18+$0xFFFFFFD0]  }
0x6f: {  	v13 =	vmul.f32 $8.000000000e+00, v13;
	[tilespmem:v18+s24+$0x0] =	vst.idx.msk $0xffff, v20;
	v18 =	vadd.s32 v1, v22;
	v19 =	vld [tilespmem:s18+$0x10]  }
0x70: {  	[tilespmem:v10+s24+$0x0] =	vst.idx.msk $0xffff, v12;
	v10 =	vmul.f32 $8.000000000e+00, v11;
	v12 =	vadd.s32 v1, v23;
	v11 =	vld [tilespmem:s18+$0xFFFFFF90]  }
0x71: {  	v14 =	vmul.f32 $8.000000000e+00, v14;
	[tilespmem:v15+s24+$0x0] =	vst.idx.msk $0xffff, v13;
	v13 =	vadd.s32 v1, v26;
	v20 =	vld [tilespmem:s16+$0x60]  }
0x72: {  	v15 =	vld [tilespmem:s16+$0xFFFFFFE0];
	[tilespmem:v17+s24+$0x0] =	vst.idx.msk $0xffff, v10;
	v10 =	vadd.s32 v1, v9;
	v16 =	vmul.f32 $8.000000000e+00, v16  }
0x73: {  	v57 =	vld [tilespmem:s16+$0x20];
	v17 =	vadd.s32 v2, v5;
	[tilespmem:v8+s24+$0x0] =	vst.idx.msk $0xffff, v14;
	v8 =	vmul.f32 $8.000000000e+00, v21  }
0x74: {  	v14 =	vld [tilespmem:s16+$0xFFFFFFA0];
	v21 =	vadd.s32 v2, v6;
	[tilespmem:v18+s24+$0x0] =	vst.idx.msk $0xffff, v16;
	v16 =	vmul.f32 $8.000000000e+00, v19  }
0x75: {  	v11 =	vmul.f32 $8.000000000e+00, v11;
	v18 =	vadd.s32 v2, v7;
	v19 =	vld [tilespmem:s18+$0x60];
	[tilespmem:v12+s24+$0x0] =	vst.idx.msk $0xffff, v8  }
0x76: {  	v8 =	vmul.f32 $8.000000000e+00, v20;
	v12 =	vadd.s32 v2, v4;
	[tilespmem:v13+s24+$0x0] =	vst.idx.msk $0xffff, v16;
	v13 =	vld [tilespmem:s18+$0xFFFFFFE0]  }
0x77: {  	v15 =	vmul.f32 $8.000000000e+00, v15;
	[tilespmem:v10+s24+$0x0] =	vst.idx.msk $0xffff, v11;
	v10 =	vadd.s32 v2, v22;
	v11 =	vld [tilespmem:s18+$0x20]  }
0x78: {  	v16 =	vld [tilespmem:s18+$0xFFFFFFA0];
	[tilespmem:v17+s24+$0x0] =	vst.idx.msk $0xffff, v8;
	v8 =	vmul.f32 $8.000000000e+00, v57;
	v17 =	vadd.s32 v2, v23  }
0x79: {  	v14 =	vmul.f32 $8.000000000e+00, v14;
	v20 =	vld [tilespmem:s16+$0x70];
	[tilespmem:v21+s24+$0x0] =	vst.idx.msk $0xffff, v15;
	v15 =	vadd.s32 v2, v26  }
0x7a: {  	v21 =	vld [tilespmem:s16+$0xFFFFFFF0];
	[tilespmem:v18+s24+$0x0] =	vst.idx.msk $0xffff, v8;
	v18 =	vadd.s32 v2, v9;
	v8 =	vmul.f32 $8.000000000e+00, v19  }
0x7b: {  	v5 =	vadd.s32 v3, v5;
	[tilespmem:v12+s24+$0x0] =	vst.idx.msk $0xffff, v14;
	v12 =	vld [tilespmem:s16+$0x30];
	v13 =	vmul.f32 $8.000000000e+00, v13  }
0x7c: {  	v6 =	vadd.s32 v3, v6;
	v14 =	vld [tilespmem:s16+$0xFFFFFFB0];
	[tilespmem:v10+s24+$0x0] =	vst.idx.msk $0xffff, v8;
	v8 =	vmul.f32 $8.000000000e+00, v11  }
0x7d: {  	v7 =	vadd.s32 v3, v7;
	v11 =	vmul.f32 $8.000000000e+00, v16;
	v10 =	vld [tilespmem:s18+$0x70];
	[tilespmem:v17+s24+$0x0] =	vst.idx.msk $0xffff, v13  }
0x7e: {  	v4 =	vadd.s32 v3, v4;
	v13 =	vmul.f32 $8.000000000e+00, v20;
	v16 =	vld [tilespmem:s18+$0xFFFFFFF0];
	[tilespmem:v15+s24+$0x0] =	vst.idx.msk $0xffff, v8  }
0x7f: {  	v8 =	vmul.f32 $8.000000000e+00, v21;
	v15 =	vadd.s32 v3, v22;
	[tilespmem:v18+s24+$0x0] =	vst.idx.msk $0xffff, v11;
	v11 =	vld [tilespmem:s18+$0x30]  }
0x80: {  	[tilespmem:v5+s24+$0x0] =	vst.idx.msk $0xffff, v13;
	v5 =	vmul.f32 $8.000000000e+00, v12;
	v12 =	vld [tilespmem:s18+$0xFFFFFFB0];
	v13 =	vadd.s32 v3, v23  }
0x81: {  	v14 =	vmul.f32 $8.000000000e+00, v14;
	[tilespmem:v6+s24+$0x0] =	vst.idx.msk $0xffff, v8;
	v6 =	vadd.s32 v3, v26  }
0x82: {  	[tilespmem:v7+s24+$0x0] =	vst.idx.msk $0xffff, v5;
	v7 =	vadd.s32 v3, v9;
	v5 =	vmul.f32 $8.000000000e+00, v10  }
0x83: {  	s1 =	sshll.u32 s1, $0x7;
	[tilespmem:v4+s24+$0x0] =	vst.idx.msk $0xffff, v14;
	v4 =	vmul.f32 $8.000000000e+00, v16  }
0x84: {  	s1 =	sand.u32 $0x7C00, s1;
	s16 =	sshll.u32 s17, $0x12;
	[tilespmem:v15+s24+$0x0] =	vst.idx.msk $0xffff, v5;
	v5 =	vmul.f32 $8.000000000e+00, v11  }
0x85: {  	s1 =	sor.u32 s1, s16;
	v8 =	vmul.f32 $8.000000000e+00, v12;
	[tilespmem:v13+s24+$0x0] =	vst.idx.msk $0xffff, v4  }
0x86: {  	s1 =	sshrl.u32 s1, $0x3;
	[tilespmem:v6+s24+$0x0] =	vst.idx.msk $0xffff, v5  }
0x87: {  	s14 =	sadd.s32 s2, s1;
	[tilespmem:v7+s24+$0x0] =	vst.idx.msk $0xffff, v8  }
0x88: {  	[hbm4b:s14+s3] =	stream.linear.scatter [tilespmem:s24], [sflag:$0x5], $0x80, $0x38;
	[tilespmem:$0x16C00] =	vst v63  }
0x89: {  	s17 =	sadd.s32 $0x10, s14;
	s18 =	simm.s32 $0xE488  }
0x8a: {  	[hbm4b:s17+s3] =	stream.linear.scatter [tilespmem:s18], [sflag:$0x5], $0x80, $0x38;
	[tilespmem:$0x16C00] =	vst v63  }
0x8b: {  	s20 =	simm.s32 $0xE510;
	s19 =	sadd.s32 $0x20, s14  }
0x8c: {  	[hbm4b:s19+s3] =	stream.linear.scatter [tilespmem:s20], [sflag:$0x5], $0x80, $0x38;
	[tilespmem:$0x16C00] =	vst v63  }
0x8d: {  	s29 =	simm.s32 $0xE598;
	s28 =	sadd.s32 $0x30, s14  }
0x8e: {  	[hbm4b:s28+s3] =	stream.linear.scatter [tilespmem:s29], [sflag:$0x5], $0x80, $0x38;
	[tilespmem:$0x16C00] =	vst v63  }
0x8f: {  	s17 =	sadd.s32 $0x40, s14;
	s18 =	simm.s32 $0xE620  }
0x90: {  	[hbm4b:s17+s3] =	stream.linear.scatter [tilespmem:s18], [sflag:$0x5], $0x80, $0x38;
	[tilespmem:$0x16C00] =	vst v63  }
0x91: {  	s19 =	sadd.s32 $0x50, s14;
	s20 =	simm.s32 $0xE6A8  }
0x92: {  	[hbm4b:s19+s3] =	stream.linear.scatter [tilespmem:s20], [sflag:$0x5], $0x80, $0x38;
	[tilespmem:$0x16C00] =	vst v63  }
0x93: {  	s28 =	sadd.s32 $0x60, s14;
	s29 =	simm.s32 $0xE730  }
0x94: {  	[hbm4b:s28+s3] =	stream.linear.scatter [tilespmem:s29], [sflag:$0x5], $0x80, $0x38;
	[tilespmem:$0x16C00] =	vst v63  }
0x95: {  	s14 =	sadd.s32 $0x70, s14;
	s17 =	simm.s32 $0xE7B8  }
0x96: {  	[hbm4b:s14+s3] =	stream.linear.scatter [tilespmem:s17], [sflag:$0x5], $0x80, $0x38;
	[tilespmem:$0x16C00] =	vst v63  }
0x97: {  	s18 =	simm.s32 $0xE840;
	s14 =	sadd.s32 s1, s7  }
0x98: {  	[hbm4b:s14+s3] =	stream.linear.scatter [tilespmem:s18], [sflag:$0x5], $0x80, $0x38;
	[tilespmem:$0x16C00] =	vst v63  }
0x99: {  	s20 =	simm.s32 $0xE8C8;
	s19 =	sadd.s32 $0x10, s14  }
0x9a: {  	[hbm4b:s19+s3] =	stream.linear.scatter [tilespmem:s20], [sflag:$0x5], $0x80, $0x38;
	[tilespmem:$0x16C00] =	vst v63  }
0x9b: {  	s29 =	simm.s32 $0xE950;
	s28 =	sadd.s32 $0x20, s14  }
0x9c: {  	[hbm4b:s28+s3] =	stream.linear.scatter [tilespmem:s29], [sflag:$0x5], $0x80, $0x38;
	[tilespmem:$0x16C00] =	vst v63  }
0x9d: {  	s17 =	sadd.s32 $0x30, s14;
	s18 =	simm.s32 $0xE9D8  }
0x9e: {  	[hbm4b:s17+s3] =	stream.linear.scatter [tilespmem:s18], [sflag:$0x5], $0x80, $0x38;
	[tilespmem:$0x16C00] =	vst v63  }
0x9f: {  	s19 =	sadd.s32 $0x40, s14;
	s20 =	simm.s32 $0xEA60  }
0xa0: {  	[hbm4b:s19+s3] =	stream.linear.scatter [tilespmem:s20], [sflag:$0x5], $0x80, $0x38;
	[tilespmem:$0x16C00] =	vst v63  }
0xa1: {  	s28 =	sadd.s32 $0x50, s14;
	s29 =	simm.s32 $0xEAE8  }
0xa2: {  	[hbm4b:s28+s3] =	stream.linear.scatter [tilespmem:s29], [sflag:$0x5], $0x80, $0x38;
	[tilespmem:$0x16C00] =	vst v63  }
0xa3: {  	s17 =	sadd.s32 $0x60, s14;
	s18 =	simm.s32 $0xEB70  }
0xa4: {  	[hbm4b:s17+s3] =	stream.linear.scatter [tilespmem:s18], [sflag:$0x5], $0x80, $0x38;
	[tilespmem:$0x16C00] =	vst v63  }
0xa5: {  	s14 =	sadd.s32 $0x70, s14;
	s19 =	simm.s32 $0xEBF8  }
0xa6: {  	[hbm4b:s14+s3] =	stream.linear.scatter [tilespmem:s19], [sflag:$0x5], $0x80, $0x38;
	[tilespmem:$0x16C00] =	vst v63  }
0xa7: {  	s20 =	simm.s32 $0xEC80;
	s14 =	sadd.s32 s1, s8  }
0xa8: {  	[hbm4b:s14+s3] =	stream.linear.scatter [tilespmem:s20], [sflag:$0x5], $0x80, $0x38;
	[tilespmem:$0x16C00] =	vst v63  }
0xa9: {  	s29 =	simm.s32 $0xED08;
	s28 =	sadd.s32 $0x10, s14  }
0xaa: {  	[hbm4b:s28+s3] =	stream.linear.scatter [tilespmem:s29], [sflag:$0x5], $0x80, $0x38;
	[tilespmem:$0x16C00] =	vst v63  }
0xab: {  	s18 =	simm.s32 $0xED90;
	s17 =	sadd.s32 $0x20, s14  }
0xac: {  	[hbm4b:s17+s3] =	stream.linear.scatter [tilespmem:s18], [sflag:$0x5], $0x80, $0x38;
	[tilespmem:$0x16C00] =	vst v63  }
0xad: {  	s19 =	sadd.s32 $0x30, s14;
	s20 =	simm.s32 $0xEE18  }
0xae: {  	[hbm4b:s19+s3] =	stream.linear.scatter [tilespmem:s20], [sflag:$0x5], $0x80, $0x38;
	[tilespmem:$0x16C00] =	vst v63  }
0xaf: {  	s28 =	sadd.s32 $0x40, s14;
	s29 =	simm.s32 $0xEEA0  }
0xb0: {  	[hbm4b:s28+s3] =	stream.linear.scatter [tilespmem:s29], [sflag:$0x5], $0x80, $0x38;
	[tilespmem:$0x16C00] =	vst v63  }
0xb1: {  	s17 =	sadd.s32 $0x50, s14;
	s18 =	simm.s32 $0xEF28  }
0xb2: {  	[hbm4b:s17+s3] =	stream.linear.scatter [tilespmem:s18], [sflag:$0x5], $0x80, $0x38;
	[tilespmem:$0x16C00] =	vst v63  }
0xb3: {  	s19 =	sadd.s32 $0x60, s14;
	s20 =	simm.s32 $0xEFB0  }
0xb4: {  	[hbm4b:s19+s3] =	stream.linear.scatter [tilespmem:s20], [sflag:$0x5], $0x80, $0x38;
	[tilespmem:$0x16C00] =	vst v63  }
0xb5: {  	s14 =	sadd.s32 $0x70, s14;
	s28 =	simm.s32 $0xF038  }
0xb6: {  	[hbm4b:s14+s3] =	stream.linear.scatter [tilespmem:s28], [sflag:$0x5], $0x80, $0x38;
	[tilespmem:$0x16C00] =	vst v63  }
0xb7: {  	s29 =	simm.s32 $0xF0C0;
	s14 =	sadd.s32 s1, s9  }
0xb8: {  	[hbm4b:s14+s3] =	stream.linear.scatter [tilespmem:s29], [sflag:$0x5], $0x80, $0x38;
	[tilespmem:$0x16C00] =	vst v63  }
0xb9: {  	s18 =	simm.s32 $0xF148;
	s17 =	sadd.s32 $0x10, s14  }
0xba: {  	[hbm4b:s17+s3] =	stream.linear.scatter [tilespmem:s18], [sflag:$0x5], $0x80, $0x38;
	[tilespmem:$0x16C00] =	vst v63  }
0xbb: {  	s20 =	simm.s32 $0xF1D0;
	s19 =	sadd.s32 $0x20, s14  }
0xbc: {  	[hbm4b:s19+s3] =	stream.linear.scatter [tilespmem:s20], [sflag:$0x5], $0x80, $0x38;
	[tilespmem:$0x16C00] =	vst v63  }
0xbd: {  	s28 =	sadd.s32 $0x30, s14;
	s29 =	simm.s32 $0xF258  }
0xbe: {  	[hbm4b:s28+s3] =	stream.linear.scatter [tilespmem:s29], [sflag:$0x5], $0x80, $0x38;
	[tilespmem:$0x16C00] =	vst v63  }
0xbf: {  	s17 =	sadd.s32 $0x40, s14;
	s18 =	simm.s32 $0xF2E0  }
0xc0: {  	[hbm4b:s17+s3] =	stream.linear.scatter [tilespmem:s18], [sflag:$0x5], $0x80, $0x38;
	[tilespmem:$0x16C00] =	vst v63  }
0xc1: {  	s19 =	sadd.s32 $0x50, s14;
	s20 =	simm.s32 $0xF368  }
0xc2: {  	[hbm4b:s19+s3] =	stream.linear.scatter [tilespmem:s20], [sflag:$0x5], $0x80, $0x38;
	[tilespmem:$0x16C00] =	vst v63  }
0xc3: {  	s28 =	sadd.s32 $0x60, s14;
	s29 =	simm.s32 $0xF3F0  }
0xc4: {  	[hbm4b:s28+s3] =	stream.linear.scatter [tilespmem:s29], [sflag:$0x5], $0x80, $0x38;
	[tilespmem:$0x16C00] =	vst v63  }
0xc5: {  	s14 =	sadd.s32 $0x70, s14;
	s17 =	simm.s32 $0xF478  }
0xc6: {  	[hbm4b:s14+s3] =	stream.linear.scatter [tilespmem:s17], [sflag:$0x5], $0x80, $0x38;
	[tilespmem:$0x16C00] =	vst v63  }
0xc7: {  	s18 =	simm.s32 $0xF500;
	s14 =	sadd.s32 s1, s10  }
0xc8: {  	[hbm4b:s14+s3] =	stream.linear.scatter [tilespmem:s18], [sflag:$0x5], $0x80, $0x38;
	[tilespmem:$0x16C00] =	vst v63  }
0xc9: {  	s20 =	simm.s32 $0xF588;
	s19 =	sadd.s32 $0x10, s14  }
0xca: {  	[hbm4b:s19+s3] =	stream.linear.scatter [tilespmem:s20], [sflag:$0x5], $0x80, $0x38;
	[tilespmem:$0x16C00] =	vst v63  }
0xcb: {  	s29 =	simm.s32 $0xF610;
	s28 =	sadd.s32 $0x20, s14  }
0xcc: {  	[hbm4b:s28+s3] =	stream.linear.scatter [tilespmem:s29], [sflag:$0x5], $0x80, $0x38;
	[tilespmem:$0x16C00] =	vst v63  }
0xcd: {  	s17 =	sadd.s32 $0x30, s14;
	s18 =	simm.s32 $0xF698  }
0xce: {  	[hbm4b:s17+s3] =	stream.linear.scatter [tilespmem:s18], [sflag:$0x5], $0x80, $0x38;
	[tilespmem:$0x16C00] =	vst v63  }
0xcf: {  	s19 =	sadd.s32 $0x40, s14;
	s20 =	simm.s32 $0xF720  }
0xd0: {  	[hbm4b:s19+s3] =	stream.linear.scatter [tilespmem:s20], [sflag:$0x5], $0x80, $0x38;
	[tilespmem:$0x16C00] =	vst v63  }
0xd1: {  	s28 =	sadd.s32 $0x50, s14;
	s29 =	simm.s32 $0xF7A8  }
0xd2: {  	[hbm4b:s28+s3] =	stream.linear.scatter [tilespmem:s29], [sflag:$0x5], $0x80, $0x38;
	[tilespmem:$0x16C00] =	vst v63  }
0xd3: {  	s17 =	sadd.s32 $0x60, s14;
	s18 =	simm.s32 $0xF830  }
0xd4: {  	[hbm4b:s17+s3] =	stream.linear.scatter [tilespmem:s18], [sflag:$0x5], $0x80, $0x38;
	[tilespmem:$0x16C00] =	vst v63  }
0xd5: {  	s14 =	sadd.s32 $0x70, s14;
	s19 =	simm.s32 $0xF8B8  }
0xd6: {  	[hbm4b:s14+s3] =	stream.linear.scatter [tilespmem:s19], [sflag:$0x5], $0x80, $0x38;
	[tilespmem:$0x16C00] =	vst v63  }
0xd7: {  	s20 =	simm.s32 $0xF940;
	s14 =	sadd.s32 s1, s11  }
0xd8: {  	[hbm4b:s14+s3] =	stream.linear.scatter [tilespmem:s20], [sflag:$0x5], $0x80, $0x38;
	[tilespmem:$0x16C00] =	vst v63  }
0xd9: {  	s29 =	simm.s32 $0xF9C8;
	s28 =	sadd.s32 $0x10, s14  }
0xda: {  	[hbm4b:s28+s3] =	stream.linear.scatter [tilespmem:s29], [sflag:$0x5], $0x80, $0x38;
	[tilespmem:$0x16C00] =	vst v63  }
0xdb: {  	s18 =	simm.s32 $0xFA50;
	s17 =	sadd.s32 $0x20, s14  }
0xdc: {  	[hbm4b:s17+s3] =	stream.linear.scatter [tilespmem:s18], [sflag:$0x5], $0x80, $0x38;
	[tilespmem:$0x16C00] =	vst v63  }
0xdd: {  	s19 =	sadd.s32 $0x30, s14;
	s20 =	simm.s32 $0xFAD8  }
0xde: {  	[hbm4b:s19+s3] =	stream.linear.scatter [tilespmem:s20], [sflag:$0x5], $0x80, $0x38;
	[tilespmem:$0x16C00] =	vst v63  }
0xdf: {  	s28 =	sadd.s32 $0x40, s14;
	s29 =	simm.s32 $0xFB60  }
0xe0: {  	[hbm4b:s28+s3] =	stream.linear.scatter [tilespmem:s29], [sflag:$0x5], $0x80, $0x38;
	[tilespmem:$0x16C00] =	vst v63  }
0xe1: {  	s17 =	sadd.s32 $0x50, s14;
	s18 =	simm.s32 $0xFBE8  }
0xe2: {  	[hbm4b:s17+s3] =	stream.linear.scatter [tilespmem:s18], [sflag:$0x5], $0x80, $0x38;
	[tilespmem:$0x16C00] =	vst v63  }
0xe3: {  	s19 =	sadd.s32 $0x60, s14;
	s20 =	simm.s32 $0xFC70  }
0xe4: {  	[hbm4b:s19+s3] =	stream.linear.scatter [tilespmem:s20], [sflag:$0x5], $0x80, $0x38;
	[tilespmem:$0x16C00] =	vst v63  }
0xe5: {  	s14 =	sadd.s32 $0x70, s14;
	s28 =	simm.s32 $0xFCF8  }
0xe6: {  	[hbm4b:s14+s3] =	stream.linear.scatter [tilespmem:s28], [sflag:$0x5], $0x80, $0x38;
	[tilespmem:$0x16C00] =	vst v63  }
0xe7: {  	s29 =	simm.s32 $0xFD80;
	s14 =	sadd.s32 s1, s12  }
0xe8: {  	[hbm4b:s14+s3] =	stream.linear.scatter [tilespmem:s29], [sflag:$0x5], $0x80, $0x38;
	[tilespmem:$0x16C00] =	vst v63  }
0xe9: {  	s18 =	simm.s32 $0xFE08;
	s17 =	sadd.s32 $0x10, s14  }
0xea: {  	[hbm4b:s17+s3] =	stream.linear.scatter [tilespmem:s18], [sflag:$0x5], $0x80, $0x38;
	[tilespmem:$0x16C00] =	vst v63  }
0xeb: {  	s20 =	simm.s32 $0xFE90;
	s19 =	sadd.s32 $0x20, s14  }
0xec: {  	[hbm4b:s19+s3] =	stream.linear.scatter [tilespmem:s20], [sflag:$0x5], $0x80, $0x38;
	[tilespmem:$0x16C00] =	vst v63  }
0xed: {  	s28 =	sadd.s32 $0x30, s14;
	s29 =	simm.s32 $0xFF18  }
0xee: {  	[hbm4b:s28+s3] =	stream.linear.scatter [tilespmem:s29], [sflag:$0x5], $0x80, $0x38;
	[tilespmem:$0x16C00] =	vst v63  }
0xef: {  	s17 =	sadd.s32 $0x40, s14;
	s18 =	simm.s32 $0xFFA0  }
0xf0: {  	[hbm4b:s17+s3] =	stream.linear.scatter [tilespmem:s18], [sflag:$0x5], $0x80, $0x38;
	[tilespmem:$0x16C00] =	vst v63  }
0xf1: {  	s19 =	sadd.s32 $0x50, s14;
	s20 =	simm.s32 $0x10028  }
0xf2: {  	[hbm4b:s19+s3] =	stream.linear.scatter [tilespmem:s20], [sflag:$0x5], $0x80, $0x38;
	[tilespmem:$0x16C00] =	vst v63  }
0xf3: {  	s28 =	sadd.s32 $0x60, s14;
	s29 =	simm.s32 $0x100B0  }
0xf4: {  	[hbm4b:s28+s3] =	stream.linear.scatter [tilespmem:s29], [sflag:$0x5], $0x80, $0x38;
	[tilespmem:$0x16C00] =	vst v63  }
0xf5: {  	s14 =	sadd.s32 $0x70, s14;
	s17 =	simm.s32 $0x10138  }
0xf6: {  	[hbm4b:s14+s3] =	stream.linear.scatter [tilespmem:s17], [sflag:$0x5], $0x80, $0x38;
	[tilespmem:$0x16C00] =	vst v63  }
0xf7: {  	s1 =	sadd.s32 s1, s13;
	s18 =	simm.s32 $0x101C0  }
0xf8: {  	[hbm4b:s1+s3] =	stream.linear.scatter [tilespmem:s18], [sflag:$0x5], $0x80, $0x38;
	[tilespmem:$0x16C00] =	vst v63  }
0xf9: {  	s19 =	sadd.s32 $0x10, s1;
	s20 =	simm.s32 $0x10248  }
0xfa: {  	[hbm4b:s19+s3] =	stream.linear.scatter [tilespmem:s20], [sflag:$0x5], $0x80, $0x38;
	[tilespmem:$0x16C00] =	vst v63  }
0xfb: {  	s28 =	sadd.s32 $0x20, s1;
	s29 =	simm.s32 $0x102D0  }
0xfc: {  	[hbm4b:s28+s3] =	stream.linear.scatter [tilespmem:s29], [sflag:$0x5], $0x80, $0x38;
	[tilespmem:$0x16C00] =	vst v63  }
0xfd: {  	s17 =	sadd.s32 $0x30, s1;
	s18 =	simm.s32 $0x10358  }
0xfe: {  	[hbm4b:s17+s3] =	stream.linear.scatter [tilespmem:s18], [sflag:$0x5], $0x80, $0x38;
	[tilespmem:$0x16C00] =	vst v63  }
0xff: {  	s19 =	sadd.s32 $0x40, s1;
	s20 =	simm.s32 $0x103E0  }
0x100: {  	[hbm4b:s19+s3] =	stream.linear.scatter [tilespmem:s20], [sflag:$0x5], $0x80, $0x38;
	[tilespmem:$0x16C00] =	vst v63  }
0x101: {  	s28 =	sadd.s32 $0x50, s1;
	s29 =	simm.s32 $0x10468  }
0x102: {  	[hbm4b:s28+s3] =	stream.linear.scatter [tilespmem:s29], [sflag:$0x5], $0x80, $0x38;
	[tilespmem:$0x16C00] =	vst v63  }
0x103: {  	s16 =	sadd.s32 $0x60, s1;
	s17 =	simm.s32 $0x104F0  }
0x104: {  	[hbm4b:s16+s3] =	stream.linear.scatter [tilespmem:s17], [sflag:$0x5], $0x80, $0x38;
	[tilespmem:$0x16C00] =	vst v63  }
0x105: {  	p1 =	seq.s32 s31, $0x31;
	s1 =	sadd.s32 $0x70, s1;
	s18 =	simm.s32 $0x10578  }
0x106: {  	[hbm4b:s1+s3] =	stream.linear.scatter [tilespmem:s18], [sflag:$0x5], $0x80, $0x38;
	[tilespmem:$0x16C00] =	vst v63  }
0x107: {  	s1 =	sshll.u32 @!p1 s31, $0x9  }
0x108: {  	s16 =	sand.u32 @!p1 $0x3FFFFE00, s1  }
0x109: {  	s14 =	simm.s32 @!p1 $0x80;
	s17 =	simm.s32 @!p1 $0x6400;
	s1 =	sadd.s32 @!p1 $0x200, s16  }
0x10a: {  	[tilespmem:s17], [sflag:$0x1] =	stream.indirect.gather @!p1 [hbm4b:s4+s14], $0x40, s1, s14, $0xb8;
	[tilespmem:$0x16C00] =	vst v63  }
0x10b: {  	_ =	swait.ge [sflag:s21], $0x2000  }
0x10c: {  	[sflag:s21] =	ssyncset.done $0x0  }
0x10d: {  	s1 =	simm.s32 @!p0 $0x6;
	[sflag:s21] =	ssyncadd.s32 $0xFFFFE000  }
0x10e: {  	_ =	swait.ge @!p0 [sflag:s1], $0x2000  }
0x10f: {  	[sflag:s1] =	ssyncset.done @!p0 $0x0  }
0x110: {  	s19 =	simm.s32 $0x3;
	s18 =	simm.s32 $0x8480;
	[sflag:s1] =	ssyncadd.s32 @!p0 $0xFFFFE000  }
0x111: {  	v4 =	vmov s19;
	v5 =	vld [tilespmem:s18+$0x40]  }
0x112: {  	v9 =	vand.u32 $0x7F, v4  }
0x113: {  	s20 =	simm.s32 $0x0;
	v4 =	vadd.s32 v0, v9  }
0x114: {  	v6 =	vmov s20;
	s28 =	simm.s32 $0x1;
	s29 =	simm.s32 $0x2;
	v7 =	vld [tilespmem:s18+$0xFFFFFF80]  }
0x115: {  	v8 =	vand.u32 $0x7C, v6;
	v6 =	vmov s28;
	v11 =	vmov s29;
	v10 =	vld [tilespmem:s18+$0xFFFFFFC0]  }
0x116: {  	v12 =	vadd.s32 v0, v8;
	v15 =	vand.u32 $0x7D, v6;
	v6 =	vld [tilespmem:s18+$0x0];
	v5 =	vmul.f32 $8.000000000e+00, v5  }
0x117: {  	v17 =	vand.u32 $0x7E, v11;
	v13 =	vadd.s32 v0, v15  }
0x118: {  	v11 =	vadd.s32 v0, v17;
	[tilespmem:v4+s6+$0x0] =	vst.idx.msk $0xffff, v5  }
0x119: {  	v4 =	vmul.f32 $8.000000000e+00, v7;
	v5 =	vld [tilespmem:s18+$0x50]  }
0x11a: {  	v7 =	vmul.f32 $8.000000000e+00, v10  }
0x11b: {  	[tilespmem:v12+s6+$0x0] =	vst.idx.msk $0xffff, v4;
	v4 =	vmul.f32 $8.000000000e+00, v6;
	v6 =	vadd.s32 v1, v9  }
0x11c: {  	[tilespmem:v13+s6+$0x0] =	vst.idx.msk $0xffff, v7;
	v10 =	vld [tilespmem:s18+$0xFFFFFF90]  }
0x11d: {  	v7 =	vld [tilespmem:s18+$0xFFFFFFD0];
	[tilespmem:v11+s6+$0x0] =	vst.idx.msk $0xffff, v4  }
0x11e: {  	v11 =	vld [tilespmem:s18+$0x10];
	v4 =	vmul.f32 $8.000000000e+00, v5  }
0x11f: {  	s19 =	simm.s32 $0x7;
	s17 =	simm.s32 $0x4;
	s1 =	simm.s32 $0x8580;
	v12 =	vadd.s32 v1, v15  }
0x120: {  	v14 =	vld [tilespmem:s1+$0x40];
	v13 =	vadd.s32 v1, v17;
	v5 =	vmov s17;
	[tilespmem:v6+s6+$0x0] =	vst.idx.msk $0xffff, v4;
	v6 =	vmov s19  }
0x121: {  	v16 =	vadd.s32 v1, v8;
	v4 =	vand.u32 $0x7C, v5;
	v5 =	vand.u32 $0x7F, v6;
	v18 =	vld [tilespmem:s18+$0x60]  }
0x122: {  	s20 =	simm.s32 $0x5;
	v22 =	vadd.s32 v2, v9;
	v19 =	vld [tilespmem:s1+$0xFFFFFF80];
	v6 =	vmul.f32 $8.000000000e+00, v7;
	v20 =	vadd.s32 v0, v5  }
0x123: {  	s28 =	simm.s32 $0x6;
	v21 =	vld [tilespmem:s1+$0xFFFFFFC0];
	v10 =	vmul.f32 $8.000000000e+00, v10;
	v7 =	vmul.f32 $8.000000000e+00, v11;
	v11 =	vmov s20  }
0x124: {  	v23 =	vadd.s32 v0, v4;
	[tilespmem:v12+s6+$0x0] =	vst.idx.msk $0xffff, v6;
	v12 =	vmov s28;
	v6 =	vand.u32 $0x7D, v11;
	v11 =	vld [tilespmem:s1+$0x0]  }
0x125: {  	[tilespmem:v13+s6+$0x0] =	vst.idx.msk $0xffff, v7;
	v13 =	vadd.s32 v0, v6;
	v7 =	vand.u32 $0x7E, v12;
	v12 =	vmul.f32 $8.000000000e+00, v14;
	v14 =	vld [tilespmem:s18+$0xFFFFFFE0]  }
0x126: {  	[tilespmem:v16+s6+$0x0] =	vst.idx.msk $0xffff, v10;
	v10 =	vadd.s32 v0, v7;
	v16 =	vld [tilespmem:s18+$0x20];
	v18 =	vmul.f32 $8.000000000e+00, v18  }
0x127: {  	v58 =	vadd.s32 v2, v15;
	v19 =	vmul.f32 $8.000000000e+00, v19;
	[tilespmem:v20+s6+$0x0] =	vst.idx.msk $0xffff, v12;
	v20 =	vld [tilespmem:s18+$0xFFFFFFA0]  }
0x128: {  	v59 =	vadd.s32 v2, v17;
	v12 =	vmul.f32 $8.000000000e+00, v21;
	v21 =	vld [tilespmem:s1+$0x50];
	[tilespmem:v22+s6+$0x0] =	vst.idx.msk $0xffff, v18  }
0x129: {  	[tilespmem:v23+s6+$0x0] =	vst.idx.msk $0xffff, v19;
	v19 =	vadd.s32 v2, v8;
	v11 =	vmul.f32 $8.000000000e+00, v11;
	v22 =	vld [tilespmem:s18+$0x70]  }
0x12a: {  	v60 =	vadd.s32 v1, v5;
	v23 =	vld [tilespmem:s1+$0xFFFFFF90];
	[tilespmem:v13+s6+$0x0] =	vst.idx.msk $0xffff, v12;
	v13 =	vmul.f32 $8.000000000e+00, v14  }
0x12b: {  	v62 =	vadd.s32 v3, v9;
	v61 =	vld [tilespmem:s1+$0xFFFFFFD0];
	[tilespmem:v10+s6+$0x0] =	vst.idx.msk $0xffff, v11;
	v10 =	vmul.f32 $8.000000000e+00, v16  }
0x12c: {  	s14 =	sor.u32 $0x1, s0;
	v18 =	vadd.s32 v1, v4;
	v12 =	vld [tilespmem:s1+$0x10];
	[tilespmem:v58+s6+$0x0] =	vst.idx.msk $0xffff, v13;
	v9 =	vmul.f32 $8.000000000e+00, v20  }
0x12d: {  	s17 =	sadd.s32 s5, s14;
	s20 =	simm.s32 $0x8;
	v16 =	vadd.s32 v1, v6;
	v13 =	vld [tilespmem:s18+$0xFFFFFFF0];
	[tilespmem:v59+s6+$0x0] =	vst.idx.msk $0xffff, v10;
	v14 =	vmul.f32 $8.000000000e+00, v21  }
0x12e: {  	s29 =	sshrl.u32 s17, $0x5;
	s19 =	simm.s32 $0x8680;
	v20 =	vmov s20;
	v10 =	vadd.s32 v1, v7;
	v11 =	vld [tilespmem:s18+$0x30];
	[tilespmem:v19+s6+$0x0] =	vst.idx.msk $0xffff, v9;
	v63 =	vmul.f32 $8.000000000e+00, v22  }
0x12f: {  	v15 =	vadd.s32 v3, v15;
	s14 =	sand.u32 $0x5, s14;
	s28 =	sand.u32 $0x3FFFFF8, s29;
	s29 =	simm.s32 $0xB;
	v9 =	vand.u32 $0x7C, v20;
	v20 =	vmul.f32 $8.000000000e+00, v23;
	[tilespmem:v60+s6+$0x0] =	vst.idx.msk $0xffff, v14;
	v14 =	vld [tilespmem:s18+$0xFFFFFFB0]  }
0x130: {  	v17 =	vadd.s32 v3, v17;
	v22 =	vmov s29;
	v19 =	vld [tilespmem:s19+$0x40];
	s18 =	sor.u32 s14, s28;
	s14 =	simm.s32 $0xC;
	v21 =	vmul.f32 $8.000000000e+00, v61;
	[tilespmem:v62+s6+$0x0] =	vst.idx.msk $0xffff, v63  }
.LBB2_5:
0x131: {  	p2 =	slt.u32 s14, $0x7C;
	s28 =	sadd.s32 $0x1, s20;
	v22 =	vand.u32 $0x7F, v22;
	[tilespmem:v18+s6+$0x0] =	vst.idx.msk $0xffff, v20;
	v12 =	vmul.f32 $8.000000000e+00, v12;
	v18 =	vld [tilespmem:s1+$0x60];
	v20 =	vadd.s32 v3, v8;
	v8 =	vmovc v4  }
0x132: {  	v4 =	vmovc v9;
	v23 =	vld [tilespmem:s19+$0xFFFFFF80];
	v24 =	vmov s28;
	s28 =	sadd.s32 $0x2, s20;
	v25 =	vadd.s32 v0, v22;
	[tilespmem:v16+s6+$0x0] =	vst.idx.msk $0xffff, v21;
	v13 =	vmul.f32 $8.000000000e+00, v13;
	s20 =	smov.u32 s14  }
0x133: {  	v9 =	vld [tilespmem:s19+$0xFFFFFFC0];
	v16 =	vmov s28;
	[tilespmem:v10+s6+$0x0] =	vst.idx.msk $0xffff, v12;
	v10 =	vadd.s32 v2, v5;
	v11 =	vmul.f32 $8.000000000e+00, v11  }
0x134: {  	v12 =	vadd.s32 v0, v4;
	v21 =	vand.u32 $0x7D, v24;
	v24 =	vld [tilespmem:s19+$0x0];
	v14 =	vmul.f32 $8.000000000e+00, v14;
	[tilespmem:v15+s6+$0x0] =	vst.idx.msk $0xffff, v13  }
0x135: {  	v13 =	vadd.s32 v0, v21;
	v26 =	vand.u32 $0x7E, v16;
	v15 =	vmul.f32 $8.000000000e+00, v19;
	v16 =	vld [tilespmem:s1+$0xFFFFFFE0];
	[tilespmem:v17+s6+$0x0] =	vst.idx.msk $0xffff, v11  }
0x136: {  	v11 =	vadd.s32 v0, v26;
	v17 =	vld [tilespmem:s1+$0x20];
	v18 =	vmul.f32 $8.000000000e+00, v18;
	[tilespmem:v20+s6+$0x0] =	vst.idx.msk $0xffff, v14  }
0x137: {  	v19 =	vadd.s32 v2, v6;
	v14 =	vmul.f32 $8.000000000e+00, v23;
	[tilespmem:v25+s6+$0x0] =	vst.idx.msk $0xffff, v15;
	v15 =	vld [tilespmem:s1+$0xFFFFFFA0]  }
0x138: {  	v23 =	vadd.s32 v2, v7;
	v9 =	vmul.f32 $8.000000000e+00, v9;
	v20 =	vld [tilespmem:s19+$0x50];
	[tilespmem:v10+s6+$0x0] =	vst.idx.msk $0xffff, v18  }
0x139: {  	[tilespmem:v12+s6+$0x0] =	vst.idx.msk $0xffff, v14;
	v10 =	vmul.f32 $8.000000000e+00, v24;
	v14 =	vadd.s32 v2, v8;
	v24 =	vld [tilespmem:s1+$0x70]  }
0x13a: {  	v27 =	vadd.s32 v1, v22;
	v25 =	vld [tilespmem:s19+$0xFFFFFF90];
	[tilespmem:v13+s6+$0x0] =	vst.idx.msk $0xffff, v9;
	v9 =	vmul.f32 $8.000000000e+00, v16  }
0x13b: {  	v29 =	vadd.s32 v3, v5;
	v5 =	vmov v22;
	v28 =	vld [tilespmem:s19+$0xFFFFFFD0];
	[tilespmem:v11+s6+$0x0] =	vst.idx.msk $0xffff, v10;
	v10 =	vmul.f32 $8.000000000e+00, v17  }
.Ltmp3:
0x13c: {  	v18 =	vadd.s32 v1, v4;
	v12 =	vld [tilespmem:s19+$0x10];
	v11 =	vmul.f32 $8.000000000e+00, v15;
	[tilespmem:v19+s6+$0x0] =	vst.idx.msk $0xffff, v9;
	(pc) =	sbr.rel @p2 .LBB2_5-.Ltmp3, $4  }
0x13d: {  	v16 =	vadd.s32 v1, v21;
	v15 =	vmul.f32 $8.000000000e+00, v20;
	v13 =	vld [tilespmem:s1+$0xFFFFFFF0];
	[tilespmem:v23+s6+$0x0] =	vst.idx.msk $0xffff, v10  }
0x13e: {  	v9 =	vmov s14;
	v10 =	vadd.s32 v1, v26;
	[tilespmem:v14+s6+$0x0] =	vst.idx.msk $0xffff, v11;
	v11 =	vld [tilespmem:s1+$0x30];
	v23 =	vmul.f32 $8.000000000e+00, v24  }
0x13f: {  	s28 =	sadd.s32 $0x3, s14;
	v9 =	vand.u32 $0x7C, v9;
	v20 =	vmul.f32 $8.000000000e+00, v25;
	[tilespmem:v27+s6+$0x0] =	vst.idx.msk $0xffff, v15;
	v14 =	vld [tilespmem:s1+$0xFFFFFFB0];
	v15 =	vadd.s32 v3, v6;
	v6 =	vmovc v21;
	s1 =	smov.u32 s19;
	s19 =	sadd.s32 $0x100, s19  }
0x140: {  	v22 =	vmov s28;
	v17 =	vadd.s32 v3, v7;
	v7 =	vmovc v26;
	s14 =	sadd.s32 $0x4, s14;
	v19 =	vld [tilespmem:s19+$0x40];
	v21 =	vmul.f32 $8.000000000e+00, v28;
	[tilespmem:v29+s6+$0x0] =	vst.idx.msk $0xffff, v23  }
0x141: {  	s14 =	sadd.s32 $0x1, s20  }
0x142: {  	v22 =	vand.u32 $0x7F, v22;
	s29 =	sadd.s32 $0x2, s20;
	v24 =	vld [tilespmem:s19+$0xFFFFFFC0];
	v23 =	vmov s14  }
0x143: {  	v27 =	vld [tilespmem:s19+$0x0];
	v25 =	vadd.s32 v0, v22;
	v26 =	vmov s29;
	v23 =	vand.u32 $0x7D, v23  }
0x144: {  	v28 =	vld [tilespmem:s19+$0xFFFFFF80];
	v26 =	vand.u32 $0x7E, v26;
	v29 =	vadd.s32 v0, v23  }
0x145: {  	v30 =	vadd.s32 v0, v26  }
0x146: {  	[tilespmem:v18+s6+$0x0] =	vst.idx.msk $0xffff, v20;
	v18 =	vadd.s32 v0, v9;
	v19 =	vmul.f32 $8.000000000e+00, v19  }
0x147: {  	[tilespmem:v16+s6+$0x0] =	vst.idx.msk $0xffff, v21;
	v16 =	vmul.f32 $8.000000000e+00, v24  }
0x148: {  	[tilespmem:v25+s6+$0x0] =	vst.idx.msk $0xffff, v19;
	v19 =	vmul.f32 $8.000000000e+00, v27  }
0x149: {  	v20 =	vmul.f32 $8.000000000e+00, v28;
	[tilespmem:v29+s6+$0x0] =	vst.idx.msk $0xffff, v16;
	v16 =	vld [tilespmem:s19+$0x50]  }
0x14a: {  	v12 =	vmul.f32 $8.000000000e+00, v12;
	v8 =	vadd.s32 v3, v8;
	[tilespmem:v30+s6+$0x0] =	vst.idx.msk $0xffff, v19;
	v21 =	vld [tilespmem:s19+$0xFFFFFFD0]  }
0x14b: {  	v13 =	vmul.f32 $8.000000000e+00, v13;
	[tilespmem:v18+s6+$0x0] =	vst.idx.msk $0xffff, v20;
	v18 =	vadd.s32 v1, v22;
	v19 =	vld [tilespmem:s19+$0x10]  }
0x14c: {  	[tilespmem:v10+s6+$0x0] =	vst.idx.msk $0xffff, v12;
	v10 =	vmul.f32 $8.000000000e+00, v11;
	v12 =	vadd.s32 v1, v23;
	v11 =	vld [tilespmem:s19+$0xFFFFFF90]  }
0x14d: {  	v14 =	vmul.f32 $8.000000000e+00, v14;
	[tilespmem:v15+s6+$0x0] =	vst.idx.msk $0xffff, v13;
	v13 =	vadd.s32 v1, v26;
	v20 =	vld [tilespmem:s1+$0x60]  }
0x14e: {  	v15 =	vld [tilespmem:s1+$0xFFFFFFE0];
	[tilespmem:v17+s6+$0x0] =	vst.idx.msk $0xffff, v10;
	v10 =	vadd.s32 v1, v9;
	v16 =	vmul.f32 $8.000000000e+00, v16  }
0x14f: {  	v57 =	vld [tilespmem:s1+$0x20];
	v17 =	vadd.s32 v2, v5;
	[tilespmem:v8+s6+$0x0] =	vst.idx.msk $0xffff, v14;
	v8 =	vmul.f32 $8.000000000e+00, v21  }
0x150: {  	v14 =	vld [tilespmem:s1+$0xFFFFFFA0];
	v21 =	vadd.s32 v2, v6;
	[tilespmem:v18+s6+$0x0] =	vst.idx.msk $0xffff, v16;
	v16 =	vmul.f32 $8.000000000e+00, v19  }
0x151: {  	v11 =	vmul.f32 $8.000000000e+00, v11;
	v18 =	vadd.s32 v2, v7;
	v19 =	vld [tilespmem:s19+$0x60];
	[tilespmem:v12+s6+$0x0] =	vst.idx.msk $0xffff, v8  }
0x152: {  	v8 =	vmul.f32 $8.000000000e+00, v20;
	v12 =	vadd.s32 v2, v4;
	[tilespmem:v13+s6+$0x0] =	vst.idx.msk $0xffff, v16;
	v13 =	vld [tilespmem:s19+$0xFFFFFFE0]  }
0x153: {  	v15 =	vmul.f32 $8.000000000e+00, v15;
	[tilespmem:v10+s6+$0x0] =	vst.idx.msk $0xffff, v11;
	v10 =	vadd.s32 v2, v22;
	v11 =	vld [tilespmem:s19+$0x20]  }
0x154: {  	v16 =	vld [tilespmem:s19+$0xFFFFFFA0];
	[tilespmem:v17+s6+$0x0] =	vst.idx.msk $0xffff, v8;
	v8 =	vmul.f32 $8.000000000e+00, v57;
	v17 =	vadd.s32 v2, v23  }
0x155: {  	v14 =	vmul.f32 $8.000000000e+00, v14;
	v20 =	vld [tilespmem:s1+$0x70];
	[tilespmem:v21+s6+$0x0] =	vst.idx.msk $0xffff, v15;
	v15 =	vadd.s32 v2, v26  }
0x156: {  	v21 =	vld [tilespmem:s1+$0xFFFFFFF0];
	[tilespmem:v18+s6+$0x0] =	vst.idx.msk $0xffff, v8;
	v18 =	vadd.s32 v2, v9;
	v8 =	vmul.f32 $8.000000000e+00, v19  }
0x157: {  	v5 =	vadd.s32 v3, v5;
	[tilespmem:v12+s6+$0x0] =	vst.idx.msk $0xffff, v14;
	v12 =	vld [tilespmem:s1+$0x30];
	v13 =	vmul.f32 $8.000000000e+00, v13  }
0x158: {  	v6 =	vadd.s32 v3, v6;
	v14 =	vld [tilespmem:s1+$0xFFFFFFB0];
	[tilespmem:v10+s6+$0x0] =	vst.idx.msk $0xffff, v8;
	v8 =	vmul.f32 $8.000000000e+00, v11  }
0x159: {  	v7 =	vadd.s32 v3, v7;
	v11 =	vmul.f32 $8.000000000e+00, v16;
	v10 =	vld [tilespmem:s19+$0x70];
	[tilespmem:v17+s6+$0x0] =	vst.idx.msk $0xffff, v13  }
0x15a: {  	v4 =	vadd.s32 v3, v4;
	v13 =	vmul.f32 $8.000000000e+00, v20;
	v16 =	vld [tilespmem:s19+$0xFFFFFFF0];
	[tilespmem:v15+s6+$0x0] =	vst.idx.msk $0xffff, v8  }
0x15b: {  	v8 =	vmul.f32 $8.000000000e+00, v21;
	v15 =	vadd.s32 v3, v22;
	[tilespmem:v18+s6+$0x0] =	vst.idx.msk $0xffff, v11;
	v11 =	vld [tilespmem:s19+$0x30]  }
0x15c: {  	[tilespmem:v5+s6+$0x0] =	vst.idx.msk $0xffff, v13;
	v5 =	vmul.f32 $8.000000000e+00, v12;
	v12 =	vld [tilespmem:s19+$0xFFFFFFB0];
	v13 =	vadd.s32 v3, v23  }
0x15d: {  	v14 =	vmul.f32 $8.000000000e+00, v14;
	[tilespmem:v6+s6+$0x0] =	vst.idx.msk $0xffff, v8;
	v6 =	vadd.s32 v3, v26  }
0x15e: {  	[tilespmem:v7+s6+$0x0] =	vst.idx.msk $0xffff, v5;
	v7 =	vadd.s32 v3, v9;
	v5 =	vmul.f32 $8.000000000e+00, v10  }
0x15f: {  	s17 =	sshll.u32 s17, $0x7;
	[tilespmem:v4+s6+$0x0] =	vst.idx.msk $0xffff, v14;
	v4 =	vmul.f32 $8.000000000e+00, v16  }
0x160: {  	s18 =	sshll.u32 s18, $0x12;
	s1 =	sand.u32 $0x7C00, s17;
	[tilespmem:v15+s6+$0x0] =	vst.idx.msk $0xffff, v5;
	v5 =	vmul.f32 $8.000000000e+00, v11  }
0x161: {  	s1 =	sor.u32 s1, s18;
	v8 =	vmul.f32 $8.000000000e+00, v12;
	[tilespmem:v13+s6+$0x0] =	vst.idx.msk $0xffff, v4  }
0x162: {  	s1 =	sshrl.u32 s1, $0x3;
	[tilespmem:v6+s6+$0x0] =	vst.idx.msk $0xffff, v5  }
0x163: {  	s14 =	sadd.s32 s2, s1;
	[tilespmem:v7+s6+$0x0] =	vst.idx.msk $0xffff, v8  }
0x164: {  	[hbm4b:s14+s3] =	stream.linear.scatter [tilespmem:s6], [sflag:$0x6], $0x80, $0x38;
	[tilespmem:$0x16C00] =	vst v63  }
0x165: {  	s20 =	simm.s32 $0x10688;
	s19 =	sadd.s32 $0x10, s14  }
0x166: {  	[hbm4b:s19+s3] =	stream.linear.scatter [tilespmem:s20], [sflag:$0x6], $0x80, $0x38;
	[tilespmem:$0x16C00] =	vst v63  }
0x167: {  	s29 =	simm.s32 $0x10710;
	s28 =	sadd.s32 $0x20, s14  }
0x168: {  	[hbm4b:s28+s3] =	stream.linear.scatter [tilespmem:s29], [sflag:$0x6], $0x80, $0x38;
	[tilespmem:$0x16C00] =	vst v63  }
0x169: {  	s19 =	sadd.s32 $0x30, s14;
	s20 =	simm.s32 $0x10798  }
0x16a: {  	[hbm4b:s19+s3] =	stream.linear.scatter [tilespmem:s20], [sflag:$0x6], $0x80, $0x38;
	[tilespmem:$0x16C00] =	vst v63  }
0x16b: {  	s28 =	sadd.s32 $0x40, s14;
	s29 =	simm.s32 $0x10820  }
0x16c: {  	[hbm4b:s28+s3] =	stream.linear.scatter [tilespmem:s29], [sflag:$0x6], $0x80, $0x38;
	[tilespmem:$0x16C00] =	vst v63  }
0x16d: {  	s18 =	sadd.s32 $0x50, s14;
	s19 =	simm.s32 $0x108A8  }
0x16e: {  	[hbm4b:s18+s3] =	stream.linear.scatter [tilespmem:s19], [sflag:$0x6], $0x80, $0x38;
	[tilespmem:$0x16C00] =	vst v63  }
0x16f: {  	s20 =	sadd.s32 $0x60, s14;
	s28 =	simm.s32 $0x10930  }
0x170: {  	[hbm4b:s20+s3] =	stream.linear.scatter [tilespmem:s28], [sflag:$0x6], $0x80, $0x38;
	[tilespmem:$0x16C00] =	vst v63  }
0x171: {  	s14 =	sadd.s32 $0x70, s14;
	s29 =	simm.s32 $0x109B8  }
0x172: {  	[hbm4b:s14+s3] =	stream.linear.scatter [tilespmem:s29], [sflag:$0x6], $0x80, $0x38;
	[tilespmem:$0x16C00] =	vst v63  }
0x173: {  	s18 =	simm.s32 $0x10A40;
	s14 =	sadd.s32 s1, s7  }
0x174: {  	[hbm4b:s14+s3] =	stream.linear.scatter [tilespmem:s18], [sflag:$0x6], $0x80, $0x38;
	[tilespmem:$0x16C00] =	vst v63  }
0x175: {  	s20 =	simm.s32 $0x10AC8;
	s19 =	sadd.s32 $0x10, s14  }
0x176: {  	[hbm4b:s19+s3] =	stream.linear.scatter [tilespmem:s20], [sflag:$0x6], $0x80, $0x38;
	[tilespmem:$0x16C00] =	vst v63  }
0x177: {  	s29 =	simm.s32 $0x10B50;
	s28 =	sadd.s32 $0x20, s14  }
0x178: {  	[hbm4b:s28+s3] =	stream.linear.scatter [tilespmem:s29], [sflag:$0x6], $0x80, $0x38;
	[tilespmem:$0x16C00] =	vst v63  }
0x179: {  	s19 =	sadd.s32 $0x30, s14;
	s20 =	simm.s32 $0x10BD8  }
0x17a: {  	[hbm4b:s19+s3] =	stream.linear.scatter [tilespmem:s20], [sflag:$0x6], $0x80, $0x38;
	[tilespmem:$0x16C00] =	vst v63  }
0x17b: {  	s28 =	sadd.s32 $0x40, s14;
	s29 =	simm.s32 $0x10C60  }
0x17c: {  	[hbm4b:s28+s3] =	stream.linear.scatter [tilespmem:s29], [sflag:$0x6], $0x80, $0x38;
	[tilespmem:$0x16C00] =	vst v63  }
0x17d: {  	s18 =	sadd.s32 $0x50, s14;
	s19 =	simm.s32 $0x10CE8  }
0x17e: {  	[hbm4b:s18+s3] =	stream.linear.scatter [tilespmem:s19], [sflag:$0x6], $0x80, $0x38;
	[tilespmem:$0x16C00] =	vst v63  }
0x17f: {  	s20 =	sadd.s32 $0x60, s14;
	s28 =	simm.s32 $0x10D70  }
0x180: {  	[hbm4b:s20+s3] =	stream.linear.scatter [tilespmem:s28], [sflag:$0x6], $0x80, $0x38;
	[tilespmem:$0x16C00] =	vst v63  }
0x181: {  	s14 =	sadd.s32 $0x70, s14;
	s29 =	simm.s32 $0x10DF8  }
0x182: {  	[hbm4b:s14+s3] =	stream.linear.scatter [tilespmem:s29], [sflag:$0x6], $0x80, $0x38;
	[tilespmem:$0x16C00] =	vst v63  }
0x183: {  	s18 =	simm.s32 $0x10E80;
	s14 =	sadd.s32 s1, s8  }
0x184: {  	[hbm4b:s14+s3] =	stream.linear.scatter [tilespmem:s18], [sflag:$0x6], $0x80, $0x38;
	[tilespmem:$0x16C00] =	vst v63  }
0x185: {  	s20 =	simm.s32 $0x10F08;
	s19 =	sadd.s32 $0x10, s14  }
0x186: {  	[hbm4b:s19+s3] =	stream.linear.scatter [tilespmem:s20], [sflag:$0x6], $0x80, $0x38;
	[tilespmem:$0x16C00] =	vst v63  }
0x187: {  	s29 =	simm.s32 $0x10F90;
	s28 =	sadd.s32 $0x20, s14  }
0x188: {  	[hbm4b:s28+s3] =	stream.linear.scatter [tilespmem:s29], [sflag:$0x6], $0x80, $0x38;
	[tilespmem:$0x16C00] =	vst v63  }
0x189: {  	s19 =	sadd.s32 $0x30, s14;
	s20 =	simm.s32 $0x11018  }
0x18a: {  	[hbm4b:s19+s3] =	stream.linear.scatter [tilespmem:s20], [sflag:$0x6], $0x80, $0x38;
	[tilespmem:$0x16C00] =	vst v63  }
0x18b: {  	s28 =	sadd.s32 $0x40, s14;
	s29 =	simm.s32 $0x110A0  }
0x18c: {  	[hbm4b:s28+s3] =	stream.linear.scatter [tilespmem:s29], [sflag:$0x6], $0x80, $0x38;
	[tilespmem:$0x16C00] =	vst v63  }
0x18d: {  	s18 =	sadd.s32 $0x50, s14;
	s19 =	simm.s32 $0x11128  }
0x18e: {  	[hbm4b:s18+s3] =	stream.linear.scatter [tilespmem:s19], [sflag:$0x6], $0x80, $0x38;
	[tilespmem:$0x16C00] =	vst v63  }
0x18f: {  	s20 =	sadd.s32 $0x60, s14;
	s28 =	simm.s32 $0x111B0  }
0x190: {  	[hbm4b:s20+s3] =	stream.linear.scatter [tilespmem:s28], [sflag:$0x6], $0x80, $0x38;
	[tilespmem:$0x16C00] =	vst v63  }
0x191: {  	s14 =	sadd.s32 $0x70, s14;
	s29 =	simm.s32 $0x11238  }
0x192: {  	[hbm4b:s14+s3] =	stream.linear.scatter [tilespmem:s29], [sflag:$0x6], $0x80, $0x38;
	[tilespmem:$0x16C00] =	vst v63  }
0x193: {  	s18 =	simm.s32 $0x112C0;
	s14 =	sadd.s32 s1, s9  }
0x194: {  	[hbm4b:s14+s3] =	stream.linear.scatter [tilespmem:s18], [sflag:$0x6], $0x80, $0x38;
	[tilespmem:$0x16C00] =	vst v63  }
0x195: {  	s20 =	simm.s32 $0x11348;
	s19 =	sadd.s32 $0x10, s14  }
0x196: {  	[hbm4b:s19+s3] =	stream.linear.scatter [tilespmem:s20], [sflag:$0x6], $0x80, $0x38;
	[tilespmem:$0x16C00] =	vst v63  }
0x197: {  	s29 =	simm.s32 $0x113D0;
	s28 =	sadd.s32 $0x20, s14  }
0x198: {  	[hbm4b:s28+s3] =	stream.linear.scatter [tilespmem:s29], [sflag:$0x6], $0x80, $0x38;
	[tilespmem:$0x16C00] =	vst v63  }
0x199: {  	s19 =	sadd.s32 $0x30, s14;
	s20 =	simm.s32 $0x11458  }
0x19a: {  	[hbm4b:s19+s3] =	stream.linear.scatter [tilespmem:s20], [sflag:$0x6], $0x80, $0x38;
	[tilespmem:$0x16C00] =	vst v63  }
0x19b: {  	s28 =	sadd.s32 $0x40, s14;
	s29 =	simm.s32 $0x114E0  }
0x19c: {  	[hbm4b:s28+s3] =	stream.linear.scatter [tilespmem:s29], [sflag:$0x6], $0x80, $0x38;
	[tilespmem:$0x16C00] =	vst v63  }
0x19d: {  	s18 =	sadd.s32 $0x50, s14;
	s19 =	simm.s32 $0x11568  }
0x19e: {  	[hbm4b:s18+s3] =	stream.linear.scatter [tilespmem:s19], [sflag:$0x6], $0x80, $0x38;
	[tilespmem:$0x16C00] =	vst v63  }
0x19f: {  	s20 =	sadd.s32 $0x60, s14;
	s28 =	simm.s32 $0x115F0  }
0x1a0: {  	[hbm4b:s20+s3] =	stream.linear.scatter [tilespmem:s28], [sflag:$0x6], $0x80, $0x38;
	[tilespmem:$0x16C00] =	vst v63  }
0x1a1: {  	s14 =	sadd.s32 $0x70, s14;
	s29 =	simm.s32 $0x11678  }
0x1a2: {  	[hbm4b:s14+s3] =	stream.linear.scatter [tilespmem:s29], [sflag:$0x6], $0x80, $0x38;
	[tilespmem:$0x16C00] =	vst v63  }
0x1a3: {  	s18 =	simm.s32 $0x11700;
	s14 =	sadd.s32 s1, s10  }
0x1a4: {  	[hbm4b:s14+s3] =	stream.linear.scatter [tilespmem:s18], [sflag:$0x6], $0x80, $0x38;
	[tilespmem:$0x16C00] =	vst v63  }
0x1a5: {  	s20 =	simm.s32 $0x11788;
	s19 =	sadd.s32 $0x10, s14  }
0x1a6: {  	[hbm4b:s19+s3] =	stream.linear.scatter [tilespmem:s20], [sflag:$0x6], $0x80, $0x38;
	[tilespmem:$0x16C00] =	vst v63  }
0x1a7: {  	s29 =	simm.s32 $0x11810;
	s28 =	sadd.s32 $0x20, s14  }
0x1a8: {  	[hbm4b:s28+s3] =	stream.linear.scatter [tilespmem:s29], [sflag:$0x6], $0x80, $0x38;
	[tilespmem:$0x16C00] =	vst v63  }
0x1a9: {  	s19 =	sadd.s32 $0x30, s14;
	s20 =	simm.s32 $0x11898  }
0x1aa: {  	[hbm4b:s19+s3] =	stream.linear.scatter [tilespmem:s20], [sflag:$0x6], $0x80, $0x38;
	[tilespmem:$0x16C00] =	vst v63  }
0x1ab: {  	s28 =	sadd.s32 $0x40, s14;
	s29 =	simm.s32 $0x11920  }
0x1ac: {  	[hbm4b:s28+s3] =	stream.linear.scatter [tilespmem:s29], [sflag:$0x6], $0x80, $0x38;
	[tilespmem:$0x16C00] =	vst v63  }
0x1ad: {  	s18 =	sadd.s32 $0x50, s14;
	s19 =	simm.s32 $0x119A8  }
0x1ae: {  	[hbm4b:s18+s3] =	stream.linear.scatter [tilespmem:s19], [sflag:$0x6], $0x80, $0x38;
	[tilespmem:$0x16C00] =	vst v63  }
0x1af: {  	s20 =	sadd.s32 $0x60, s14;
	s28 =	simm.s32 $0x11A30  }
0x1b0: {  	[hbm4b:s20+s3] =	stream.linear.scatter [tilespmem:s28], [sflag:$0x6], $0x80, $0x38;
	[tilespmem:$0x16C00] =	vst v63  }
0x1b1: {  	s14 =	sadd.s32 $0x70, s14;
	s29 =	simm.s32 $0x11AB8  }
0x1b2: {  	[hbm4b:s14+s3] =	stream.linear.scatter [tilespmem:s29], [sflag:$0x6], $0x80, $0x38;
	[tilespmem:$0x16C00] =	vst v63  }
0x1b3: {  	s18 =	simm.s32 $0x11B40;
	s14 =	sadd.s32 s1, s11  }
0x1b4: {  	[hbm4b:s14+s3] =	stream.linear.scatter [tilespmem:s18], [sflag:$0x6], $0x80, $0x38;
	[tilespmem:$0x16C00] =	vst v63  }
0x1b5: {  	s20 =	simm.s32 $0x11BC8;
	s19 =	sadd.s32 $0x10, s14  }
0x1b6: {  	[hbm4b:s19+s3] =	stream.linear.scatter [tilespmem:s20], [sflag:$0x6], $0x80, $0x38;
	[tilespmem:$0x16C00] =	vst v63  }
0x1b7: {  	s29 =	simm.s32 $0x11C50;
	s28 =	sadd.s32 $0x20, s14  }
0x1b8: {  	[hbm4b:s28+s3] =	stream.linear.scatter [tilespmem:s29], [sflag:$0x6], $0x80, $0x38;
	[tilespmem:$0x16C00] =	vst v63  }
0x1b9: {  	s19 =	sadd.s32 $0x30, s14;
	s20 =	simm.s32 $0x11CD8  }
0x1ba: {  	[hbm4b:s19+s3] =	stream.linear.scatter [tilespmem:s20], [sflag:$0x6], $0x80, $0x38;
	[tilespmem:$0x16C00] =	vst v63  }
0x1bb: {  	s28 =	sadd.s32 $0x40, s14;
	s29 =	simm.s32 $0x11D60  }
0x1bc: {  	[hbm4b:s28+s3] =	stream.linear.scatter [tilespmem:s29], [sflag:$0x6], $0x80, $0x38;
	[tilespmem:$0x16C00] =	vst v63  }
0x1bd: {  	s19 =	sadd.s32 $0x50, s14;
	s20 =	simm.s32 $0x11DE8  }
0x1be: {  	[hbm4b:s19+s3] =	stream.linear.scatter [tilespmem:s20], [sflag:$0x6], $0x80, $0x38;
	[tilespmem:$0x16C00] =	vst v63  }
0x1bf: {  	s28 =	sadd.s32 $0x60, s14;
	s29 =	simm.s32 $0x11E70  }
0x1c0: {  	[hbm4b:s28+s3] =	stream.linear.scatter [tilespmem:s29], [sflag:$0x6], $0x80, $0x38;
	[tilespmem:$0x16C00] =	vst v63  }
0x1c1: {  	s14 =	sadd.s32 $0x70, s14;
	s19 =	simm.s32 $0x11EF8  }
0x1c2: {  	[hbm4b:s14+s3] =	stream.linear.scatter [tilespmem:s19], [sflag:$0x6], $0x80, $0x38;
	[tilespmem:$0x16C00] =	vst v63  }
0x1c3: {  	s20 =	simm.s32 $0x11F80;
	s14 =	sadd.s32 s1, s12  }
0x1c4: {  	[hbm4b:s14+s3] =	stream.linear.scatter [tilespmem:s20], [sflag:$0x6], $0x80, $0x38;
	[tilespmem:$0x16C00] =	vst v63  }
0x1c5: {  	s29 =	simm.s32 $0x12008;
	s28 =	sadd.s32 $0x10, s14  }
0x1c6: {  	[hbm4b:s28+s3] =	stream.linear.scatter [tilespmem:s29], [sflag:$0x6], $0x80, $0x38;
	[tilespmem:$0x16C00] =	vst v63  }
0x1c7: {  	s19 =	sadd.s32 $0x20, s14;
	s20 =	simm.s32 $0x12090  }
0x1c8: {  	[hbm4b:s19+s3] =	stream.linear.scatter [tilespmem:s20], [sflag:$0x6], $0x80, $0x38;
	[tilespmem:$0x16C00] =	vst v63  }
0x1c9: {  	s28 =	sadd.s32 $0x30, s14;
	s29 =	simm.s32 $0x12118  }
0x1ca: {  	[hbm4b:s28+s3] =	stream.linear.scatter [tilespmem:s29], [sflag:$0x6], $0x80, $0x38;
	[tilespmem:$0x16C00] =	vst v63  }
0x1cb: {  	s19 =	sadd.s32 $0x40, s14;
	s20 =	simm.s32 $0x121A0  }
0x1cc: {  	[hbm4b:s19+s3] =	stream.linear.scatter [tilespmem:s20], [sflag:$0x6], $0x80, $0x38;
	[tilespmem:$0x16C00] =	vst v63  }
0x1cd: {  	s28 =	sadd.s32 $0x50, s14;
	s29 =	simm.s32 $0x12228  }
0x1ce: {  	[hbm4b:s28+s3] =	stream.linear.scatter [tilespmem:s29], [sflag:$0x6], $0x80, $0x38;
	[tilespmem:$0x16C00] =	vst v63  }
0x1cf: {  	s19 =	sadd.s32 $0x60, s14;
	s20 =	simm.s32 $0x122B0  }
0x1d0: {  	[hbm4b:s19+s3] =	stream.linear.scatter [tilespmem:s20], [sflag:$0x6], $0x80, $0x38;
	[tilespmem:$0x16C00] =	vst v63  }
0x1d1: {  	s14 =	sadd.s32 $0x70, s14;
	s28 =	simm.s32 $0x12338  }
0x1d2: {  	[hbm4b:s14+s3] =	stream.linear.scatter [tilespmem:s28], [sflag:$0x6], $0x80, $0x38;
	[tilespmem:$0x16C00] =	vst v63  }
0x1d3: {  	s1 =	sadd.s32 s1, s13;
	s29 =	simm.s32 $0x123C0  }
0x1d4: {  	[hbm4b:s1+s3] =	stream.linear.scatter [tilespmem:s29], [sflag:$0x6], $0x80, $0x38;
	[tilespmem:$0x16C00] =	vst v63  }
0x1d5: {  	s18 =	simm.s32 $0x12448;
	s17 =	sadd.s32 $0x10, s1  }
0x1d6: {  	[hbm4b:s17+s3] =	stream.linear.scatter [tilespmem:s18], [sflag:$0x6], $0x80, $0x38;
	[tilespmem:$0x16C00] =	vst v63  }
0x1d7: {  	s19 =	sadd.s32 $0x20, s1;
	s20 =	simm.s32 $0x124D0  }
0x1d8: {  	[hbm4b:s19+s3] =	stream.linear.scatter [tilespmem:s20], [sflag:$0x6], $0x80, $0x38;
	[tilespmem:$0x16C00] =	vst v63  }
0x1d9: {  	s28 =	sadd.s32 $0x30, s1;
	s29 =	simm.s32 $0x12558  }
0x1da: {  	[hbm4b:s28+s3] =	stream.linear.scatter [tilespmem:s29], [sflag:$0x6], $0x80, $0x38;
	[tilespmem:$0x16C00] =	vst v63  }
0x1db: {  	s17 =	sadd.s32 $0x40, s1;
	s18 =	simm.s32 $0x125E0  }
0x1dc: {  	[hbm4b:s17+s3] =	stream.linear.scatter [tilespmem:s18], [sflag:$0x6], $0x80, $0x38;
	[tilespmem:$0x16C00] =	vst v63  }
0x1dd: {  	s19 =	sadd.s32 $0x50, s1;
	s20 =	simm.s32 $0x12668  }
0x1de: {  	[hbm4b:s19+s3] =	stream.linear.scatter [tilespmem:s20], [sflag:$0x6], $0x80, $0x38;
	[tilespmem:$0x16C00] =	vst v63  }
0x1df: {  	s28 =	sadd.s32 $0x60, s1;
	s29 =	simm.s32 $0x126F0  }
0x1e0: {  	[hbm4b:s28+s3] =	stream.linear.scatter [tilespmem:s29], [sflag:$0x6], $0x80, $0x38;
	[tilespmem:$0x16C00] =	vst v63  }
0x1e1: {  	s1 =	sadd.s32 $0x70, s1;
	s18 =	simm.s32 $0x12778  }
0x1e2: {  	[hbm4b:s1+s3] =	stream.linear.scatter [tilespmem:s18], [sflag:$0x6], $0x80, $0x38;
	[tilespmem:$0x16C00] =	vst v63  }
0x1e3: {  	s14 =	simm.s32 @!p1 $0x80;
	s17 =	simm.s32 @!p1 $0x8400;
	s1 =	sadd.s32 @!p1 $0x280, s16  }
0x1e4: {  	[tilespmem:s17], [sflag:$0x2] =	stream.indirect.gather @!p1 [hbm4b:s4+s14], $0x40, s1, s14, $0xb8;
	[tilespmem:$0x16C00] =	vst v63  }
0x1e5: {  	_ =	swait.ge [sflag:s25], $0x2000  }
0x1e6: {  	[sflag:s25] =	ssyncset.done $0x0  }
0x1e7: {  	s1 =	simm.s32 @!p0 $0x7;
	[sflag:s25] =	ssyncadd.s32 $0xFFFFE000  }
0x1e8: {  	_ =	swait.ge @!p0 [sflag:s1], $0x2000  }
0x1e9: {  	[sflag:s1] =	ssyncset.done @!p0 $0x0  }
0x1ea: {  	s19 =	simm.s32 $0x3;
	s18 =	simm.s32 $0xA480;
	[sflag:s1] =	ssyncadd.s32 @!p0 $0xFFFFE000  }
0x1eb: {  	v4 =	vmov s19;
	v5 =	vld [tilespmem:s18+$0x40]  }
0x1ec: {  	v9 =	vand.u32 $0x7F, v4  }
0x1ed: {  	s20 =	simm.s32 $0x0;
	v4 =	vadd.s32 v0, v9  }
0x1ee: {  	v6 =	vmov s20;
	s28 =	simm.s32 $0x1;
	s29 =	simm.s32 $0x2;
	v7 =	vld [tilespmem:s18+$0xFFFFFF80]  }
0x1ef: {  	v8 =	vand.u32 $0x7C, v6;
	v6 =	vmov s28;
	v11 =	vmov s29;
	v10 =	vld [tilespmem:s18+$0xFFFFFFC0]  }
0x1f0: {  	v12 =	vadd.s32 v0, v8;
	v15 =	vand.u32 $0x7D, v6;
	v6 =	vld [tilespmem:s18+$0x0];
	v5 =	vmul.f32 $8.000000000e+00, v5  }
0x1f1: {  	v17 =	vand.u32 $0x7E, v11;
	v13 =	vadd.s32 v0, v15  }
0x1f2: {  	v11 =	vadd.s32 v0, v17;
	[tilespmem:v4+s26+$0x0] =	vst.idx.msk $0xffff, v5  }
0x1f3: {  	v4 =	vmul.f32 $8.000000000e+00, v7;
	v5 =	vld [tilespmem:s18+$0x50]  }
0x1f4: {  	v7 =	vmul.f32 $8.000000000e+00, v10  }
0x1f5: {  	[tilespmem:v12+s26+$0x0] =	vst.idx.msk $0xffff, v4;
	v4 =	vmul.f32 $8.000000000e+00, v6;
	v6 =	vadd.s32 v1, v9  }
0x1f6: {  	[tilespmem:v13+s26+$0x0] =	vst.idx.msk $0xffff, v7;
	v10 =	vld [tilespmem:s18+$0xFFFFFF90]  }
0x1f7: {  	v7 =	vld [tilespmem:s18+$0xFFFFFFD0];
	[tilespmem:v11+s26+$0x0] =	vst.idx.msk $0xffff, v4  }
0x1f8: {  	v11 =	vld [tilespmem:s18+$0x10];
	v4 =	vmul.f32 $8.000000000e+00, v5  }
0x1f9: {  	s19 =	simm.s32 $0x7;
	s17 =	simm.s32 $0x4;
	s1 =	simm.s32 $0xA580;
	v12 =	vadd.s32 v1, v15  }
0x1fa: {  	v14 =	vld [tilespmem:s1+$0x40];
	v13 =	vadd.s32 v1, v17;
	v5 =	vmov s17;
	[tilespmem:v6+s26+$0x0] =	vst.idx.msk $0xffff, v4;
	v6 =	vmov s19  }
0x1fb: {  	v16 =	vadd.s32 v1, v8;
	v4 =	vand.u32 $0x7C, v5;
	v5 =	vand.u32 $0x7F, v6;
	v18 =	vld [tilespmem:s18+$0x60]  }
0x1fc: {  	s20 =	simm.s32 $0x5;
	v22 =	vadd.s32 v2, v9;
	v19 =	vld [tilespmem:s1+$0xFFFFFF80];
	v6 =	vmul.f32 $8.000000000e+00, v7;
	v20 =	vadd.s32 v0, v5  }
0x1fd: {  	s28 =	simm.s32 $0x6;
	v21 =	vld [tilespmem:s1+$0xFFFFFFC0];
	v10 =	vmul.f32 $8.000000000e+00, v10;
	v7 =	vmul.f32 $8.000000000e+00, v11;
	v11 =	vmov s20  }
0x1fe: {  	v23 =	vadd.s32 v0, v4;
	[tilespmem:v12+s26+$0x0] =	vst.idx.msk $0xffff, v6;
	v12 =	vmov s28;
	v6 =	vand.u32 $0x7D, v11;
	v11 =	vld [tilespmem:s1+$0x0]  }
0x1ff: {  	[tilespmem:v13+s26+$0x0] =	vst.idx.msk $0xffff, v7;
	v13 =	vadd.s32 v0, v6;
	v7 =	vand.u32 $0x7E, v12;
	v12 =	vmul.f32 $8.000000000e+00, v14;
	v14 =	vld [tilespmem:s18+$0xFFFFFFE0]  }
0x200: {  	[tilespmem:v16+s26+$0x0] =	vst.idx.msk $0xffff, v10;
	v10 =	vadd.s32 v0, v7;
	v16 =	vld [tilespmem:s18+$0x20];
	v18 =	vmul.f32 $8.000000000e+00, v18  }
0x201: {  	v58 =	vadd.s32 v2, v15;
	v19 =	vmul.f32 $8.000000000e+00, v19;
	[tilespmem:v20+s26+$0x0] =	vst.idx.msk $0xffff, v12;
	v20 =	vld [tilespmem:s18+$0xFFFFFFA0]  }
0x202: {  	v59 =	vadd.s32 v2, v17;
	v12 =	vmul.f32 $8.000000000e+00, v21;
	v21 =	vld [tilespmem:s1+$0x50];
	[tilespmem:v22+s26+$0x0] =	vst.idx.msk $0xffff, v18  }
0x203: {  	[tilespmem:v23+s26+$0x0] =	vst.idx.msk $0xffff, v19;
	v19 =	vadd.s32 v2, v8;
	v11 =	vmul.f32 $8.000000000e+00, v11;
	v22 =	vld [tilespmem:s18+$0x70]  }
0x204: {  	v60 =	vadd.s32 v1, v5;
	v23 =	vld [tilespmem:s1+$0xFFFFFF90];
	[tilespmem:v13+s26+$0x0] =	vst.idx.msk $0xffff, v12;
	v13 =	vmul.f32 $8.000000000e+00, v14  }
0x205: {  	v62 =	vadd.s32 v3, v9;
	v61 =	vld [tilespmem:s1+$0xFFFFFFD0];
	[tilespmem:v10+s26+$0x0] =	vst.idx.msk $0xffff, v11;
	v10 =	vmul.f32 $8.000000000e+00, v16  }
0x206: {  	s14 =	sor.u32 $0x2, s0;
	v18 =	vadd.s32 v1, v4;
	v12 =	vld [tilespmem:s1+$0x10];
	[tilespmem:v58+s26+$0x0] =	vst.idx.msk $0xffff, v13;
	v9 =	vmul.f32 $8.000000000e+00, v20  }
0x207: {  	s17 =	sadd.s32 s5, s14;
	s20 =	simm.s32 $0x8;
	v16 =	vadd.s32 v1, v6;
	v13 =	vld [tilespmem:s18+$0xFFFFFFF0];
	[tilespmem:v59+s26+$0x0] =	vst.idx.msk $0xffff, v10;
	v14 =	vmul.f32 $8.000000000e+00, v21  }
0x208: {  	s29 =	sshrl.u32 s17, $0x5;
	s19 =	simm.s32 $0xA680;
	v20 =	vmov s20;
	v10 =	vadd.s32 v1, v7;
	v11 =	vld [tilespmem:s18+$0x30];
	[tilespmem:v19+s26+$0x0] =	vst.idx.msk $0xffff, v9;
	v63 =	vmul.f32 $8.000000000e+00, v22  }
0x209: {  	v15 =	vadd.s32 v3, v15;
	s14 =	sand.u32 $0x6, s14;
	s28 =	sand.u32 $0x3FFFFF8, s29;
	s29 =	simm.s32 $0xB;
	v9 =	vand.u32 $0x7C, v20;
	v20 =	vmul.f32 $8.000000000e+00, v23;
	[tilespmem:v60+s26+$0x0] =	vst.idx.msk $0xffff, v14;
	v14 =	vld [tilespmem:s18+$0xFFFFFFB0]  }
0x20a: {  	v17 =	vadd.s32 v3, v17;
	v22 =	vmov s29;
	v19 =	vld [tilespmem:s19+$0x40];
	s18 =	sor.u32 s14, s28;
	s14 =	simm.s32 $0xC;
	v21 =	vmul.f32 $8.000000000e+00, v61;
	[tilespmem:v62+s26+$0x0] =	vst.idx.msk $0xffff, v63  }
.LBB2_7:
0x20b: {  	p2 =	slt.u32 s14, $0x7C;
	s28 =	sadd.s32 $0x1, s20;
	v22 =	vand.u32 $0x7F, v22;
	[tilespmem:v18+s26+$0x0] =	vst.idx.msk $0xffff, v20;
	v12 =	vmul.f32 $8.000000000e+00, v12;
	v18 =	vld [tilespmem:s1+$0x60];
	v20 =	vadd.s32 v3, v8;
	v8 =	vmovc v4  }
0x20c: {  	v4 =	vmovc v9;
	v23 =	vld [tilespmem:s19+$0xFFFFFF80];
	v24 =	vmov s28;
	s28 =	sadd.s32 $0x2, s20;
	v25 =	vadd.s32 v0, v22;
	[tilespmem:v16+s26+$0x0] =	vst.idx.msk $0xffff, v21;
	v13 =	vmul.f32 $8.000000000e+00, v13;
	s20 =	smov.u32 s14  }
0x20d: {  	v9 =	vld [tilespmem:s19+$0xFFFFFFC0];
	v16 =	vmov s28;
	[tilespmem:v10+s26+$0x0] =	vst.idx.msk $0xffff, v12;
	v10 =	vadd.s32 v2, v5;
	v11 =	vmul.f32 $8.000000000e+00, v11  }
0x20e: {  	v12 =	vadd.s32 v0, v4;
	v21 =	vand.u32 $0x7D, v24;
	v24 =	vld [tilespmem:s19+$0x0];
	v14 =	vmul.f32 $8.000000000e+00, v14;
	[tilespmem:v15+s26+$0x0] =	vst.idx.msk $0xffff, v13  }
0x20f: {  	v13 =	vadd.s32 v0, v21;
	v26 =	vand.u32 $0x7E, v16;
	v15 =	vmul.f32 $8.000000000e+00, v19;
	v16 =	vld [tilespmem:s1+$0xFFFFFFE0];
	[tilespmem:v17+s26+$0x0] =	vst.idx.msk $0xffff, v11  }
0x210: {  	v11 =	vadd.s32 v0, v26;
	v17 =	vld [tilespmem:s1+$0x20];
	v18 =	vmul.f32 $8.000000000e+00, v18;
	[tilespmem:v20+s26+$0x0] =	vst.idx.msk $0xffff, v14  }
0x211: {  	v19 =	vadd.s32 v2, v6;
	v14 =	vmul.f32 $8.000000000e+00, v23;
	[tilespmem:v25+s26+$0x0] =	vst.idx.msk $0xffff, v15;
	v15 =	vld [tilespmem:s1+$0xFFFFFFA0]  }
0x212: {  	v23 =	vadd.s32 v2, v7;
	v9 =	vmul.f32 $8.000000000e+00, v9;
	v20 =	vld [tilespmem:s19+$0x50];
	[tilespmem:v10+s26+$0x0] =	vst.idx.msk $0xffff, v18  }
0x213: {  	[tilespmem:v12+s26+$0x0] =	vst.idx.msk $0xffff, v14;
	v10 =	vmul.f32 $8.000000000e+00, v24;
	v14 =	vadd.s32 v2, v8;
	v24 =	vld [tilespmem:s1+$0x70]  }
0x214: {  	v27 =	vadd.s32 v1, v22;
	v25 =	vld [tilespmem:s19+$0xFFFFFF90];
	[tilespmem:v13+s26+$0x0] =	vst.idx.msk $0xffff, v9;
	v9 =	vmul.f32 $8.000000000e+00, v16  }
0x215: {  	v29 =	vadd.s32 v3, v5;
	v5 =	vmov v22;
	v28 =	vld [tilespmem:s19+$0xFFFFFFD0];
	[tilespmem:v11+s26+$0x0] =	vst.idx.msk $0xffff, v10;
	v10 =	vmul.f32 $8.000000000e+00, v17  }
.Ltmp4:
0x216: {  	v18 =	vadd.s32 v1, v4;
	v12 =	vld [tilespmem:s19+$0x10];
	v11 =	vmul.f32 $8.000000000e+00, v15;
	[tilespmem:v19+s26+$0x0] =	vst.idx.msk $0xffff, v9;
	(pc) =	sbr.rel @p2 .LBB2_7-.Ltmp4, $4  }
0x217: {  	v16 =	vadd.s32 v1, v21;
	v15 =	vmul.f32 $8.000000000e+00, v20;
	v13 =	vld [tilespmem:s1+$0xFFFFFFF0];
	[tilespmem:v23+s26+$0x0] =	vst.idx.msk $0xffff, v10  }
0x218: {  	v9 =	vmov s14;
	v10 =	vadd.s32 v1, v26;
	[tilespmem:v14+s26+$0x0] =	vst.idx.msk $0xffff, v11;
	v11 =	vld [tilespmem:s1+$0x30];
	v23 =	vmul.f32 $8.000000000e+00, v24  }
0x219: {  	s28 =	sadd.s32 $0x3, s14;
	v9 =	vand.u32 $0x7C, v9;
	v20 =	vmul.f32 $8.000000000e+00, v25;
	[tilespmem:v27+s26+$0x0] =	vst.idx.msk $0xffff, v15;
	v14 =	vld [tilespmem:s1+$0xFFFFFFB0];
	v15 =	vadd.s32 v3, v6;
	v6 =	vmovc v21;
	s1 =	smov.u32 s19;
	s19 =	sadd.s32 $0x100, s19  }
0x21a: {  	v22 =	vmov s28;
	v17 =	vadd.s32 v3, v7;
	v7 =	vmovc v26;
	s14 =	sadd.s32 $0x4, s14;
	v19 =	vld [tilespmem:s19+$0x40];
	v21 =	vmul.f32 $8.000000000e+00, v28;
	[tilespmem:v29+s26+$0x0] =	vst.idx.msk $0xffff, v23  }
0x21b: {  	s14 =	sadd.s32 $0x1, s20  }
0x21c: {  	v22 =	vand.u32 $0x7F, v22;
	s29 =	sadd.s32 $0x2, s20;
	v24 =	vld [tilespmem:s19+$0xFFFFFFC0];
	v23 =	vmov s14  }
0x21d: {  	v27 =	vld [tilespmem:s19+$0x0];
	v25 =	vadd.s32 v0, v22;
	v26 =	vmov s29;
	v23 =	vand.u32 $0x7D, v23  }
0x21e: {  	v28 =	vld [tilespmem:s19+$0xFFFFFF80];
	v26 =	vand.u32 $0x7E, v26;
	v29 =	vadd.s32 v0, v23  }
0x21f: {  	v30 =	vadd.s32 v0, v26  }
0x220: {  	[tilespmem:v18+s26+$0x0] =	vst.idx.msk $0xffff, v20;
	v18 =	vadd.s32 v0, v9;
	v19 =	vmul.f32 $8.000000000e+00, v19  }
0x221: {  	[tilespmem:v16+s26+$0x0] =	vst.idx.msk $0xffff, v21;
	v16 =	vmul.f32 $8.000000000e+00, v24  }
0x222: {  	[tilespmem:v25+s26+$0x0] =	vst.idx.msk $0xffff, v19;
	v19 =	vmul.f32 $8.000000000e+00, v27  }
0x223: {  	v20 =	vmul.f32 $8.000000000e+00, v28;
	[tilespmem:v29+s26+$0x0] =	vst.idx.msk $0xffff, v16;
	v16 =	vld [tilespmem:s19+$0x50]  }
0x224: {  	v12 =	vmul.f32 $8.000000000e+00, v12;
	v8 =	vadd.s32 v3, v8;
	[tilespmem:v30+s26+$0x0] =	vst.idx.msk $0xffff, v19;
	v21 =	vld [tilespmem:s19+$0xFFFFFFD0]  }
0x225: {  	v13 =	vmul.f32 $8.000000000e+00, v13;
	[tilespmem:v18+s26+$0x0] =	vst.idx.msk $0xffff, v20;
	v18 =	vadd.s32 v1, v22;
	v19 =	vld [tilespmem:s19+$0x10]  }
0x226: {  	[tilespmem:v10+s26+$0x0] =	vst.idx.msk $0xffff, v12;
	v10 =	vmul.f32 $8.000000000e+00, v11;
	v12 =	vadd.s32 v1, v23;
	v11 =	vld [tilespmem:s19+$0xFFFFFF90]  }
0x227: {  	v14 =	vmul.f32 $8.000000000e+00, v14;
	[tilespmem:v15+s26+$0x0] =	vst.idx.msk $0xffff, v13;
	v13 =	vadd.s32 v1, v26;
	v20 =	vld [tilespmem:s1+$0x60]  }
0x228: {  	v15 =	vld [tilespmem:s1+$0xFFFFFFE0];
	[tilespmem:v17+s26+$0x0] =	vst.idx.msk $0xffff, v10;
	v10 =	vadd.s32 v1, v9;
	v16 =	vmul.f32 $8.000000000e+00, v16  }
0x229: {  	v57 =	vld [tilespmem:s1+$0x20];
	v17 =	vadd.s32 v2, v5;
	[tilespmem:v8+s26+$0x0] =	vst.idx.msk $0xffff, v14;
	v8 =	vmul.f32 $8.000000000e+00, v21  }
0x22a: {  	v14 =	vld [tilespmem:s1+$0xFFFFFFA0];
	v21 =	vadd.s32 v2, v6;
	[tilespmem:v18+s26+$0x0] =	vst.idx.msk $0xffff, v16;
	v16 =	vmul.f32 $8.000000000e+00, v19  }
0x22b: {  	v11 =	vmul.f32 $8.000000000e+00, v11;
	v18 =	vadd.s32 v2, v7;
	v19 =	vld [tilespmem:s19+$0x60];
	[tilespmem:v12+s26+$0x0] =	vst.idx.msk $0xffff, v8  }
0x22c: {  	v8 =	vmul.f32 $8.000000000e+00, v20;
	v12 =	vadd.s32 v2, v4;
	[tilespmem:v13+s26+$0x0] =	vst.idx.msk $0xffff, v16;
	v13 =	vld [tilespmem:s19+$0xFFFFFFE0]  }
0x22d: {  	v15 =	vmul.f32 $8.000000000e+00, v15;
	[tilespmem:v10+s26+$0x0] =	vst.idx.msk $0xffff, v11;
	v10 =	vadd.s32 v2, v22;
	v11 =	vld [tilespmem:s19+$0x20]  }
0x22e: {  	v16 =	vld [tilespmem:s19+$0xFFFFFFA0];
	[tilespmem:v17+s26+$0x0] =	vst.idx.msk $0xffff, v8;
	v8 =	vmul.f32 $8.000000000e+00, v57;
	v17 =	vadd.s32 v2, v23  }
0x22f: {  	v14 =	vmul.f32 $8.000000000e+00, v14;
	v20 =	vld [tilespmem:s1+$0x70];
	[tilespmem:v21+s26+$0x0] =	vst.idx.msk $0xffff, v15;
	v15 =	vadd.s32 v2, v26  }
0x230: {  	v21 =	vld [tilespmem:s1+$0xFFFFFFF0];
	[tilespmem:v18+s26+$0x0] =	vst.idx.msk $0xffff, v8;
	v18 =	vadd.s32 v2, v9;
	v8 =	vmul.f32 $8.000000000e+00, v19  }
0x231: {  	v5 =	vadd.s32 v3, v5;
	[tilespmem:v12+s26+$0x0] =	vst.idx.msk $0xffff, v14;
	v12 =	vld [tilespmem:s1+$0x30];
	v13 =	vmul.f32 $8.000000000e+00, v13  }
0x232: {  	v6 =	vadd.s32 v3, v6;
	v14 =	vld [tilespmem:s1+$0xFFFFFFB0];
	[tilespmem:v10+s26+$0x0] =	vst.idx.msk $0xffff, v8;
	v8 =	vmul.f32 $8.000000000e+00, v11  }
0x233: {  	v7 =	vadd.s32 v3, v7;
	v11 =	vmul.f32 $8.000000000e+00, v16;
	v10 =	vld [tilespmem:s19+$0x70];
	[tilespmem:v17+s26+$0x0] =	vst.idx.msk $0xffff, v13  }
0x234: {  	v4 =	vadd.s32 v3, v4;
	v13 =	vmul.f32 $8.000000000e+00, v20;
	v16 =	vld [tilespmem:s19+$0xFFFFFFF0];
	[tilespmem:v15+s26+$0x0] =	vst.idx.msk $0xffff, v8  }
0x235: {  	v8 =	vmul.f32 $8.000000000e+00, v21;
	v15 =	vadd.s32 v3, v22;
	[tilespmem:v18+s26+$0x0] =	vst.idx.msk $0xffff, v11;
	v11 =	vld [tilespmem:s19+$0x30]  }
0x236: {  	[tilespmem:v5+s26+$0x0] =	vst.idx.msk $0xffff, v13;
	v5 =	vmul.f32 $8.000000000e+00, v12;
	v12 =	vld [tilespmem:s19+$0xFFFFFFB0];
	v13 =	vadd.s32 v3, v23  }
0x237: {  	v14 =	vmul.f32 $8.000000000e+00, v14;
	[tilespmem:v6+s26+$0x0] =	vst.idx.msk $0xffff, v8;
	v6 =	vadd.s32 v3, v26  }
0x238: {  	[tilespmem:v7+s26+$0x0] =	vst.idx.msk $0xffff, v5;
	v7 =	vadd.s32 v3, v9;
	v5 =	vmul.f32 $8.000000000e+00, v10  }
0x239: {  	s17 =	sshll.u32 s17, $0x7;
	[tilespmem:v4+s26+$0x0] =	vst.idx.msk $0xffff, v14;
	v4 =	vmul.f32 $8.000000000e+00, v16  }
0x23a: {  	s18 =	sshll.u32 s18, $0x12;
	s1 =	sand.u32 $0x7C00, s17;
	[tilespmem:v15+s26+$0x0] =	vst.idx.msk $0xffff, v5;
	v5 =	vmul.f32 $8.000000000e+00, v11  }
0x23b: {  	s1 =	sor.u32 s1, s18;
	v8 =	vmul.f32 $8.000000000e+00, v12;
	[tilespmem:v13+s26+$0x0] =	vst.idx.msk $0xffff, v4  }
0x23c: {  	s1 =	sshrl.u32 s1, $0x3;
	[tilespmem:v6+s26+$0x0] =	vst.idx.msk $0xffff, v5  }
0x23d: {  	s14 =	sadd.s32 s2, s1;
	[tilespmem:v7+s26+$0x0] =	vst.idx.msk $0xffff, v8  }
0x23e: {  	[hbm4b:s14+s3] =	stream.linear.scatter [tilespmem:s26], [sflag:$0x7], $0x80, $0x38;
	[tilespmem:$0x16C00] =	vst v63  }
0x23f: {  	s20 =	simm.s32 $0x12888;
	s19 =	sadd.s32 $0x10, s14  }
0x240: {  	[hbm4b:s19+s3] =	stream.linear.scatter [tilespmem:s20], [sflag:$0x7], $0x80, $0x38;
	[tilespmem:$0x16C00] =	vst v63  }
0x241: {  	s29 =	simm.s32 $0x12910;
	s28 =	sadd.s32 $0x20, s14  }
0x242: {  	[hbm4b:s28+s3] =	stream.linear.scatter [tilespmem:s29], [sflag:$0x7], $0x80, $0x38;
	[tilespmem:$0x16C00] =	vst v63  }
0x243: {  	s19 =	sadd.s32 $0x30, s14;
	s20 =	simm.s32 $0x12998  }
0x244: {  	[hbm4b:s19+s3] =	stream.linear.scatter [tilespmem:s20], [sflag:$0x7], $0x80, $0x38;
	[tilespmem:$0x16C00] =	vst v63  }
0x245: {  	s28 =	sadd.s32 $0x40, s14;
	s29 =	simm.s32 $0x12A20  }
0x246: {  	[hbm4b:s28+s3] =	stream.linear.scatter [tilespmem:s29], [sflag:$0x7], $0x80, $0x38;
	[tilespmem:$0x16C00] =	vst v63  }
0x247: {  	s18 =	sadd.s32 $0x50, s14;
	s19 =	simm.s32 $0x12AA8  }
0x248: {  	[hbm4b:s18+s3] =	stream.linear.scatter [tilespmem:s19], [sflag:$0x7], $0x80, $0x38;
	[tilespmem:$0x16C00] =	vst v63  }
0x249: {  	s20 =	sadd.s32 $0x60, s14;
	s28 =	simm.s32 $0x12B30  }
0x24a: {  	[hbm4b:s20+s3] =	stream.linear.scatter [tilespmem:s28], [sflag:$0x7], $0x80, $0x38;
	[tilespmem:$0x16C00] =	vst v63  }
0x24b: {  	s14 =	sadd.s32 $0x70, s14;
	s29 =	simm.s32 $0x12BB8  }
0x24c: {  	[hbm4b:s14+s3] =	stream.linear.scatter [tilespmem:s29], [sflag:$0x7], $0x80, $0x38;
	[tilespmem:$0x16C00] =	vst v63  }
0x24d: {  	s18 =	simm.s32 $0x12C40;
	s14 =	sadd.s32 s1, s7  }
0x24e: {  	[hbm4b:s14+s3] =	stream.linear.scatter [tilespmem:s18], [sflag:$0x7], $0x80, $0x38;
	[tilespmem:$0x16C00] =	vst v63  }
0x24f: {  	s20 =	simm.s32 $0x12CC8;
	s19 =	sadd.s32 $0x10, s14  }
0x250: {  	[hbm4b:s19+s3] =	stream.linear.scatter [tilespmem:s20], [sflag:$0x7], $0x80, $0x38;
	[tilespmem:$0x16C00] =	vst v63  }
0x251: {  	s29 =	simm.s32 $0x12D50;
	s28 =	sadd.s32 $0x20, s14  }
0x252: {  	[hbm4b:s28+s3] =	stream.linear.scatter [tilespmem:s29], [sflag:$0x7], $0x80, $0x38;
	[tilespmem:$0x16C00] =	vst v63  }
0x253: {  	s19 =	sadd.s32 $0x30, s14;
	s20 =	simm.s32 $0x12DD8  }
0x254: {  	[hbm4b:s19+s3] =	stream.linear.scatter [tilespmem:s20], [sflag:$0x7], $0x80, $0x38;
	[tilespmem:$0x16C00] =	vst v63  }
0x255: {  	s28 =	sadd.s32 $0x40, s14;
	s29 =	simm.s32 $0x12E60  }
0x256: {  	[hbm4b:s28+s3] =	stream.linear.scatter [tilespmem:s29], [sflag:$0x7], $0x80, $0x38;
	[tilespmem:$0x16C00] =	vst v63  }
0x257: {  	s18 =	sadd.s32 $0x50, s14;
	s19 =	simm.s32 $0x12EE8  }
0x258: {  	[hbm4b:s18+s3] =	stream.linear.scatter [tilespmem:s19], [sflag:$0x7], $0x80, $0x38;
	[tilespmem:$0x16C00] =	vst v63  }
0x259: {  	s20 =	sadd.s32 $0x60, s14;
	s28 =	simm.s32 $0x12F70  }
0x25a: {  	[hbm4b:s20+s3] =	stream.linear.scatter [tilespmem:s28], [sflag:$0x7], $0x80, $0x38;
	[tilespmem:$0x16C00] =	vst v63  }
0x25b: {  	s14 =	sadd.s32 $0x70, s14;
	s29 =	simm.s32 $0x12FF8  }
0x25c: {  	[hbm4b:s14+s3] =	stream.linear.scatter [tilespmem:s29], [sflag:$0x7], $0x80, $0x38;
	[tilespmem:$0x16C00] =	vst v63  }
0x25d: {  	s18 =	simm.s32 $0x13080;
	s14 =	sadd.s32 s1, s8  }
0x25e: {  	[hbm4b:s14+s3] =	stream.linear.scatter [tilespmem:s18], [sflag:$0x7], $0x80, $0x38;
	[tilespmem:$0x16C00] =	vst v63  }
0x25f: {  	s20 =	simm.s32 $0x13108;
	s19 =	sadd.s32 $0x10, s14  }
0x260: {  	[hbm4b:s19+s3] =	stream.linear.scatter [tilespmem:s20], [sflag:$0x7], $0x80, $0x38;
	[tilespmem:$0x16C00] =	vst v63  }
0x261: {  	s29 =	simm.s32 $0x13190;
	s28 =	sadd.s32 $0x20, s14  }
0x262: {  	[hbm4b:s28+s3] =	stream.linear.scatter [tilespmem:s29], [sflag:$0x7], $0x80, $0x38;
	[tilespmem:$0x16C00] =	vst v63  }
0x263: {  	s19 =	sadd.s32 $0x30, s14;
	s20 =	simm.s32 $0x13218  }
0x264: {  	[hbm4b:s19+s3] =	stream.linear.scatter [tilespmem:s20], [sflag:$0x7], $0x80, $0x38;
	[tilespmem:$0x16C00] =	vst v63  }
0x265: {  	s28 =	sadd.s32 $0x40, s14;
	s29 =	simm.s32 $0x132A0  }
0x266: {  	[hbm4b:s28+s3] =	stream.linear.scatter [tilespmem:s29], [sflag:$0x7], $0x80, $0x38;
	[tilespmem:$0x16C00] =	vst v63  }
0x267: {  	s18 =	sadd.s32 $0x50, s14;
	s19 =	simm.s32 $0x13328  }
0x268: {  	[hbm4b:s18+s3] =	stream.linear.scatter [tilespmem:s19], [sflag:$0x7], $0x80, $0x38;
	[tilespmem:$0x16C00] =	vst v63  }
0x269: {  	s20 =	sadd.s32 $0x60, s14;
	s28 =	simm.s32 $0x133B0  }
0x26a: {  	[hbm4b:s20+s3] =	stream.linear.scatter [tilespmem:s28], [sflag:$0x7], $0x80, $0x38;
	[tilespmem:$0x16C00] =	vst v63  }
0x26b: {  	s14 =	sadd.s32 $0x70, s14;
	s29 =	simm.s32 $0x13438  }
0x26c: {  	[hbm4b:s14+s3] =	stream.linear.scatter [tilespmem:s29], [sflag:$0x7], $0x80, $0x38;
	[tilespmem:$0x16C00] =	vst v63  }
0x26d: {  	s18 =	simm.s32 $0x134C0;
	s14 =	sadd.s32 s1, s9  }
0x26e: {  	[hbm4b:s14+s3] =	stream.linear.scatter [tilespmem:s18], [sflag:$0x7], $0x80, $0x38;
	[tilespmem:$0x16C00] =	vst v63  }
0x26f: {  	s20 =	simm.s32 $0x13548;
	s19 =	sadd.s32 $0x10, s14  }
0x270: {  	[hbm4b:s19+s3] =	stream.linear.scatter [tilespmem:s20], [sflag:$0x7], $0x80, $0x38;
	[tilespmem:$0x16C00] =	vst v63  }
0x271: {  	s29 =	simm.s32 $0x135D0;
	s28 =	sadd.s32 $0x20, s14  }
0x272: {  	[hbm4b:s28+s3] =	stream.linear.scatter [tilespmem:s29], [sflag:$0x7], $0x80, $0x38;
	[tilespmem:$0x16C00] =	vst v63  }
0x273: {  	s19 =	sadd.s32 $0x30, s14;
	s20 =	simm.s32 $0x13658  }
0x274: {  	[hbm4b:s19+s3] =	stream.linear.scatter [tilespmem:s20], [sflag:$0x7], $0x80, $0x38;
	[tilespmem:$0x16C00] =	vst v63  }
0x275: {  	s28 =	sadd.s32 $0x40, s14;
	s29 =	simm.s32 $0x136E0  }
0x276: {  	[hbm4b:s28+s3] =	stream.linear.scatter [tilespmem:s29], [sflag:$0x7], $0x80, $0x38;
	[tilespmem:$0x16C00] =	vst v63  }
0x277: {  	s18 =	sadd.s32 $0x50, s14;
	s19 =	simm.s32 $0x13768  }
0x278: {  	[hbm4b:s18+s3] =	stream.linear.scatter [tilespmem:s19], [sflag:$0x7], $0x80, $0x38;
	[tilespmem:$0x16C00] =	vst v63  }
0x279: {  	s20 =	sadd.s32 $0x60, s14;
	s28 =	simm.s32 $0x137F0  }
0x27a: {  	[hbm4b:s20+s3] =	stream.linear.scatter [tilespmem:s28], [sflag:$0x7], $0x80, $0x38;
	[tilespmem:$0x16C00] =	vst v63  }
0x27b: {  	s14 =	sadd.s32 $0x70, s14;
	s29 =	simm.s32 $0x13878  }
0x27c: {  	[hbm4b:s14+s3] =	stream.linear.scatter [tilespmem:s29], [sflag:$0x7], $0x80, $0x38;
	[tilespmem:$0x16C00] =	vst v63  }
0x27d: {  	s18 =	simm.s32 $0x13900;
	s14 =	sadd.s32 s1, s10  }
0x27e: {  	[hbm4b:s14+s3] =	stream.linear.scatter [tilespmem:s18], [sflag:$0x7], $0x80, $0x38;
	[tilespmem:$0x16C00] =	vst v63  }
0x27f: {  	s20 =	simm.s32 $0x13988;
	s19 =	sadd.s32 $0x10, s14  }
0x280: {  	[hbm4b:s19+s3] =	stream.linear.scatter [tilespmem:s20], [sflag:$0x7], $0x80, $0x38;
	[tilespmem:$0x16C00] =	vst v63  }
0x281: {  	s29 =	simm.s32 $0x13A10;
	s28 =	sadd.s32 $0x20, s14  }
0x282: {  	[hbm4b:s28+s3] =	stream.linear.scatter [tilespmem:s29], [sflag:$0x7], $0x80, $0x38;
	[tilespmem:$0x16C00] =	vst v63  }
0x283: {  	s19 =	sadd.s32 $0x30, s14;
	s20 =	simm.s32 $0x13A98  }
0x284: {  	[hbm4b:s19+s3] =	stream.linear.scatter [tilespmem:s20], [sflag:$0x7], $0x80, $0x38;
	[tilespmem:$0x16C00] =	vst v63  }
0x285: {  	s28 =	sadd.s32 $0x40, s14;
	s29 =	simm.s32 $0x13B20  }
0x286: {  	[hbm4b:s28+s3] =	stream.linear.scatter [tilespmem:s29], [sflag:$0x7], $0x80, $0x38;
	[tilespmem:$0x16C00] =	vst v63  }
0x287: {  	s18 =	sadd.s32 $0x50, s14;
	s19 =	simm.s32 $0x13BA8  }
0x288: {  	[hbm4b:s18+s3] =	stream.linear.scatter [tilespmem:s19], [sflag:$0x7], $0x80, $0x38;
	[tilespmem:$0x16C00] =	vst v63  }
0x289: {  	s20 =	sadd.s32 $0x60, s14;
	s28 =	simm.s32 $0x13C30  }
0x28a: {  	[hbm4b:s20+s3] =	stream.linear.scatter [tilespmem:s28], [sflag:$0x7], $0x80, $0x38;
	[tilespmem:$0x16C00] =	vst v63  }
0x28b: {  	s14 =	sadd.s32 $0x70, s14;
	s29 =	simm.s32 $0x13CB8  }
0x28c: {  	[hbm4b:s14+s3] =	stream.linear.scatter [tilespmem:s29], [sflag:$0x7], $0x80, $0x38;
	[tilespmem:$0x16C00] =	vst v63  }
0x28d: {  	s18 =	simm.s32 $0x13D40;
	s14 =	sadd.s32 s1, s11  }
0x28e: {  	[hbm4b:s14+s3] =	stream.linear.scatter [tilespmem:s18], [sflag:$0x7], $0x80, $0x38;
	[tilespmem:$0x16C00] =	vst v63  }
0x28f: {  	s20 =	simm.s32 $0x13DC8;
	s19 =	sadd.s32 $0x10, s14  }
0x290: {  	[hbm4b:s19+s3] =	stream.linear.scatter [tilespmem:s20], [sflag:$0x7], $0x80, $0x38;
	[tilespmem:$0x16C00] =	vst v63  }
0x291: {  	s29 =	simm.s32 $0x13E50;
	s28 =	sadd.s32 $0x20, s14  }
0x292: {  	[hbm4b:s28+s3] =	stream.linear.scatter [tilespmem:s29], [sflag:$0x7], $0x80, $0x38;
	[tilespmem:$0x16C00] =	vst v63  }
0x293: {  	s19 =	sadd.s32 $0x30, s14;
	s20 =	simm.s32 $0x13ED8  }
0x294: {  	[hbm4b:s19+s3] =	stream.linear.scatter [tilespmem:s20], [sflag:$0x7], $0x80, $0x38;
	[tilespmem:$0x16C00] =	vst v63  }
0x295: {  	s28 =	sadd.s32 $0x40, s14;
	s29 =	simm.s32 $0x13F60  }
0x296: {  	[hbm4b:s28+s3] =	stream.linear.scatter [tilespmem:s29], [sflag:$0x7], $0x80, $0x38;
	[tilespmem:$0x16C00] =	vst v63  }
0x297: {  	s18 =	sadd.s32 $0x50, s14;
	s19 =	simm.s32 $0x13FE8  }
0x298: {  	[hbm4b:s18+s3] =	stream.linear.scatter [tilespmem:s19], [sflag:$0x7], $0x80, $0x38;
	[tilespmem:$0x16C00] =	vst v63  }
0x299: {  	s20 =	sadd.s32 $0x60, s14;
	s28 =	simm.s32 $0x14070  }
0x29a: {  	[hbm4b:s20+s3] =	stream.linear.scatter [tilespmem:s28], [sflag:$0x7], $0x80, $0x38;
	[tilespmem:$0x16C00] =	vst v63  }
0x29b: {  	s14 =	sadd.s32 $0x70, s14;
	s29 =	simm.s32 $0x140F8  }
0x29c: {  	[hbm4b:s14+s3] =	stream.linear.scatter [tilespmem:s29], [sflag:$0x7], $0x80, $0x38;
	[tilespmem:$0x16C00] =	vst v63  }
0x29d: {  	s18 =	simm.s32 $0x14180;
	s14 =	sadd.s32 s1, s12  }
0x29e: {  	[hbm4b:s14+s3] =	stream.linear.scatter [tilespmem:s18], [sflag:$0x7], $0x80, $0x38;
	[tilespmem:$0x16C00] =	vst v63  }
0x29f: {  	s20 =	simm.s32 $0x14208;
	s19 =	sadd.s32 $0x10, s14  }
0x2a0: {  	[hbm4b:s19+s3] =	stream.linear.scatter [tilespmem:s20], [sflag:$0x7], $0x80, $0x38;
	[tilespmem:$0x16C00] =	vst v63  }
0x2a1: {  	s29 =	simm.s32 $0x14290;
	s28 =	sadd.s32 $0x20, s14  }
0x2a2: {  	[hbm4b:s28+s3] =	stream.linear.scatter [tilespmem:s29], [sflag:$0x7], $0x80, $0x38;
	[tilespmem:$0x16C00] =	vst v63  }
0x2a3: {  	s19 =	sadd.s32 $0x30, s14;
	s20 =	simm.s32 $0x14318  }
0x2a4: {  	[hbm4b:s19+s3] =	stream.linear.scatter [tilespmem:s20], [sflag:$0x7], $0x80, $0x38;
	[tilespmem:$0x16C00] =	vst v63  }
0x2a5: {  	s28 =	sadd.s32 $0x40, s14;
	s29 =	simm.s32 $0x143A0  }
0x2a6: {  	[hbm4b:s28+s3] =	stream.linear.scatter [tilespmem:s29], [sflag:$0x7], $0x80, $0x38;
	[tilespmem:$0x16C00] =	vst v63  }
0x2a7: {  	s19 =	sadd.s32 $0x50, s14;
	s20 =	simm.s32 $0x14428  }
0x2a8: {  	[hbm4b:s19+s3] =	stream.linear.scatter [tilespmem:s20], [sflag:$0x7], $0x80, $0x38;
	[tilespmem:$0x16C00] =	vst v63  }
0x2a9: {  	s28 =	sadd.s32 $0x60, s14;
	s29 =	simm.s32 $0x144B0  }
0x2aa: {  	[hbm4b:s28+s3] =	stream.linear.scatter [tilespmem:s29], [sflag:$0x7], $0x80, $0x38;
	[tilespmem:$0x16C00] =	vst v63  }
0x2ab: {  	s14 =	sadd.s32 $0x70, s14;
	s19 =	simm.s32 $0x14538  }
0x2ac: {  	[hbm4b:s14+s3] =	stream.linear.scatter [tilespmem:s19], [sflag:$0x7], $0x80, $0x38;
	[tilespmem:$0x16C00] =	vst v63  }
0x2ad: {  	s1 =	sadd.s32 s1, s13;
	s20 =	simm.s32 $0x145C0  }
0x2ae: {  	[hbm4b:s1+s3] =	stream.linear.scatter [tilespmem:s20], [sflag:$0x7], $0x80, $0x38;
	[tilespmem:$0x16C00] =	vst v63  }
0x2af: {  	s28 =	sadd.s32 $0x10, s1;
	s29 =	simm.s32 $0x14648  }
0x2b0: {  	[hbm4b:s28+s3] =	stream.linear.scatter [tilespmem:s29], [sflag:$0x7], $0x80, $0x38;
	[tilespmem:$0x16C00] =	vst v63  }
0x2b1: {  	s17 =	sadd.s32 $0x20, s1;
	s18 =	simm.s32 $0x146D0  }
0x2b2: {  	[hbm4b:s17+s3] =	stream.linear.scatter [tilespmem:s18], [sflag:$0x7], $0x80, $0x38;
	[tilespmem:$0x16C00] =	vst v63  }
0x2b3: {  	s19 =	sadd.s32 $0x30, s1;
	s20 =	simm.s32 $0x14758  }
0x2b4: {  	[hbm4b:s19+s3] =	stream.linear.scatter [tilespmem:s20], [sflag:$0x7], $0x80, $0x38;
	[tilespmem:$0x16C00] =	vst v63  }
0x2b5: {  	s28 =	sadd.s32 $0x40, s1;
	s29 =	simm.s32 $0x147E0  }
0x2b6: {  	[hbm4b:s28+s3] =	stream.linear.scatter [tilespmem:s29], [sflag:$0x7], $0x80, $0x38;
	[tilespmem:$0x16C00] =	vst v63  }
0x2b7: {  	s18 =	sadd.s32 $0x50, s1;
	s19 =	simm.s32 $0x14868  }
0x2b8: {  	[hbm4b:s18+s3] =	stream.linear.scatter [tilespmem:s19], [sflag:$0x7], $0x80, $0x38;
	[tilespmem:$0x16C00] =	vst v63  }
0x2b9: {  	s20 =	sadd.s32 $0x60, s1;
	s28 =	simm.s32 $0x148F0  }
0x2ba: {  	[hbm4b:s20+s3] =	stream.linear.scatter [tilespmem:s28], [sflag:$0x7], $0x80, $0x38;
	[tilespmem:$0x16C00] =	vst v63  }
0x2bb: {  	s1 =	sadd.s32 $0x70, s1;
	s29 =	simm.s32 $0x14978  }
0x2bc: {  	[hbm4b:s1+s3] =	stream.linear.scatter [tilespmem:s29], [sflag:$0x7], $0x80, $0x38;
	[tilespmem:$0x16C00] =	vst v63  }
0x2bd: {  	s14 =	simm.s32 @!p1 $0x80;
	s1 =	sadd.s32 @!p1 $0x300, s16;
	s16 =	simm.s32 @!p1 $0xA400  }
0x2be: {  	[tilespmem:s16], [sflag:$0x3] =	stream.indirect.gather @!p1 [hbm4b:s4+s14], $0x40, s1, s14, $0xb8;
	[tilespmem:$0x16C00] =	vst v63  }
0x2bf: {  	_ =	swait.ge [sflag:s15], $0x2000  }
0x2c0: {  	[sflag:s15] =	ssyncset.done $0x0  }
0x2c1: {  	s1 =	simm.s32 @!p0 $0x8;
	[sflag:s15] =	ssyncadd.s32 $0xFFFFE000  }
0x2c2: {  	_ =	swait.ge @!p0 [sflag:s1], $0x2000  }
0x2c3: {  	[sflag:s1] =	ssyncset.done @!p0 $0x0  }
0x2c4: {  	s17 =	simm.s32 $0x3;
	s16 =	simm.s32 $0xC480;
	[sflag:s1] =	ssyncadd.s32 @!p0 $0xFFFFE000  }
0x2c5: {  	v4 =	vmov s17;
	v5 =	vld [tilespmem:s16+$0x40]  }
0x2c6: {  	v9 =	vand.u32 $0x7F, v4  }
0x2c7: {  	v4 =	vadd.s32 v0, v9;
	s18 =	simm.s32 $0x0  }
0x2c8: {  	s19 =	simm.s32 $0x1;
	v6 =	vmov s18;
	s20 =	simm.s32 $0x2;
	v7 =	vld [tilespmem:s16+$0xFFFFFF80]  }
0x2c9: {  	v8 =	vand.u32 $0x7C, v6;
	v6 =	vmov s19;
	v11 =	vmov s20;
	v10 =	vld [tilespmem:s16+$0xFFFFFFC0]  }
0x2ca: {  	v12 =	vadd.s32 v0, v8;
	v15 =	vand.u32 $0x7D, v6;
	v6 =	vld [tilespmem:s16+$0x0];
	v5 =	vmul.f32 $8.000000000e+00, v5  }
0x2cb: {  	v13 =	vadd.s32 v0, v15;
	v17 =	vand.u32 $0x7E, v11  }
0x2cc: {  	v11 =	vadd.s32 v0, v17;
	[tilespmem:v4+s22+$0x0] =	vst.idx.msk $0xffff, v5  }
0x2cd: {  	v4 =	vmul.f32 $8.000000000e+00, v7;
	v5 =	vld [tilespmem:s16+$0x50]  }
0x2ce: {  	v7 =	vmul.f32 $8.000000000e+00, v10  }
0x2cf: {  	[tilespmem:v12+s22+$0x0] =	vst.idx.msk $0xffff, v4;
	v4 =	vmul.f32 $8.000000000e+00, v6;
	v6 =	vadd.s32 v1, v9  }
0x2d0: {  	[tilespmem:v13+s22+$0x0] =	vst.idx.msk $0xffff, v7;
	v10 =	vld [tilespmem:s16+$0xFFFFFF90]  }
0x2d1: {  	v7 =	vld [tilespmem:s16+$0xFFFFFFD0];
	[tilespmem:v11+s22+$0x0] =	vst.idx.msk $0xffff, v4  }
0x2d2: {  	v11 =	vld [tilespmem:s16+$0x10];
	v4 =	vmul.f32 $8.000000000e+00, v5  }
0x2d3: {  	s28 =	simm.s32 $0x4;
	s29 =	simm.s32 $0x7;
	s1 =	simm.s32 $0xC580;
	v12 =	vadd.s32 v1, v15  }
0x2d4: {  	v14 =	vld [tilespmem:s1+$0x40];
	v13 =	vadd.s32 v1, v17;
	v5 =	vmov s28;
	[tilespmem:v6+s22+$0x0] =	vst.idx.msk $0xffff, v4;
	v6 =	vmov s29  }
0x2d5: {  	v16 =	vadd.s32 v1, v8;
	v4 =	vand.u32 $0x7C, v5;
	v5 =	vand.u32 $0x7F, v6;
	v18 =	vld [tilespmem:s16+$0x60]  }
0x2d6: {  	s17 =	simm.s32 $0x5;
	v22 =	vadd.s32 v2, v9;
	v19 =	vld [tilespmem:s1+$0xFFFFFF80];
	v6 =	vmul.f32 $8.000000000e+00, v7;
	v20 =	vadd.s32 v0, v5  }
0x2d7: {  	s18 =	simm.s32 $0x6;
	v21 =	vld [tilespmem:s1+$0xFFFFFFC0];
	v10 =	vmul.f32 $8.000000000e+00, v10;
	v7 =	vmul.f32 $8.000000000e+00, v11;
	v11 =	vmov s17  }
0x2d8: {  	v23 =	vadd.s32 v0, v4;
	[tilespmem:v12+s22+$0x0] =	vst.idx.msk $0xffff, v6;
	v12 =	vmov s18;
	v6 =	vand.u32 $0x7D, v11;
	v11 =	vld [tilespmem:s1+$0x0]  }
0x2d9: {  	[tilespmem:v13+s22+$0x0] =	vst.idx.msk $0xffff, v7;
	v13 =	vadd.s32 v0, v6;
	v7 =	vand.u32 $0x7E, v12;
	v12 =	vmul.f32 $8.000000000e+00, v14;
	v14 =	vld [tilespmem:s16+$0xFFFFFFE0]  }
0x2da: {  	[tilespmem:v16+s22+$0x0] =	vst.idx.msk $0xffff, v10;
	v10 =	vadd.s32 v0, v7;
	v16 =	vld [tilespmem:s16+$0x20];
	v18 =	vmul.f32 $8.000000000e+00, v18  }
0x2db: {  	v58 =	vadd.s32 v2, v15;
	v19 =	vmul.f32 $8.000000000e+00, v19;
	[tilespmem:v20+s22+$0x0] =	vst.idx.msk $0xffff, v12;
	v20 =	vld [tilespmem:s16+$0xFFFFFFA0]  }
0x2dc: {  	v59 =	vadd.s32 v2, v17;
	v12 =	vmul.f32 $8.000000000e+00, v21;
	v21 =	vld [tilespmem:s1+$0x50];
	[tilespmem:v22+s22+$0x0] =	vst.idx.msk $0xffff, v18  }
0x2dd: {  	[tilespmem:v23+s22+$0x0] =	vst.idx.msk $0xffff, v19;
	v19 =	vadd.s32 v2, v8;
	v11 =	vmul.f32 $8.000000000e+00, v11;
	v22 =	vld [tilespmem:s16+$0x70]  }
0x2de: {  	v60 =	vadd.s32 v1, v5;
	v23 =	vld [tilespmem:s1+$0xFFFFFF90];
	[tilespmem:v13+s22+$0x0] =	vst.idx.msk $0xffff, v12;
	v13 =	vmul.f32 $8.000000000e+00, v14  }
0x2df: {  	v62 =	vadd.s32 v3, v9;
	s19 =	sor.u32 $0x3, s0;
	v61 =	vld [tilespmem:s1+$0xFFFFFFD0];
	[tilespmem:v10+s22+$0x0] =	vst.idx.msk $0xffff, v11;
	v10 =	vmul.f32 $8.000000000e+00, v16  }
0x2e0: {  	s0 =	sadd.s32 s5, s19;
	v18 =	vadd.s32 v1, v4;
	v12 =	vld [tilespmem:s1+$0x10];
	[tilespmem:v58+s22+$0x0] =	vst.idx.msk $0xffff, v13;
	v9 =	vmul.f32 $8.000000000e+00, v20  }
0x2e1: {  	s20 =	sshrl.u32 s0, $0x5;
	s18 =	simm.s32 $0x8;
	v16 =	vadd.s32 v1, v6;
	v13 =	vld [tilespmem:s16+$0xFFFFFFF0];
	[tilespmem:v59+s22+$0x0] =	vst.idx.msk $0xffff, v10;
	v14 =	vmul.f32 $8.000000000e+00, v21  }
0x2e2: {  	s28 =	sand.u32 $0x3FFFFF8, s20;
	v20 =	vmov s18;
	v10 =	vadd.s32 v1, v7;
	v11 =	vld [tilespmem:s16+$0x30];
	[tilespmem:v19+s22+$0x0] =	vst.idx.msk $0xffff, v9;
	v63 =	vmul.f32 $8.000000000e+00, v22  }
0x2e3: {  	s14 =	sand.u32 $0x7, s19;
	v15 =	vadd.s32 v3, v15;
	s29 =	simm.s32 $0xB;
	s17 =	simm.s32 $0xC680;
	v9 =	vand.u32 $0x7C, v20;
	v20 =	vmul.f32 $8.000000000e+00, v23;
	[tilespmem:v60+s22+$0x0] =	vst.idx.msk $0xffff, v14;
	v14 =	vld [tilespmem:s16+$0xFFFFFFB0]  }
0x2e4: {  	v17 =	vadd.s32 v3, v17;
	v22 =	vmov s29;
	v19 =	vld [tilespmem:s17+$0x40];
	s16 =	sor.u32 s14, s28;
	s14 =	simm.s32 $0xC;
	v21 =	vmul.f32 $8.000000000e+00, v61;
	[tilespmem:v62+s22+$0x0] =	vst.idx.msk $0xffff, v63  }
.LBB2_9:
0x2e5: {  	p0 =	slt.u32 s14, $0x7C;
	s19 =	sadd.s32 $0x1, s18;
	v22 =	vand.u32 $0x7F, v22;
	[tilespmem:v18+s22+$0x0] =	vst.idx.msk $0xffff, v20;
	v12 =	vmul.f32 $8.000000000e+00, v12;
	v18 =	vld [tilespmem:s1+$0x60];
	v20 =	vadd.s32 v3, v8;
	v8 =	vmovc v4  }
0x2e6: {  	v4 =	vmovc v9;
	v23 =	vld [tilespmem:s17+$0xFFFFFF80];
	v24 =	vmov s19;
	s19 =	sadd.s32 $0x2, s18;
	v25 =	vadd.s32 v0, v22;
	[tilespmem:v16+s22+$0x0] =	vst.idx.msk $0xffff, v21;
	v13 =	vmul.f32 $8.000000000e+00, v13;
	s18 =	smov.u32 s14  }
0x2e7: {  	v9 =	vld [tilespmem:s17+$0xFFFFFFC0];
	v16 =	vmov s19;
	[tilespmem:v10+s22+$0x0] =	vst.idx.msk $0xffff, v12;
	v10 =	vadd.s32 v2, v5;
	v11 =	vmul.f32 $8.000000000e+00, v11  }
0x2e8: {  	v12 =	vadd.s32 v0, v4;
	v21 =	vand.u32 $0x7D, v24;
	v24 =	vld [tilespmem:s17+$0x0];
	v14 =	vmul.f32 $8.000000000e+00, v14;
	[tilespmem:v15+s22+$0x0] =	vst.idx.msk $0xffff, v13  }
0x2e9: {  	v13 =	vadd.s32 v0, v21;
	v26 =	vand.u32 $0x7E, v16;
	v15 =	vmul.f32 $8.000000000e+00, v19;
	v16 =	vld [tilespmem:s1+$0xFFFFFFE0];
	[tilespmem:v17+s22+$0x0] =	vst.idx.msk $0xffff, v11  }
0x2ea: {  	v11 =	vadd.s32 v0, v26;
	v17 =	vld [tilespmem:s1+$0x20];
	v18 =	vmul.f32 $8.000000000e+00, v18;
	[tilespmem:v20+s22+$0x0] =	vst.idx.msk $0xffff, v14  }
0x2eb: {  	v19 =	vadd.s32 v2, v6;
	v14 =	vmul.f32 $8.000000000e+00, v23;
	[tilespmem:v25+s22+$0x0] =	vst.idx.msk $0xffff, v15;
	v15 =	vld [tilespmem:s1+$0xFFFFFFA0]  }
0x2ec: {  	v23 =	vadd.s32 v2, v7;
	v9 =	vmul.f32 $8.000000000e+00, v9;
	v20 =	vld [tilespmem:s17+$0x50];
	[tilespmem:v10+s22+$0x0] =	vst.idx.msk $0xffff, v18  }
0x2ed: {  	[tilespmem:v12+s22+$0x0] =	vst.idx.msk $0xffff, v14;
	v10 =	vmul.f32 $8.000000000e+00, v24;
	v14 =	vadd.s32 v2, v8;
	v24 =	vld [tilespmem:s1+$0x70]  }
0x2ee: {  	v27 =	vadd.s32 v1, v22;
	v25 =	vld [tilespmem:s17+$0xFFFFFF90];
	[tilespmem:v13+s22+$0x0] =	vst.idx.msk $0xffff, v9;
	v9 =	vmul.f32 $8.000000000e+00, v16  }
0x2ef: {  	v29 =	vadd.s32 v3, v5;
	v5 =	vmov v22;
	v28 =	vld [tilespmem:s17+$0xFFFFFFD0];
	[tilespmem:v11+s22+$0x0] =	vst.idx.msk $0xffff, v10;
	v10 =	vmul.f32 $8.000000000e+00, v17  }
.Ltmp5:
0x2f0: {  	v18 =	vadd.s32 v1, v4;
	v12 =	vld [tilespmem:s17+$0x10];
	v11 =	vmul.f32 $8.000000000e+00, v15;
	[tilespmem:v19+s22+$0x0] =	vst.idx.msk $0xffff, v9;
	(pc) =	sbr.rel @p0 .LBB2_9-.Ltmp5, $4  }
0x2f1: {  	v16 =	vadd.s32 v1, v21;
	v15 =	vmul.f32 $8.000000000e+00, v20;
	v13 =	vld [tilespmem:s1+$0xFFFFFFF0];
	[tilespmem:v23+s22+$0x0] =	vst.idx.msk $0xffff, v10  }
0x2f2: {  	v9 =	vmov s14;
	v10 =	vadd.s32 v1, v26;
	[tilespmem:v14+s22+$0x0] =	vst.idx.msk $0xffff, v11;
	v11 =	vld [tilespmem:s1+$0x30];
	v23 =	vmul.f32 $8.000000000e+00, v24  }
0x2f3: {  	s19 =	sadd.s32 $0x3, s14;
	v9 =	vand.u32 $0x7C, v9;
	v20 =	vmul.f32 $8.000000000e+00, v25;
	[tilespmem:v27+s22+$0x0] =	vst.idx.msk $0xffff, v15;
	v14 =	vld [tilespmem:s1+$0xFFFFFFB0];
	v15 =	vadd.s32 v3, v6;
	v6 =	vmovc v21;
	s1 =	smov.u32 s17;
	s17 =	sadd.s32 $0x100, s17  }
0x2f4: {  	v22 =	vmov s19;
	v17 =	vadd.s32 v3, v7;
	v7 =	vmovc v26;
	s14 =	sadd.s32 $0x4, s14;
	v19 =	vld [tilespmem:s17+$0x40];
	v21 =	vmul.f32 $8.000000000e+00, v28;
	[tilespmem:v29+s22+$0x0] =	vst.idx.msk $0xffff, v23  }
0x2f5: {  	s14 =	sadd.s32 $0x1, s18;
	v22 =	vand.u32 $0x7F, v22;
	v28 =	vld [tilespmem:s17+$0xFFFFFF80]  }
0x2f6: {  	s29 =	sadd.s32 $0x2, s18;
	v24 =	vld [tilespmem:s17+$0xFFFFFFC0];
	v23 =	vmov s14;
	v26 =	vadd.s32 v0, v22  }
0x2f7: {  	v27 =	vld [tilespmem:s17+$0x0];
	v51 =	vadd.s32 v0, v9;
	v25 =	vmov s29;
	v23 =	vand.u32 $0x7D, v23  }
0x2f8: {  	v25 =	vand.u32 $0x7E, v25;
	v29 =	vadd.s32 v0, v23  }
0x2f9: {  	[tilespmem:v18+s22+$0x0] =	vst.idx.msk $0xffff, v20;
	v30 =	vadd.s32 v0, v25;
	v19 =	vmul.f32 $8.000000000e+00, v19  }
0x2fa: {  	[tilespmem:v16+s22+$0x0] =	vst.idx.msk $0xffff, v21;
	v54 =	vmul.f32 $8.000000000e+00, v28  }
0x2fb: {  	v52 =	vmul.f32 $8.000000000e+00, v24;
	[tilespmem:v26+s22+$0x0] =	vst.idx.msk $0xffff, v19  }
0x2fc: {  	v53 =	vmul.f32 $8.000000000e+00, v27;
	v55 =	vld [tilespmem:s17+$0x50];
	[tilespmem:v51+s22+$0x0] =	vst.idx.msk $0xffff, v54  }
0x2fd: {  	v12 =	vmul.f32 $8.000000000e+00, v12;
	v8 =	vadd.s32 v3, v8;
	[tilespmem:v29+s22+$0x0] =	vst.idx.msk $0xffff, v52;
	v59 =	vld [tilespmem:s17+$0xFFFFFF90]  }
0x2fe: {  	v13 =	vmul.f32 $8.000000000e+00, v13;
	v57 =	vadd.s32 v1, v22;
	[tilespmem:v30+s22+$0x0] =	vst.idx.msk $0xffff, v53;
	v56 =	vld [tilespmem:s17+$0xFFFFFFD0]  }
0x2ff: {  	[tilespmem:v10+s22+$0x0] =	vst.idx.msk $0xffff, v12;
	v58 =	vmul.f32 $8.000000000e+00, v11;
	v28 =	vadd.s32 v1, v9;
	v19 =	vld [tilespmem:s17+$0x10]  }
0x300: {  	v61 =	vld [tilespmem:s1+$0x60];
	v60 =	vadd.s32 v1, v23;
	v14 =	vmul.f32 $8.000000000e+00, v14;
	[tilespmem:v15+s22+$0x0] =	vst.idx.msk $0xffff, v13  }
0x301: {  	v32 =	vld [tilespmem:s1+$0xFFFFFFA0];
	v62 =	vadd.s32 v1, v25;
	[tilespmem:v17+s22+$0x0] =	vst.idx.msk $0xffff, v58;
	v16 =	vmul.f32 $8.000000000e+00, v55  }
0x302: {  	[tilespmem:v8+s22+$0x0] =	vst.idx.msk $0xffff, v14;
	v29 =	vadd.s32 v2, v5;
	v30 =	vld [tilespmem:s1+$0x20];
	v11 =	vmul.f32 $8.000000000e+00, v59  }
0x303: {  	v38 =	vadd.s32 v2, v4;
	v63 =	vld [tilespmem:s1+$0xFFFFFFE0];
	v31 =	vmul.f32 $8.000000000e+00, v56;
	[tilespmem:v57+s22+$0x0] =	vst.idx.msk $0xffff, v16  }
0x304: {  	v35 =	vadd.s32 v2, v7;
	v34 =	vmul.f32 $8.000000000e+00, v19;
	v36 =	vld [tilespmem:s17+$0x60];
	[tilespmem:v28+s22+$0x0] =	vst.idx.msk $0xffff, v11  }
0x305: {  	v33 =	vadd.s32 v2, v6;
	v37 =	vmul.f32 $8.000000000e+00, v61;
	[tilespmem:v60+s22+$0x0] =	vst.idx.msk $0xffff, v31;
	v43 =	vld [tilespmem:s17+$0xFFFFFFA0]  }
0x306: {  	v40 =	vadd.s32 v2, v22;
	v14 =	vmul.f32 $8.000000000e+00, v32;
	[tilespmem:v62+s22+$0x0] =	vst.idx.msk $0xffff, v34;
	v39 =	vld [tilespmem:s17+$0xFFFFFFE0]  }
0x307: {  	v48 =	vadd.s32 v2, v9;
	[tilespmem:v29+s22+$0x0] =	vst.idx.msk $0xffff, v37;
	v42 =	vmul.f32 $8.000000000e+00, v30;
	v41 =	vld [tilespmem:s17+$0x20]  }
0x308: {  	v44 =	vadd.s32 v2, v23;
	v15 =	vmul.f32 $8.000000000e+00, v63;
	[tilespmem:v38+s22+$0x0] =	vst.idx.msk $0xffff, v14;
	v45 =	vld [tilespmem:s1+$0x70]  }
0x309: {  	v46 =	vadd.s32 v2, v25;
	v14 =	vld [tilespmem:s1+$0xFFFFFFB0];
	[tilespmem:v35+s22+$0x0] =	vst.idx.msk $0xffff, v42;
	v47 =	vmul.f32 $8.000000000e+00, v36  }
0x30a: {  	v5 =	vadd.s32 v3, v5;
	[tilespmem:v33+s22+$0x0] =	vst.idx.msk $0xffff, v15;
	v49 =	vld [tilespmem:s1+$0x30];
	v53 =	vmul.f32 $8.000000000e+00, v43  }
0x30b: {  	v4 =	vadd.s32 v3, v4;
	v21 =	vld [tilespmem:s1+$0xFFFFFFF0];
	v13 =	vmul.f32 $8.000000000e+00, v39;
	[tilespmem:v40+s22+$0x0] =	vst.idx.msk $0xffff, v47  }
0x30c: {  	v52 =	vadd.s32 v3, v7;
	v51 =	vmul.f32 $8.000000000e+00, v41;
	v10 =	vld [tilespmem:s17+$0x70];
	[tilespmem:v48+s22+$0x0] =	vst.idx.msk $0xffff, v53  }
0x30d: {  	v50 =	vadd.s32 v3, v6;
	v54 =	vmul.f32 $8.000000000e+00, v45;
	[tilespmem:v44+s22+$0x0] =	vst.idx.msk $0xffff, v13;
	v59 =	vld [tilespmem:s17+$0xFFFFFFB0]  }
0x30e: {  	v57 =	vadd.s32 v3, v22;
	v14 =	vmul.f32 $8.000000000e+00, v14;
	[tilespmem:v46+s22+$0x0] =	vst.idx.msk $0xffff, v51;
	v55 =	vld [tilespmem:s17+$0xFFFFFFF0]  }
0x30f: {  	v62 =	vadd.s32 v3, v9;
	[tilespmem:v5+s22+$0x0] =	vst.idx.msk $0xffff, v54;
	v5 =	vmul.f32 $8.000000000e+00, v49;
	v58 =	vld [tilespmem:s17+$0x30]  }
0x310: {  	v56 =	vmul.f32 $8.000000000e+00, v21;
	v60 =	vadd.s32 v3, v23;
	[tilespmem:v4+s22+$0x0] =	vst.idx.msk $0xffff, v14  }
0x311: {  	v61 =	vadd.s32 v3, v25;
	[tilespmem:v52+s22+$0x0] =	vst.idx.msk $0xffff, v5;
	v5 =	vmul.f32 $8.000000000e+00, v10  }
0x312: {  	s0 =	sshll.u32 s0, $0x7;
	[tilespmem:v50+s22+$0x0] =	vst.idx.msk $0xffff, v56;
	v63 =	vmul.f32 $8.000000000e+00, v59  }
0x313: {  	s16 =	sshll.u32 s16, $0x12;
	s0 =	sand.u32 $0x7C00, s0;
	v4 =	vmul.f32 $8.000000000e+00, v55;
	[tilespmem:v57+s22+$0x0] =	vst.idx.msk $0xffff, v5  }
0x314: {  	s0 =	sor.u32 s0, s16;
	v5 =	vmul.f32 $8.000000000e+00, v58;
	[tilespmem:v62+s22+$0x0] =	vst.idx.msk $0xffff, v63  }
0x315: {  	s0 =	sshrl.u32 s0, $0x3;
	[tilespmem:v60+s22+$0x0] =	vst.idx.msk $0xffff, v4  }
0x316: {  	s1 =	sadd.s32 s2, s0;
	[tilespmem:v61+s22+$0x0] =	vst.idx.msk $0xffff, v5  }
0x317: {  	[hbm4b:s1+s3] =	stream.linear.scatter [tilespmem:s22], [sflag:$0x8], $0x80, $0x38;
	[tilespmem:$0x16C00] =	vst v63  }
0x318: {  	s18 =	simm.s32 $0x14A88;
	s17 =	sadd.s32 $0x10, s1  }
0x319: {  	[hbm4b:s17+s3] =	stream.linear.scatter [tilespmem:s18], [sflag:$0x8], $0x80, $0x38;
	[tilespmem:$0x16C00] =	vst v63  }
0x31a: {  	s20 =	simm.s32 $0x14B10;
	s19 =	sadd.s32 $0x20, s1  }
0x31b: {  	[hbm4b:s19+s3] =	stream.linear.scatter [tilespmem:s20], [sflag:$0x8], $0x80, $0x38;
	[tilespmem:$0x16C00] =	vst v63  }
0x31c: {  	s29 =	simm.s32 $0x14B98;
	s28 =	sadd.s32 $0x30, s1  }
0x31d: {  	[hbm4b:s28+s3] =	stream.linear.scatter [tilespmem:s29], [sflag:$0x8], $0x80, $0x38;
	[tilespmem:$0x16C00] =	vst v63  }
0x31e: {  	s16 =	sadd.s32 $0x40, s1;
	s17 =	simm.s32 $0x14C20  }
0x31f: {  	[hbm4b:s16+s3] =	stream.linear.scatter [tilespmem:s17], [sflag:$0x8], $0x80, $0x38;
	[tilespmem:$0x16C00] =	vst v63  }
0x320: {  	s18 =	sadd.s32 $0x50, s1;
	s19 =	simm.s32 $0x14CA8  }
0x321: {  	[hbm4b:s18+s3] =	stream.linear.scatter [tilespmem:s19], [sflag:$0x8], $0x80, $0x38;
	[tilespmem:$0x16C00] =	vst v63  }
0x322: {  	s20 =	sadd.s32 $0x60, s1;
	s28 =	simm.s32 $0x14D30  }
0x323: {  	[hbm4b:s20+s3] =	stream.linear.scatter [tilespmem:s28], [sflag:$0x8], $0x80, $0x38;
	[tilespmem:$0x16C00] =	vst v63  }
0x324: {  	s1 =	sadd.s32 $0x70, s1;
	s29 =	simm.s32 $0x14DB8  }
0x325: {  	[hbm4b:s1+s3] =	stream.linear.scatter [tilespmem:s29], [sflag:$0x8], $0x80, $0x38;
	[tilespmem:$0x16C00] =	vst v63  }
0x326: {  	s16 =	simm.s32 $0x14E40;
	s1 =	sadd.s32 s0, s7  }
0x327: {  	[hbm4b:s1+s3] =	stream.linear.scatter [tilespmem:s16], [sflag:$0x8], $0x80, $0x38;
	[tilespmem:$0x16C00] =	vst v63  }
0x328: {  	s18 =	simm.s32 $0x14EC8;
	s17 =	sadd.s32 $0x10, s1  }
0x329: {  	[hbm4b:s17+s3] =	stream.linear.scatter [tilespmem:s18], [sflag:$0x8], $0x80, $0x38;
	[tilespmem:$0x16C00] =	vst v63  }
0x32a: {  	s20 =	simm.s32 $0x14F50;
	s19 =	sadd.s32 $0x20, s1  }
0x32b: {  	[hbm4b:s19+s3] =	stream.linear.scatter [tilespmem:s20], [sflag:$0x8], $0x80, $0x38;
	[tilespmem:$0x16C00] =	vst v63  }
0x32c: {  	s29 =	simm.s32 $0x14FD8;
	s28 =	sadd.s32 $0x30, s1  }
0x32d: {  	[hbm4b:s28+s3] =	stream.linear.scatter [tilespmem:s29], [sflag:$0x8], $0x80, $0x38;
	[tilespmem:$0x16C00] =	vst v63  }
0x32e: {  	s16 =	sadd.s32 $0x40, s1;
	s17 =	simm.s32 $0x15060  }
0x32f: {  	[hbm4b:s16+s3] =	stream.linear.scatter [tilespmem:s17], [sflag:$0x8], $0x80, $0x38;
	[tilespmem:$0x16C00] =	vst v63  }
0x330: {  	s18 =	sadd.s32 $0x50, s1;
	s19 =	simm.s32 $0x150E8  }
0x331: {  	[hbm4b:s18+s3] =	stream.linear.scatter [tilespmem:s19], [sflag:$0x8], $0x80, $0x38;
	[tilespmem:$0x16C00] =	vst v63  }
0x332: {  	s20 =	sadd.s32 $0x60, s1;
	s28 =	simm.s32 $0x15170  }
0x333: {  	[hbm4b:s20+s3] =	stream.linear.scatter [tilespmem:s28], [sflag:$0x8], $0x80, $0x38;
	[tilespmem:$0x16C00] =	vst v63  }
0x334: {  	s1 =	sadd.s32 $0x70, s1;
	s29 =	simm.s32 $0x151F8  }
0x335: {  	[hbm4b:s1+s3] =	stream.linear.scatter [tilespmem:s29], [sflag:$0x8], $0x80, $0x38;
	[tilespmem:$0x16C00] =	vst v63  }
0x336: {  	s16 =	simm.s32 $0x15280;
	s1 =	sadd.s32 s0, s8  }
0x337: {  	[hbm4b:s1+s3] =	stream.linear.scatter [tilespmem:s16], [sflag:$0x8], $0x80, $0x38;
	[tilespmem:$0x16C00] =	vst v63  }
0x338: {  	s18 =	simm.s32 $0x15308;
	s17 =	sadd.s32 $0x10, s1  }
0x339: {  	[hbm4b:s17+s3] =	stream.linear.scatter [tilespmem:s18], [sflag:$0x8], $0x80, $0x38;
	[tilespmem:$0x16C00] =	vst v63  }
0x33a: {  	s20 =	simm.s32 $0x15390;
	s19 =	sadd.s32 $0x20, s1  }
0x33b: {  	[hbm4b:s19+s3] =	stream.linear.scatter [tilespmem:s20], [sflag:$0x8], $0x80, $0x38;
	[tilespmem:$0x16C00] =	vst v63  }
0x33c: {  	s29 =	simm.s32 $0x15418;
	s28 =	sadd.s32 $0x30, s1  }
0x33d: {  	[hbm4b:s28+s3] =	stream.linear.scatter [tilespmem:s29], [sflag:$0x8], $0x80, $0x38;
	[tilespmem:$0x16C00] =	vst v63  }
0x33e: {  	s16 =	sadd.s32 $0x40, s1;
	s17 =	simm.s32 $0x154A0  }
0x33f: {  	[hbm4b:s16+s3] =	stream.linear.scatter [tilespmem:s17], [sflag:$0x8], $0x80, $0x38;
	[tilespmem:$0x16C00] =	vst v63  }
0x340: {  	s18 =	sadd.s32 $0x50, s1;
	s19 =	simm.s32 $0x15528  }
0x341: {  	[hbm4b:s18+s3] =	stream.linear.scatter [tilespmem:s19], [sflag:$0x8], $0x80, $0x38;
	[tilespmem:$0x16C00] =	vst v63  }
0x342: {  	s20 =	sadd.s32 $0x60, s1;
	s28 =	simm.s32 $0x155B0  }
0x343: {  	[hbm4b:s20+s3] =	stream.linear.scatter [tilespmem:s28], [sflag:$0x8], $0x80, $0x38;
	[tilespmem:$0x16C00] =	vst v63  }
0x344: {  	s1 =	sadd.s32 $0x70, s1;
	s29 =	simm.s32 $0x15638  }
0x345: {  	[hbm4b:s1+s3] =	stream.linear.scatter [tilespmem:s29], [sflag:$0x8], $0x80, $0x38;
	[tilespmem:$0x16C00] =	vst v63  }
0x346: {  	s16 =	simm.s32 $0x156C0;
	s1 =	sadd.s32 s0, s9  }
0x347: {  	[hbm4b:s1+s3] =	stream.linear.scatter [tilespmem:s16], [sflag:$0x8], $0x80, $0x38;
	[tilespmem:$0x16C00] =	vst v63  }
0x348: {  	s18 =	simm.s32 $0x15748;
	s17 =	sadd.s32 $0x10, s1  }
0x349: {  	[hbm4b:s17+s3] =	stream.linear.scatter [tilespmem:s18], [sflag:$0x8], $0x80, $0x38;
	[tilespmem:$0x16C00] =	vst v63  }
0x34a: {  	s20 =	simm.s32 $0x157D0;
	s19 =	sadd.s32 $0x20, s1  }
0x34b: {  	[hbm4b:s19+s3] =	stream.linear.scatter [tilespmem:s20], [sflag:$0x8], $0x80, $0x38;
	[tilespmem:$0x16C00] =	vst v63  }
0x34c: {  	s29 =	simm.s32 $0x15858;
	s28 =	sadd.s32 $0x30, s1  }
0x34d: {  	[hbm4b:s28+s3] =	stream.linear.scatter [tilespmem:s29], [sflag:$0x8], $0x80, $0x38;
	[tilespmem:$0x16C00] =	vst v63  }
0x34e: {  	s16 =	sadd.s32 $0x40, s1;
	s17 =	simm.s32 $0x158E0  }
0x34f: {  	[hbm4b:s16+s3] =	stream.linear.scatter [tilespmem:s17], [sflag:$0x8], $0x80, $0x38;
	[tilespmem:$0x16C00] =	vst v63  }
0x350: {  	s18 =	sadd.s32 $0x50, s1;
	s19 =	simm.s32 $0x15968  }
0x351: {  	[hbm4b:s18+s3] =	stream.linear.scatter [tilespmem:s19], [sflag:$0x8], $0x80, $0x38;
	[tilespmem:$0x16C00] =	vst v63  }
0x352: {  	s20 =	sadd.s32 $0x60, s1;
	s28 =	simm.s32 $0x159F0  }
0x353: {  	[hbm4b:s20+s3] =	stream.linear.scatter [tilespmem:s28], [sflag:$0x8], $0x80, $0x38;
	[tilespmem:$0x16C00] =	vst v63  }
0x354: {  	s1 =	sadd.s32 $0x70, s1;
	s29 =	simm.s32 $0x15A78  }
0x355: {  	[hbm4b:s1+s3] =	stream.linear.scatter [tilespmem:s29], [sflag:$0x8], $0x80, $0x38;
	[tilespmem:$0x16C00] =	vst v63  }
0x356: {  	s16 =	simm.s32 $0x15B00;
	s1 =	sadd.s32 s0, s10  }
0x357: {  	[hbm4b:s1+s3] =	stream.linear.scatter [tilespmem:s16], [sflag:$0x8], $0x80, $0x38;
	[tilespmem:$0x16C00] =	vst v63  }
0x358: {  	s18 =	simm.s32 $0x15B88;
	s17 =	sadd.s32 $0x10, s1  }
0x359: {  	[hbm4b:s17+s3] =	stream.linear.scatter [tilespmem:s18], [sflag:$0x8], $0x80, $0x38;
	[tilespmem:$0x16C00] =	vst v63  }
0x35a: {  	s20 =	simm.s32 $0x15C10;
	s19 =	sadd.s32 $0x20, s1  }
0x35b: {  	[hbm4b:s19+s3] =	stream.linear.scatter [tilespmem:s20], [sflag:$0x8], $0x80, $0x38;
	[tilespmem:$0x16C00] =	vst v63  }
0x35c: {  	s29 =	simm.s32 $0x15C98;
	s28 =	sadd.s32 $0x30, s1  }
0x35d: {  	[hbm4b:s28+s3] =	stream.linear.scatter [tilespmem:s29], [sflag:$0x8], $0x80, $0x38;
	[tilespmem:$0x16C00] =	vst v63  }
0x35e: {  	s16 =	sadd.s32 $0x40, s1;
	s17 =	simm.s32 $0x15D20  }
0x35f: {  	[hbm4b:s16+s3] =	stream.linear.scatter [tilespmem:s17], [sflag:$0x8], $0x80, $0x38;
	[tilespmem:$0x16C00] =	vst v63  }
0x360: {  	s18 =	sadd.s32 $0x50, s1;
	s19 =	simm.s32 $0x15DA8  }
0x361: {  	[hbm4b:s18+s3] =	stream.linear.scatter [tilespmem:s19], [sflag:$0x8], $0x80, $0x38;
	[tilespmem:$0x16C00] =	vst v63  }
0x362: {  	s20 =	sadd.s32 $0x60, s1;
	s28 =	simm.s32 $0x15E30  }
0x363: {  	[hbm4b:s20+s3] =	stream.linear.scatter [tilespmem:s28], [sflag:$0x8], $0x80, $0x38;
	[tilespmem:$0x16C00] =	vst v63  }
0x364: {  	s1 =	sadd.s32 $0x70, s1;
	s29 =	simm.s32 $0x15EB8  }
0x365: {  	[hbm4b:s1+s3] =	stream.linear.scatter [tilespmem:s29], [sflag:$0x8], $0x80, $0x38;
	[tilespmem:$0x16C00] =	vst v63  }
0x366: {  	s16 =	simm.s32 $0x15F40;
	s1 =	sadd.s32 s0, s11  }
0x367: {  	[hbm4b:s1+s3] =	stream.linear.scatter [tilespmem:s16], [sflag:$0x8], $0x80, $0x38;
	[tilespmem:$0x16C00] =	vst v63  }
0x368: {  	s18 =	simm.s32 $0x15FC8;
	s17 =	sadd.s32 $0x10, s1  }
0x369: {  	[hbm4b:s17+s3] =	stream.linear.scatter [tilespmem:s18], [sflag:$0x8], $0x80, $0x38;
	[tilespmem:$0x16C00] =	vst v63  }
0x36a: {  	s20 =	simm.s32 $0x16050;
	s19 =	sadd.s32 $0x20, s1  }
0x36b: {  	[hbm4b:s19+s3] =	stream.linear.scatter [tilespmem:s20], [sflag:$0x8], $0x80, $0x38;
	[tilespmem:$0x16C00] =	vst v63  }
0x36c: {  	s29 =	simm.s32 $0x160D8;
	s28 =	sadd.s32 $0x30, s1  }
0x36d: {  	[hbm4b:s28+s3] =	stream.linear.scatter [tilespmem:s29], [sflag:$0x8], $0x80, $0x38;
	[tilespmem:$0x16C00] =	vst v63  }
0x36e: {  	s16 =	sadd.s32 $0x40, s1;
	s17 =	simm.s32 $0x16160  }
0x36f: {  	[hbm4b:s16+s3] =	stream.linear.scatter [tilespmem:s17], [sflag:$0x8], $0x80, $0x38;
	[tilespmem:$0x16C00] =	vst v63  }
0x370: {  	s18 =	sadd.s32 $0x50, s1;
	s19 =	simm.s32 $0x161E8  }
0x371: {  	[hbm4b:s18+s3] =	stream.linear.scatter [tilespmem:s19], [sflag:$0x8], $0x80, $0x38;
	[tilespmem:$0x16C00] =	vst v63  }
0x372: {  	s20 =	sadd.s32 $0x60, s1;
	s28 =	simm.s32 $0x16270  }
0x373: {  	[hbm4b:s20+s3] =	stream.linear.scatter [tilespmem:s28], [sflag:$0x8], $0x80, $0x38;
	[tilespmem:$0x16C00] =	vst v63  }
0x374: {  	s1 =	sadd.s32 $0x70, s1;
	s29 =	simm.s32 $0x162F8  }
0x375: {  	[hbm4b:s1+s3] =	stream.linear.scatter [tilespmem:s29], [sflag:$0x8], $0x80, $0x38;
	[tilespmem:$0x16C00] =	vst v63  }
0x376: {  	s16 =	simm.s32 $0x16380;
	s1 =	sadd.s32 s0, s12  }
0x377: {  	[hbm4b:s1+s3] =	stream.linear.scatter [tilespmem:s16], [sflag:$0x8], $0x80, $0x38;
	[tilespmem:$0x16C00] =	vst v63  }
0x378: {  	s18 =	simm.s32 $0x16408;
	s17 =	sadd.s32 $0x10, s1  }
0x379: {  	[hbm4b:s17+s3] =	stream.linear.scatter [tilespmem:s18], [sflag:$0x8], $0x80, $0x38;
	[tilespmem:$0x16C00] =	vst v63  }
0x37a: {  	s20 =	simm.s32 $0x16490;
	s19 =	sadd.s32 $0x20, s1  }
0x37b: {  	[hbm4b:s19+s3] =	stream.linear.scatter [tilespmem:s20], [sflag:$0x8], $0x80, $0x38;
	[tilespmem:$0x16C00] =	vst v63  }
0x37c: {  	s29 =	simm.s32 $0x16518;
	s28 =	sadd.s32 $0x30, s1  }
0x37d: {  	[hbm4b:s28+s3] =	stream.linear.scatter [tilespmem:s29], [sflag:$0x8], $0x80, $0x38;
	[tilespmem:$0x16C00] =	vst v63  }
0x37e: {  	s16 =	sadd.s32 $0x40, s1;
	s17 =	simm.s32 $0x165A0  }
0x37f: {  	[hbm4b:s16+s3] =	stream.linear.scatter [tilespmem:s17], [sflag:$0x8], $0x80, $0x38;
	[tilespmem:$0x16C00] =	vst v63  }
0x380: {  	s18 =	sadd.s32 $0x50, s1;
	s19 =	simm.s32 $0x16628  }
0x381: {  	[hbm4b:s18+s3] =	stream.linear.scatter [tilespmem:s19], [sflag:$0x8], $0x80, $0x38;
	[tilespmem:$0x16C00] =	vst v63  }
0x382: {  	s20 =	sadd.s32 $0x60, s1;
	s28 =	simm.s32 $0x166B0  }
0x383: {  	[hbm4b:s20+s3] =	stream.linear.scatter [tilespmem:s28], [sflag:$0x8], $0x80, $0x38;
	[tilespmem:$0x16C00] =	vst v63  }
0x384: {  	s1 =	sadd.s32 $0x70, s1;
	s29 =	simm.s32 $0x16738  }
0x385: {  	[hbm4b:s1+s3] =	stream.linear.scatter [tilespmem:s29], [sflag:$0x8], $0x80, $0x38;
	[tilespmem:$0x16C00] =	vst v63  }
0x386: {  	s0 =	sadd.s32 s0, s13;
	s16 =	simm.s32 $0x167C0  }
0x387: {  	[hbm4b:s0+s3] =	stream.linear.scatter [tilespmem:s16], [sflag:$0x8], $0x80, $0x38;
	[tilespmem:$0x16C00] =	vst v63  }
0x388: {  	s17 =	sadd.s32 $0x10, s0;
	s18 =	simm.s32 $0x16848  }
0x389: {  	[hbm4b:s17+s3] =	stream.linear.scatter [tilespmem:s18], [sflag:$0x8], $0x80, $0x38;
	[tilespmem:$0x16C00] =	vst v63  }
0x38a: {  	s19 =	sadd.s32 $0x20, s0;
	s20 =	simm.s32 $0x168D0  }
0x38b: {  	[hbm4b:s19+s3] =	stream.linear.scatter [tilespmem:s20], [sflag:$0x8], $0x80, $0x38;
	[tilespmem:$0x16C00] =	vst v63  }
0x38c: {  	s28 =	sadd.s32 $0x30, s0;
	s29 =	simm.s32 $0x16958  }
0x38d: {  	[hbm4b:s28+s3] =	stream.linear.scatter [tilespmem:s29], [sflag:$0x8], $0x80, $0x38;
	[tilespmem:$0x16C00] =	vst v63  }
0x38e: {  	s16 =	sadd.s32 $0x40, s0;
	s17 =	simm.s32 $0x169E0  }
0x38f: {  	[hbm4b:s16+s3] =	stream.linear.scatter [tilespmem:s17], [sflag:$0x8], $0x80, $0x38;
	[tilespmem:$0x16C00] =	vst v63  }
0x390: {  	s18 =	sadd.s32 $0x50, s0;
	s19 =	simm.s32 $0x16A68  }
0x391: {  	[hbm4b:s18+s3] =	stream.linear.scatter [tilespmem:s19], [sflag:$0x8], $0x80, $0x38;
	[tilespmem:$0x16C00] =	vst v63  }
.Ltmp6:
0x392: {  	_ = 	snop;
	(pc) =	sbr.rel @p1 .LBB2_12-.Ltmp6, $4  }
0x393: {  	s20 =	sadd.s32 $0x60, s0;
	s28 =	simm.s32 $0x16AF0  }
0x394: {  	[hbm4b:s20+s3] =	stream.linear.scatter [tilespmem:s28], [sflag:$0x8], $0x80, $0x38;
	[tilespmem:$0x16C00] =	vst v63  }
0x395: {  	s0 =	sadd.s32 $0x70, s0;
	s29 =	simm.s32 $0x16B78  }
0x396: {  	[hbm4b:s0+s3] =	stream.linear.scatter [tilespmem:s29], [sflag:$0x8], $0x80, $0x38;
	[tilespmem:$0x16C00] =	vst v63  }
.Ltmp7:
0x397: {  	(pc) =	sbr.rel .LBB2_2-.Ltmp7, $4  }
0x398: {  	s0 =	sshll.u32 s31, $0x9  }
0x399: {  	s0 =	sand.u32 $0x3FFFFE00, s0  }
0x39a: {  	s1 =	simm.s32 $0xC400;
	s31 =	sadd.s32 $0x1, s31;
	s0 =	sadd.s32 $0x380, s0  }
0x39b: {  	[tilespmem:s1], [sflag:$0x4] =	stream.indirect.gather [hbm4b:s4+s30], $0x40, s0, s30, $0xb8;
	[tilespmem:$0x16C00] =	vst v63  }
.LBB2_13:
0x39c: {  	_ =	sfence.sel $0x180000  }
0x39d: {  	[bflag:$0x0] =	sbarrier.arrive $0xFFFF  }
0x39e: {  	_ =	strace $0x90000047  }
0x39f: {  	s0 =	stileid.u32;
	[bflag:$0x2] =	sbarrier.arrive $0xFFFF  }
0x3a0: {  	p0 =	sne.s32 s0, $0x0;
	s0 =	rddreg [dreg:$0x3]  }
0x3a1: {  	s0 =	sadd.s32 @!p0 $0x100000, s0  }
0x3a2: {  	[sflag:s0] =	ssyncadd.tile.s32 @!p0 $0x1;
	_ =	shalt  }
.Lfunc_end2:
_tile_overlayer_lowered:
.L_overlay_start_2:
0x3a3: {  	(tag) =	ssettag $0x2  }
0x3a4: {  	s0 =	rddreg [dreg:$0x0];
	s2 =	stileid.u32  }
0x3a5: {  	s1 =	rddreg [dreg:$0x1];
	p0 =	sne.s32 s2, $0x0  }
0x3a6: {  	s3 =	rddreg [dreg:$0x2];
	[bflag:$0x3] =	sbarrier.arrive $0xFFFF;
	s2 =	simm.s32 @!p0 $0x1C09  }
0x3a7: {  	[timem:s3], [sflag:s2] =	dma.local @!p0 [hbm:s0], s1  }
0x3a8: {  	s0 =	simm.s32 @!p0 $0x9  }
0x3a9: {  	_ =	swait.ge @!p0 [sflag:s0], s1  }
0x3aa: {  	s1 =	ssub.s32 @!p0 $0x0, s1;
	[sflag:s0] =	ssyncset.done @!p0 $0x0  }
0x3ab: {  	[sflag:s0] =	ssyncadd.s32 @!p0 s1  }
0x3ac: {  	[bflag:$0x3] =	sbarrier.arrive $0xFFFF  }
0x3ad: {  	_ =	shalt  }

</sc_bundles>
